<compile_context>
chip_gen: v7x
topology: tpu7x:2x2x1
jax: 0.10.2.dev20260603
libtpu: 0.0.44.dev20260713+nightly
codegen_flags: <defaults>
</compile_context>

<pallas_src>
import functools

import jax
import jax.numpy as jnp
from jax import lax
from jax.experimental import pallas as pl
from jax.experimental.pallas import tpu as pltpu
from jax.experimental.pallas import tpu_sc as plsc

F32 = jnp.float32
_NSUB = 16
_K = 128
_B = 2000


def _row_split(N):
    r0 = -(-((N + _NSUB - 1) // _NSUB) // 8) * 8
    last = N - (_NSUB - 1) * r0
    assert last > 0 and last % 8 == 0 and N % 8 == 0
    return r0, last


@functools.cache
def _sc_eadeg(N, E, EF):
    eps = E // _NSUB
    nfull = eps // _K
    tail = eps % _K
    r0, rlast = _row_split(N)
    mesh = plsc.VectorSubcoreMesh(core_axis_name="c", subcore_axis_name="s")

    def body(ea_hbm, dst_hbm, ones_hbm, z_hbm, out_hbm, acc, vbuf, dbuf, dtail):
        c = lax.axis_index("c")
        s = lax.axis_index("s")

        @pl.when(s < _NSUB - 1)
        def _():
            pltpu.sync_copy(z_hbm, acc.at[pl.ds(s * r0, r0)])

        @pl.when(s == _NSUB - 1)
        def _():
            pltpu.sync_copy(z_hbm.at[pl.ds(0, rlast)],
                            acc.at[pl.ds((_NSUB - 1) * r0, rlast)])
        pltpu.sync_copy(ones_hbm, vbuf)
        plsc.subcore_barrier()
        base = s * eps

        def step(j, carry):
            off = base + j * _K
            pltpu.sync_copy(dst_hbm.at[pl.ds(off, _K)], dbuf)

            @pl.when(c == 0)
            def _():
                pltpu.sync_copy(ea_hbm.at[pl.ds(off, _K)], vbuf)

            pltpu.sync_copy(vbuf, acc.at[dbuf], add=True)
            return carry

        lax.fori_loop(0, nfull, step, 0)
        if tail:
            off = base + nfull * _K
            pltpu.sync_copy(dst_hbm.at[pl.ds(off, tail)], dtail)

            @pl.when(c == 0)
            def _():
                pltpu.sync_copy(ea_hbm.at[pl.ds(off, tail)],
                                vbuf.at[pl.ds(0, tail)])

            pltpu.sync_copy(vbuf.at[pl.ds(0, tail)], acc.at[dtail], add=True)
        plsc.subcore_barrier()

        @pl.when(s < _NSUB - 1)
        def _():
            pltpu.sync_copy(acc.at[pl.ds(s * r0, r0)],
                            out_hbm.at[c, pl.ds(s * r0, r0)])

        @pl.when(s == _NSUB - 1)
        def _():
            pltpu.sync_copy(acc.at[pl.ds((_NSUB - 1) * r0, rlast)],
                            out_hbm.at[c, pl.ds((_NSUB - 1) * r0, rlast)])

    return pl.kernel(
        body,
        out_type=jax.ShapeDtypeStruct((2, N, EF), F32),
        mesh=mesh,
        compiler_params=pltpu.CompilerParams(use_tc_tiling_on_sc=False),
        scratch_types=[
            pltpu.VMEM_SHARED((N, EF), F32),
            pltpu.VMEM((_K, EF), F32),
            pltpu.VMEM((_K,), jnp.int32),
            pltpu.VMEM((max(tail, 16),), jnp.int32),
        ],
    )


BF16 = jnp.bfloat16


@functools.cache
def _sc_seg(N, E):
    eps = E // _NSUB
    nfull = eps // _K
    tail = eps % _K
    npairs = nfull // 2
    assert nfull == 2 * npairs
    r0, rlast = _row_split(N)
    mesh = plsc.VectorSubcoreMesh(core_axis_name="c", subcore_axis_name="s")

    def body(xh_hbm, src_hbm, dst_hbm, z_hbm, out_hbm, acc,
             gbufA, gbufB, sidxA, sidxB, gidxA, gidxB, didxA, didxB, dtail,
             semA, semB, semIA, semIB):
        c = lax.axis_index("c")
        s = lax.axis_index("s")
        base_row = c * N

        @pl.when(s < _NSUB - 1)
        def _():
            pltpu.sync_copy(z_hbm, acc.at[pl.ds(s * r0, r0)])

        @pl.when(s == _NSUB - 1)
        def _():
            pltpu.sync_copy(z_hbm.at[pl.ds(0, rlast)],
                            acc.at[pl.ds((_NSUB - 1) * r0, rlast)])

        plsc.subcore_barrier()
        base = s * eps

        def load_idx(j, sidx, didx, semI):
            off = base + j * _K
            pltpu.async_copy(src_hbm.at[pl.ds(off, _K)], sidx, semI)
            pltpu.async_copy(dst_hbm.at[pl.ds(off, _K)], didx, semI)

        def wait_idx(j, sidx, didx, semI):
            off = base + j * _K
            pltpu.make_async_copy(src_hbm.at[pl.ds(off, _K)], sidx, semI).wait()
            pltpu.make_async_copy(dst_hbm.at[pl.ds(off, _K)], didx, semI).wait()

        def compute_gidx(sidx, gidx, n16=_K // 16):
            for t in range(n16):
                sl = pl.ds(t * 16, 16)
                gidx[sl] = sidx[sl] + base_row

        def start_gather(gidx, gbuf, sem):
            pltpu.async_copy(xh_hbm.at[gidx], gbuf, sem)

        def wait_gather(gbuf, sem):
            pltpu.make_async_copy(xh_hbm.at[pl.ds(0, _K)], gbuf, sem).wait()

        def scatter(gbuf, didx):
            pltpu.sync_copy(gbuf, acc.at[didx], add=True)

        load_idx(0, sidxA, didxA, semIA)

        def pair(i, carry):
            j0 = 2 * i

            @pl.when(i > 0)
            def _():
                wait_gather(gbufB, semB)
                scatter(gbufB, didxB)

            load_idx(j0 + 1, sidxB, didxB, semIB)
            wait_idx(j0, sidxA, didxA, semIA)
            compute_gidx(sidxA, gidxA)
            start_gather(gidxA, gbufA, semA)
            wait_idx(j0 + 1, sidxB, didxB, semIB)
            compute_gidx(sidxB, gidxB)
            wait_gather(gbufA, semA)
            scatter(gbufA, didxA)
            start_gather(gidxB, gbufB, semB)

            @pl.when(i + 1 < npairs)
            def _():
                load_idx(j0 + 2, sidxA, didxA, semIA)

            return carry

        lax.fori_loop(0, npairs, pair, 0)
        wait_gather(gbufB, semB)
        scatter(gbufB, didxB)
        if tail:
            off = base + nfull * _K
            pltpu.sync_copy(src_hbm.at[pl.ds(off, tail)],
                            sidxA.at[pl.ds(0, tail)])
            pltpu.sync_copy(dst_hbm.at[pl.ds(off, tail)], dtail)
            compute_gidx(sidxA, gidxA, tail // 16)
            pltpu.async_copy(xh_hbm.at[gidxA.at[pl.ds(0, tail)]],
                             gbufA.at[pl.ds(0, tail)], semA).wait()
            pltpu.sync_copy(gbufA.at[pl.ds(0, tail)], acc.at[dtail], add=True)
        plsc.subcore_barrier()

        @pl.when(s < _NSUB - 1)
        def _():
            pltpu.sync_copy(acc.at[pl.ds(s * r0, r0)],
                            out_hbm.at[c, pl.ds(s * r0, r0)])

        @pl.when(s == _NSUB - 1)
        def _():
            pltpu.sync_copy(acc.at[pl.ds((_NSUB - 1) * r0, rlast)],
                            out_hbm.at[c, pl.ds((_NSUB - 1) * r0, rlast)])

    return pl.kernel(
        body,
        out_type=jax.ShapeDtypeStruct((2, N, 32), BF16),
        mesh=mesh,
        compiler_params=pltpu.CompilerParams(use_tc_tiling_on_sc=False),
        scratch_types=[
            pltpu.VMEM_SHARED((N, 32), BF16),
            pltpu.VMEM((_K, 32), BF16),
            pltpu.VMEM((_K, 32), BF16),
            pltpu.VMEM((_K,), jnp.int32),
            pltpu.VMEM((_K,), jnp.int32),
            pltpu.VMEM((_K,), jnp.int32),
            pltpu.VMEM((_K,), jnp.int32),
            pltpu.VMEM((_K,), jnp.int32),
            pltpu.VMEM((_K,), jnp.int32),
            pltpu.VMEM((max(tail, 16),), jnp.int32),
            pltpu.SemaphoreType.DMA,
            pltpu.SemaphoreType.DMA,
            pltpu.SemaphoreType.DMA,
            pltpu.SemaphoreType.DMA,
        ],
    )


def _tc_in(x, Wn, bn):
    N, Fin = x.shape

    def body(x_ref, w_ref, b_ref, o_ref):
        xp = jnp.dot(x_ref[...], w_ref[...], preferred_element_type=F32) \
            + b_ref[...]
        xb = xp.astype(BF16)
        o_ref[0] = xb[:, :32]
        o_ref[1] = xb[:, 32:]

    return pl.pallas_call(
        body,
        grid=(N // _B,),
        in_specs=[
            pl.BlockSpec((_B, Fin), lambda i: (i, 0)),
            pl.BlockSpec((Fin, 64), lambda i: (0, 0)),
            pl.BlockSpec((1, 64), lambda i: (0, 0)),
        ],
        out_specs=pl.BlockSpec((2, _B, 32), lambda i: (0, i, 0)),
        out_shape=jax.ShapeDtypeStruct((2, N, 32), BF16),
    )(x, Wn, bn.reshape(1, 64))


def _layer_z(xh_ref, s_ref, ed_ref, a_ref, bm_ref, c_ref, d_ref, cp_ref, bu_ref):
    xp = jnp.concatenate([xh_ref[0], xh_ref[1]], axis=1).astype(F32)
    sf = jnp.concatenate([s_ref[0], s_ref[1]], axis=1).astype(F32)
    ea = ed_ref[0]
    deg = ed_ref[1][:, 0:1] + 1.0
    z = (jnp.dot(xp, a_ref[...], preferred_element_type=F32)
         + (jnp.dot(xp, bm_ref[...], preferred_element_type=F32)
            + cp_ref[...]) * deg
         + jnp.dot(ea, c_ref[...], preferred_element_type=F32)
         + jnp.dot(sf, d_ref[...], preferred_element_type=F32)
         + bu_ref[...])
    return jnp.maximum(z, 0.0)


def _tc_mid(xh, S, eadeg, A, Bm, C, D, cp, bu, Wn2, bn2):
    N = xh.shape[1]

    def body(xh_ref, s_ref, ed_ref, a_ref, bm_ref, c_ref, d_ref, cp_ref,
             bu_ref, wn_ref, bn_ref, o_ref):
        h = _layer_z(xh_ref, s_ref, ed_ref, a_ref, bm_ref, c_ref, d_ref,
                     cp_ref, bu_ref)
        xpn = jnp.dot(h, wn_ref[...], preferred_element_type=F32) + bn_ref[...]
        xb = xpn.astype(BF16)
        o_ref[0] = xb[:, :32]
        o_ref[1] = xb[:, 32:]

    wspec = lambda shape: pl.BlockSpec(shape, lambda i: (0, 0))
    return pl.pallas_call(
        body,
        grid=(N // _B,),
        in_specs=[
            pl.BlockSpec((2, _B, 32), lambda i: (0, i, 0)),
            pl.BlockSpec((2, _B, 32), lambda i: (0, i, 0)),
            pl.BlockSpec((2, _B, 16), lambda i: (0, i, 0)),
            wspec((64, 64)), wspec((64, 64)), wspec((16, 64)), wspec((64, 64)),
            wspec((1, 64)), wspec((1, 64)), wspec((64, 64)), wspec((1, 64)),
        ],
        out_specs=pl.BlockSpec((2, _B, 32), lambda i: (0, i, 0)),
        out_shape=jax.ShapeDtypeStruct((2, N, 32), BF16),
    )(xh, S, eadeg, A, Bm, C, D, cp, bu, Wn2, bn2.reshape(1, 64))


def _tc_fin(xh, S, eadeg, batch, A, Bm, C, D, cp, bu, G=64):
    N = xh.shape[1]
    nb = N // _B
    batch3 = batch.reshape(nb, 1, _B)

    def body(xh_ref, s_ref, ed_ref, b_ref, a_ref, bm_ref, c_ref, d_ref,
             cp_ref, bu_ref, o_ref, cnt_ref):
        i = pl.program_id(0)
        h = _layer_z(xh_ref, s_ref, ed_ref, a_ref, bm_ref, c_ref, d_ref,
                     cp_ref, bu_ref)
        b = b_ref[0, 0, :]
        iot = lax.broadcasted_iota(jnp.int32, (_B, G), 1)
        onehot = (b[:, None] == iot).astype(F32)

        @pl.when(i == 0)
        def _():
            o_ref[...] = jnp.zeros((G, 64), F32)
            cnt_ref[...] = jnp.zeros((8, G), F32)

        o_ref[...] += lax.dot_general(
            onehot, h, (((0,), (0,)), ((), ())), preferred_element_type=F32)
        cnt_ref[0, :] += jnp.sum(onehot, axis=0)

        @pl.when(i == nb - 1)
        def _():
            o_ref[...] = o_ref[...] / jnp.maximum(cnt_ref[0, :], 1.0)[:, None]

    wspec = lambda shape: pl.BlockSpec(shape, lambda i: (0, 0))
    return pl.pallas_call(
        body,
        grid=(nb,),
        in_specs=[
            pl.BlockSpec((2, _B, 32), lambda i: (0, i, 0)),
            pl.BlockSpec((2, _B, 32), lambda i: (0, i, 0)),
            pl.BlockSpec((2, _B, 16), lambda i: (0, i, 0)),
            pl.BlockSpec((1, 1, _B), lambda i: (i, 0, 0)),
            wspec((64, 64)), wspec((64, 64)), wspec((16, 64)), wspec((64, 64)),
            wspec((1, 64)), wspec((1, 64)),
        ],
        out_specs=pl.BlockSpec((G, 64), lambda i: (0, 0)),
        out_shape=jax.ShapeDtypeStruct((G, 64), F32),
        scratch_shapes=[pltpu.VMEM((8, G), F32)],
    )(xh, S, eadeg, batch3, A, Bm, C, D, cp, bu)


def _fuse(p):
    H = p['Wn'].shape[1]
    Wm1, Wm2, Wm3 = p['Wm'][:H], p['Wm'][H:2 * H], p['Wm'][2 * H:]
    Wu1, Wu2 = p['Wu'][:H], p['Wu'][H:]
    D = Wm3 @ Wu2
    A = Wu1 + D
    Bm = Wm1 @ Wu2
    cp = (p['bm'] + p['be'] @ Wm2) @ Wu2
    C = p['We'] @ Wm2 @ Wu2
    return A, Bm, C, D, cp.reshape(1, H), p['bu'].reshape(1, H)


def kernel(x, edge_index, edge_attr, batch, params):
    N = x.shape[0]
    E = edge_index.shape[1]
    EF = edge_attr.shape[1]
    src = edge_index[0]
    dst = edge_index[1]
    r0, _unused = _row_split(N)
    ones16 = jnp.ones((_K, EF), F32)
    z16 = jnp.zeros((r0, EF), F32)
    z32 = jnp.zeros((r0, 32), BF16)

    eadeg = _sc_eadeg(N, E, EF)(edge_attr, dst, ones16, z16)
    p1, p2, p3 = params['c1'], params['c2'], params['c3']
    xh = _tc_in(x, p1['Wn'], p1['bn'])
    seg = _sc_seg(N, E)
    out = None
    for li, p in enumerate((p1, p2, p3)):
        A, Bm, C, D, cp, bu = _fuse(p)
        S = seg(xh.reshape(2 * N, 32), src, dst, z32)
        if li < 2:
            pn = (p2, p3)[li]
            xh = _tc_mid(xh, S, eadeg, A, Bm, C, D, cp, bu, pn['Wn'], pn['bn'])
        else:
            out = _tc_fin(xh, S, eadeg, batch, A, Bm, C, D, cp, bu)
    return out

# --- scband reference (transcript-rebuilt; emitter-appended) ---
"""Pipeline reference for scband-mpnn-3315714752875 (READ-ONLY COPY).

The authoritative reference and input builder live on the scoring server;
editing this copy changes nothing except your own understanding.
"""

import jax, jax.numpy as jnp
import numpy as np

N = 50000
E = 800000
F = 128
H = 64
EF = 16
G = 64


def _make_conv_params(key, in_c, out_c, ef):
    ks = jax.random.split(key, 8)
    s_n = 1.0 / np.sqrt(in_c)
    s_e = 1.0 / np.sqrt(ef)
    s_m = 1.0 / np.sqrt(3 * out_c)
    s_u = 1.0 / np.sqrt(2 * out_c)
    return {
        'Wn': jax.random.normal(ks[0], (in_c, out_c), jnp.float32) * s_n,
        'bn': jax.random.normal(ks[1], (out_c,), jnp.float32) * s_n,
        'We': jax.random.normal(ks[2], (ef, out_c), jnp.float32) * s_e,
        'be': jax.random.normal(ks[3], (out_c,), jnp.float32) * s_e,
        'Wm': jax.random.normal(ks[4], (3 * out_c, out_c), jnp.float32) * s_m,
        'bm': jax.random.normal(ks[5], (out_c,), jnp.float32) * s_m,
        'Wu': jax.random.normal(ks[6], (2 * out_c, out_c), jnp.float32) * s_u,
        'bu': jax.random.normal(ks[7], (out_c,), jnp.float32) * s_u,
    }


def setup_inputs(seed: int = 0) -> dict:
    key = jax.random.key(seed)
    ks = jax.random.split(key, 8)
    x = jax.random.normal(ks[0], (N, F), jnp.float32)
    edge_index = jax.random.randint(ks[1], (2, E), 0, N, jnp.int32)
    edge_attr = jax.random.normal(ks[2], (E, EF), jnp.float32)
    batch = jnp.sort(jax.random.randint(ks[3], (N,), 0, G, jnp.int32))
    params = {
        'c1': _make_conv_params(ks[4], F, H, EF),
        'c2': _make_conv_params(ks[5], H, H, EF),
        'c3': _make_conv_params(ks[6], H, H, EF),
    }
    return {'x': x, 'edge_index': edge_index, 'edge_attr': edge_attr, 'batch': batch, 'params': params}


def _mpnn_conv(x, edge_index, edge_attr, p):
    n = x.shape[0]
    x = x @ p['Wn'] + p['bn']
    loops = jnp.arange(n, dtype=edge_index.dtype)
    ei = jnp.concatenate([edge_index, jnp.stack([loops, loops])], axis=1)
    ea = jnp.concatenate([edge_attr, jnp.zeros((n, edge_attr.shape[1]), edge_attr.dtype)], axis=0)
    src = ei[0]
    dst = ei[1]
    x_j = jnp.take(x, src, axis=0)
    x_i = jnp.take(x, dst, axis=0)
    ee = ea @ p['We'] + p['be']
    m = jnp.concatenate([x_i, ee, x_j], axis=1) @ p['Wm'] + p['bm']
    aggr = jax.ops.segment_sum(m, dst, num_segments=n)
    return jnp.concatenate([x, aggr], axis=1) @ p['Wu'] + p['bu']


def reference(x, edge_index, edge_attr, batch, params):
    h = jax.nn.relu(_mpnn_conv(x, edge_index, edge_attr, params['c1']))
    # dropout is identity in eval mode
    h = jax.nn.relu(_mpnn_conv(h, edge_index, edge_attr, params['c2']))
    h = jax.nn.relu(_mpnn_conv(h, edge_index, edge_attr, params['c3']))
    sums = jax.ops.segment_sum(h, batch, num_segments=G)
    cnts = jax.ops.segment_sum(jnp.ones((h.shape[0],), h.dtype), batch, num_segments=G)
    return sums / jnp.maximum(cnts, 1.0)[:, None]

if __name__ == "__main__":
    import jax
    _d = setup_inputs()
    print(jax.jit(kernel)(*tuple(_d.values())))

</pallas_src>

<mosaic_0001>
#map = affine_map<(d0, d1) -> (0, 0)>
#map1 = affine_map<(d0, d1) -> (0)>
#map2 = affine_map<(d0, d1) -> (0, 0, 0)>
module attributes {stable_mosaic.version = 14 : i64} {
  func.func @body(%arg0: i32, %arg1: i32, %arg2: memref<100000x32xbf16, #tpu.memory_space<hbm>>, %arg3: memref<800000xi32, #tpu.memory_space<hbm>>, %arg4: memref<800000xi32, #tpu.memory_space<hbm>>, %arg5: memref<3128x32xbf16, #tpu.memory_space<hbm>>, %arg6: memref<2x50000x32xbf16, #tpu.memory_space<hbm>>, %arg7: memref<50000x32xbf16, #tpu.memory_space<vmem_shared>>, %arg8: memref<128x32xbf16, #tpu.memory_space<vmem>>, %arg9: memref<128x32xbf16, #tpu.memory_space<vmem>>, %arg10: memref<128xi32, #tpu.memory_space<vmem>>, %arg11: memref<128xi32, #tpu.memory_space<vmem>>, %arg12: memref<128xi32, #tpu.memory_space<vmem>>, %arg13: memref<128xi32, #tpu.memory_space<vmem>>, %arg14: memref<128xi32, #tpu.memory_space<vmem>>, %arg15: memref<128xi32, #tpu.memory_space<vmem>>, %arg16: memref<80xi32, #tpu.memory_space<vmem>>, %arg17: memref<!tpu.dma_semaphore, #tpu.memory_space<semaphore_mem>>, %arg18: memref<!tpu.dma_semaphore, #tpu.memory_space<semaphore_mem>>, %arg19: memref<!tpu.dma_semaphore, #tpu.memory_space<semaphore_mem>>, %arg20: memref<!tpu.dma_semaphore, #tpu.memory_space<semaphore_mem>>) attributes {dimension_semantics = [#tpu.dimension_semantics<core_parallel>, #tpu.dimension_semantics<subcore_parallel>], iteration_bounds = array<i64: 2, 16>, scalar_prefetch = 0 : i64, scratch_operands = 14 : i64, tpu.core_type = #tpu.core_type<sc_vector_subcore>, window_params = [{transform_indices = #map}, {transform_indices = #map1}, {transform_indices = #map1}, {transform_indices = #map}, {transform_indices = #map2}]} {
    %mul3A = arith.constant 50000 : i32
    %mul3A_0 = arith.muli %arg0, %mul3A : i32
    %lt3A = arith.constant 15 : i32
    %lt3A_1 = arith.cmpi slt, %arg1, %lt3A : i32
    %convert_element_type3A = arith.extui %lt3A_1 : i1 to i32
    %cond3A = arith.constant 0 : i32
    %cond3A_2 = arith.cmpi ne, %convert_element_type3A, %cond3A : i32
    scf.if %cond3A_2 {
      %mul3A_95 = arith.constant 3128 : i32
      %mul3A_96 = arith.muli %arg1, %mul3A_95 : i32
      "tpu.region"() ({
        %run_scoped3A = tpu.sem_alloc : memref<!tpu.dma_semaphore, #tpu.memory_space<semaphore_mem>>
        %dma_start3A_97 = arith.constant 0 : i32
        %dma_start3A_98 = tpu.memref_slice %arg7[%mul3A_96, %dma_start3A_97] : memref<50000x32xbf16, #tpu.memory_space<vmem_shared>> -> memref<3128x32xbf16, #tpu.memory_space<vmem_shared>>
        tpu.enqueue_dma source(%arg5 : memref<3128x32xbf16, #tpu.memory_space<hbm>>) target(%dma_start3A_98 : memref<3128x32xbf16, #tpu.memory_space<vmem_shared>>) target_semaphore(%run_scoped3A : memref<!tpu.dma_semaphore, #tpu.memory_space<semaphore_mem>>)
        %dma_wait3A_99 = arith.constant 0 : i32
        %dma_wait3A_100 = tpu.memref_slice %arg7[%mul3A_96, %dma_wait3A_99] : memref<50000x32xbf16, #tpu.memory_space<vmem_shared>> -> memref<3128x32xbf16, #tpu.memory_space<vmem_shared>>
        tpu.wait_dma2 semaphore(%run_scoped3A : memref<!tpu.dma_semaphore, #tpu.memory_space<semaphore_mem>>) src(%arg5 : memref<3128x32xbf16, #tpu.memory_space<hbm>>) dst(%dma_wait3A_100 : memref<3128x32xbf16, #tpu.memory_space<vmem_shared>>)
        tpu.yield
      }) : () -> ()
    } else {
    }
    %eq3A = arith.constant 15 : i32
    %eq3A_3 = arith.cmpi eq, %arg1, %eq3A : i32
    %convert_element_type3A_4 = arith.extui %eq3A_3 : i1 to i32
    %cond3A_5 = arith.constant 0 : i32
    %cond3A_6 = arith.cmpi ne, %convert_element_type3A_4, %cond3A_5 : i32
    scf.if %cond3A_6 {
      "tpu.region"() ({
        %run_scoped3A = tpu.sem_alloc : memref<!tpu.dma_semaphore, #tpu.memory_space<semaphore_mem>>
        %dma_start3A_95 = arith.constant 46920 : i32
        %dma_start3A_96 = arith.constant 0 : i32
        %dma_start3A_97 = tpu.memref_slice %arg7[%dma_start3A_95, %dma_start3A_96] : memref<50000x32xbf16, #tpu.memory_space<vmem_shared>> -> memref<3080x32xbf16, #tpu.memory_space<vmem_shared>>
        %dma_start3A_98 = arith.constant 0 : i32
        %dma_start3A_99 = arith.constant 0 : i32
        %dma_start3A_100 = tpu.memref_slice %arg5[%dma_start3A_98, %dma_start3A_99] : memref<3128x32xbf16, #tpu.memory_space<hbm>> -> memref<3080x32xbf16, #tpu.memory_space<hbm>>
        tpu.enqueue_dma source(%dma_start3A_100 : memref<3080x32xbf16, #tpu.memory_space<hbm>>) target(%dma_start3A_97 : memref<3080x32xbf16, #tpu.memory_space<vmem_shared>>) target_semaphore(%run_scoped3A : memref<!tpu.dma_semaphore, #tpu.memory_space<semaphore_mem>>)
        %dma_wait3A_101 = arith.constant 46920 : i32
        %dma_wait3A_102 = arith.constant 0 : i32
        %dma_wait3A_103 = tpu.memref_slice %arg7[%dma_wait3A_101, %dma_wait3A_102] : memref<50000x32xbf16, #tpu.memory_space<vmem_shared>> -> memref<3080x32xbf16, #tpu.memory_space<vmem_shared>>
        %dma_wait3A_104 = arith.constant 0 : i32
        %dma_wait3A_105 = arith.constant 0 : i32
        %dma_wait3A_106 = tpu.memref_slice %arg5[%dma_wait3A_104, %dma_wait3A_105] : memref<3128x32xbf16, #tpu.memory_space<hbm>> -> memref<3080x32xbf16, #tpu.memory_space<hbm>>
        tpu.wait_dma2 semaphore(%run_scoped3A : memref<!tpu.dma_semaphore, #tpu.memory_space<semaphore_mem>>) src(%dma_wait3A_106 : memref<3080x32xbf16, #tpu.memory_space<hbm>>) dst(%dma_wait3A_103 : memref<3080x32xbf16, #tpu.memory_space<vmem_shared>>)
        tpu.yield
      }) : () -> ()
    } else {
    }
    %barrier3A = arith.constant 0 : index
    tpu.barrier barrier_id(%barrier3A)
    %mul3A_7 = arith.constant 50000 : i32
    %mul3A_8 = arith.muli %arg1, %mul3A_7 : i32
    %add3A = arith.constant 0 : i32
    %add3A_9 = arith.addi %mul3A_8, %add3A : i32
    %dma_start3A = tpu.memref_slice %arg3[%add3A_9] : memref<800000xi32, #tpu.memory_space<hbm>> -> memref<128xi32, #tpu.memory_space<hbm>>
    %dma_start3A_10 = tpu.memref_slice %arg3[%add3A_9] : memref<800000xi32, #tpu.memory_space<hbm>> -> memref<128xi32, #tpu.memory_space<hbm>>
    tpu.enqueue_dma source(%dma_start3A_10 : memref<128xi32, #tpu.memory_space<hbm>>) target(%arg10 : memref<128xi32, #tpu.memory_space<vmem>>) target_semaphore(%arg19 : memref<!tpu.dma_semaphore, #tpu.memory_space<semaphore_mem>>)
    %dma_start3A_11 = tpu.memref_slice %arg4[%add3A_9] : memref<800000xi32, #tpu.memory_space<hbm>> -> memref<128xi32, #tpu.memory_space<hbm>>
    %dma_start3A_12 = tpu.memref_slice %arg4[%add3A_9] : memref<800000xi32, #tpu.memory_space<hbm>> -> memref<128xi32, #tpu.memory_space<hbm>>
    tpu.enqueue_dma source(%dma_start3A_12 : memref<128xi32, #tpu.memory_space<hbm>>) target(%arg14 : memref<128xi32, #tpu.memory_space<vmem>>) target_semaphore(%arg19 : memref<!tpu.dma_semaphore, #tpu.memory_space<semaphore_mem>>)
    %scan3A = arith.constant 0 : i32
    %scan3A_13 = arith.constant 0 : i32
    %scan3A_14 = arith.constant 195 : i32
    %scan3A_15 = arith.addi %scan3A_13, %scan3A_14 : i32
    %scan3A_16 = arith.constant 1 : i32
    scf.for %scan3A_95 = %scan3A_13 to %scan3A_15 step %scan3A_16  : i32 {
      %mul3A_96 = arith.constant 2 : i32
      %mul3A_97 = arith.muli %mul3A_96, %scan3A_95 : i32
      %gt3A = arith.constant 0 : i32
      %gt3A_98 = arith.cmpi sgt, %scan3A_95, %gt3A : i32
      %convert_element_type3A_99 = arith.extui %gt3A_98 : i1 to i32
      %cond3A_100 = arith.constant 0 : i32
      %cond3A_101 = arith.cmpi ne, %convert_element_type3A_99, %cond3A_100 : i32
      scf.if %cond3A_101 {
        %dma_wait3A_290 = arith.constant 0 : i32
        %dma_wait3A_291 = arith.constant 0 : i32
        %dma_wait3A_292 = tpu.memref_slice %arg2[%dma_wait3A_290, %dma_wait3A_291] : memref<100000x32xbf16, #tpu.memory_space<hbm>> -> memref<128x32xbf16, #tpu.memory_space<hbm>>
        %dma_wait3A_293 = arith.constant 0 : i32
        %dma_wait3A_294 = arith.constant 0 : i32
        %dma_wait3A_295 = tpu.memref_slice %arg2[%dma_wait3A_293, %dma_wait3A_294] : memref<100000x32xbf16, #tpu.memory_space<hbm>> -> memref<128x32xbf16, #tpu.memory_space<hbm>>
        tpu.wait_dma2 semaphore(%arg18 : memref<!tpu.dma_semaphore, #tpu.memory_space<semaphore_mem>>) src(%dma_wait3A_295 : memref<128x32xbf16, #tpu.memory_space<hbm>>) dst(%arg9 : memref<128x32xbf16, #tpu.memory_space<vmem>>)
        "tpu.region"() ({
          %run_scoped3A = tpu.sem_alloc : memref<!tpu.dma_semaphore, #tpu.memory_space<semaphore_mem>>
          %dma_start3A_296 = arith.constant 0 : i32
          %dma_start3A_297 = arith.constant 0 : i32
          %dma_start3A_298 = tpu.memref_slice %arg7[%dma_start3A_296, %dma_start3A_297] : memref<50000x32xbf16, #tpu.memory_space<vmem_shared>> -> memref<50000x32xbf16, #tpu.memory_space<vmem_shared>>
          tpu.enqueue_indirect_dma source(%arg9 : memref<128x32xbf16, #tpu.memory_space<vmem>>) target(%dma_start3A_298 : memref<50000x32xbf16, #tpu.memory_space<vmem_shared>>) offsets(%arg15 : memref<128xi32, #tpu.memory_space<vmem>>) semaphore(%run_scoped3A : memref<!tpu.dma_semaphore, #tpu.memory_space<semaphore_mem>>) {add = true}
          %dma_wait3A_299 = arith.constant 0 : i32
          %dma_wait3A_300 = arith.constant 0 : i32
          %dma_wait3A_301 = tpu.memref_slice %arg7[%dma_wait3A_299, %dma_wait3A_300] : memref<50000x32xbf16, #tpu.memory_space<vmem_shared>> -> memref<50000x32xbf16, #tpu.memory_space<vmem_shared>>
          tpu.wait_indirect_dma semaphore(%run_scoped3A : memref<!tpu.dma_semaphore, #tpu.memory_space<semaphore_mem>>) src(%arg9 : memref<128x32xbf16, #tpu.memory_space<vmem>>) dst(%dma_wait3A_301 : memref<50000x32xbf16, #tpu.memory_space<vmem_shared>>)
          tpu.yield
        }) : () -> ()
      } else {
      }
      %add3A_102 = arith.constant 1 : i32
      %add3A_103 = arith.addi %mul3A_97, %add3A_102 : i32
      %mul3A_104 = arith.constant 128 : i32
      %mul3A_105 = arith.muli %add3A_103, %mul3A_104 : i32
      %add3A_106 = arith.addi %mul3A_8, %mul3A_105 : i32
      %dma_start3A_107 = tpu.memref_slice %arg3[%add3A_106] : memref<800000xi32, #tpu.memory_space<hbm>> -> memref<128xi32, #tpu.memory_space<hbm>>
      %dma_start3A_108 = tpu.memref_slice %arg3[%add3A_106] : memref<800000xi32, #tpu.memory_space<hbm>> -> memref<128xi32, #tpu.memory_space<hbm>>
      tpu.enqueue_dma source(%dma_start3A_108 : memref<128xi32, #tpu.memory_space<hbm>>) target(%arg11 : memref<128xi32, #tpu.memory_space<vmem>>) target_semaphore(%arg20 : memref<!tpu.dma_semaphore, #tpu.memory_space<semaphore_mem>>)
      %dma_start3A_109 = tpu.memref_slice %arg4[%add3A_106] : memref<800000xi32, #tpu.memory_space<hbm>> -> memref<128xi32, #tpu.memory_space<hbm>>
      %dma_start3A_110 = tpu.memref_slice %arg4[%add3A_106] : memref<800000xi32, #tpu.memory_space<hbm>> -> memref<128xi32, #tpu.memory_space<hbm>>
      tpu.enqueue_dma source(%dma_start3A_110 : memref<128xi32, #tpu.memory_space<hbm>>) target(%arg15 : memref<128xi32, #tpu.memory_space<vmem>>) target_semaphore(%arg20 : memref<!tpu.dma_semaphore, #tpu.memory_space<semaphore_mem>>)
      %mul3A_111 = arith.constant 128 : i32
      %mul3A_112 = arith.muli %mul3A_97, %mul3A_111 : i32
      %add3A_113 = arith.addi %mul3A_8, %mul3A_112 : i32
      %dma_wait3A_114 = tpu.memref_slice %arg3[%add3A_113] : memref<800000xi32, #tpu.memory_space<hbm>> -> memref<128xi32, #tpu.memory_space<hbm>>
      %dma_wait3A_115 = tpu.memref_slice %arg3[%add3A_113] : memref<800000xi32, #tpu.memory_space<hbm>> -> memref<128xi32, #tpu.memory_space<hbm>>
      tpu.wait_dma2 semaphore(%arg19 : memref<!tpu.dma_semaphore, #tpu.memory_space<semaphore_mem>>) src(%dma_wait3A_115 : memref<128xi32, #tpu.memory_space<hbm>>) dst(%arg10 : memref<128xi32, #tpu.memory_space<vmem>>)
      %dma_wait3A_116 = tpu.memref_slice %arg4[%add3A_113] : memref<800000xi32, #tpu.memory_space<hbm>> -> memref<128xi32, #tpu.memory_space<hbm>>
      %dma_wait3A_117 = tpu.memref_slice %arg4[%add3A_113] : memref<800000xi32, #tpu.memory_space<hbm>> -> memref<128xi32, #tpu.memory_space<hbm>>
      tpu.wait_dma2 semaphore(%arg19 : memref<!tpu.dma_semaphore, #tpu.memory_space<semaphore_mem>>) src(%dma_wait3A_117 : memref<128xi32, #tpu.memory_space<hbm>>) dst(%arg14 : memref<128xi32, #tpu.memory_space<vmem>>)
      %get3A_118 = arith.constant 0 : index
      %get3A_119 = tpu.vector_load %arg10[%get3A_118] {strides = array<i32>} : memref<128xi32, #tpu.memory_space<vmem>>, vector<16xi32>,
      %get3A_120 = vector.shape_cast %get3A_119 : vector<16xi32> to vector<16xi32>
      %add3A_121 = vector.broadcast %mul3A_0 : i32 to vector<16xi32>
      %add3A_122 = arith.addi %get3A_120, %add3A_121 : vector<16xi32>
      %swap3A_123 = arith.constant 0 : index
      %swap3A_124 = tpu.vector_load %arg12[%swap3A_123] {strides = array<i32>} : memref<128xi32, #tpu.memory_space<vmem>>, vector<16xi32>,
      %swap3A_125 = vector.shape_cast %swap3A_124 : vector<16xi32> to vector<16xi32>
      %swap3A_126 = vector.shape_cast %add3A_122 : vector<16xi32> to vector<16xi32>
      tpu.vector_store %arg12[%swap3A_123], %swap3A_126 {strides = array<i32>} : memref<128xi32, #tpu.memory_space<vmem>>, vector<16xi32>,
      %get3A_127 = arith.constant 16 : index
      %get3A_128 = tpu.vector_load %arg10[%get3A_127] {strides = array<i32>} : memref<128xi32, #tpu.memory_space<vmem>>, vector<16xi32>,
      %get3A_129 = vector.shape_cast %get3A_128 : vector<16xi32> to vector<16xi32>
      %add3A_130 = vector.broadcast %mul3A_0 : i32 to vector<16xi32>
      %add3A_131 = arith.addi %get3A_129, %add3A_130 : vector<16xi32>
      %swap3A_132 = arith.constant 16 : index
      %swap3A_133 = tpu.vector_load %arg12[%swap3A_132] {strides = array<i32>} : memref<128xi32, #tpu.memory_space<vmem>>, vector<16xi32>,
      %swap3A_134 = vector.shape_cast %swap3A_133 : vector<16xi32> to vector<16xi32>
      %swap3A_135 = vector.shape_cast %add3A_131 : vector<16xi32> to vector<16xi32>
      tpu.vector_store %arg12[%swap3A_132], %swap3A_135 {strides = array<i32>} : memref<128xi32, #tpu.memory_space<vmem>>, vector<16xi32>,
      %get3A_136 = arith.constant 32 : index
      %get3A_137 = tpu.vector_load %arg10[%get3A_136] {strides = array<i32>} : memref<128xi32, #tpu.memory_space<vmem>>, vector<16xi32>,
      %get3A_138 = vector.shape_cast %get3A_137 : vector<16xi32> to vector<16xi32>
      %add3A_139 = vector.broadcast %mul3A_0 : i32 to vector<16xi32>
      %add3A_140 = arith.addi %get3A_138, %add3A_139 : vector<16xi32>
      %swap3A_141 = arith.constant 32 : index
      %swap3A_142 = tpu.vector_load %arg12[%swap3A_141] {strides = array<i32>} : memref<128xi32, #tpu.memory_space<vmem>>, vector<16xi32>,
      %swap3A_143 = vector.shape_cast %swap3A_142 : vector<16xi32> to vector<16xi32>
      %swap3A_144 = vector.shape_cast %add3A_140 : vector<16xi32> to vector<16xi32>
      tpu.vector_store %arg12[%swap3A_141], %swap3A_144 {strides = array<i32>} : memref<128xi32, #tpu.memory_space<vmem>>, vector<16xi32>,
      %get3A_145 = arith.constant 48 : index
      %get3A_146 = tpu.vector_load %arg10[%get3A_145] {strides = array<i32>} : memref<128xi32, #tpu.memory_space<vmem>>, vector<16xi32>,
      %get3A_147 = vector.shape_cast %get3A_146 : vector<16xi32> to vector<16xi32>
      %add3A_148 = vector.broadcast %mul3A_0 : i32 to vector<16xi32>
      %add3A_149 = arith.addi %get3A_147, %add3A_148 : vector<16xi32>
      %swap3A_150 = arith.constant 48 : index
      %swap3A_151 = tpu.vector_load %arg12[%swap3A_150] {strides = array<i32>} : memref<128xi32, #tpu.memory_space<vmem>>, vector<16xi32>,
      %swap3A_152 = vector.shape_cast %swap3A_151 : vector<16xi32> to vector<16xi32>
      %swap3A_153 = vector.shape_cast %add3A_149 : vector<16xi32> to vector<16xi32>
      tpu.vector_store %arg12[%swap3A_150], %swap3A_153 {strides = array<i32>} : memref<128xi32, #tpu.memory_space<vmem>>, vector<16xi32>,
      %get3A_154 = arith.constant 64 : index
      %get3A_155 = tpu.vector_load %arg10[%get3A_154] {strides = array<i32>} : memref<128xi32, #tpu.memory_space<vmem>>, vector<16xi32>,
      %get3A_156 = vector.shape_cast %get3A_155 : vector<16xi32> to vector<16xi32>
      %add3A_157 = vector.broadcast %mul3A_0 : i32 to vector<16xi32>
      %add3A_158 = arith.addi %get3A_156, %add3A_157 : vector<16xi32>
      %swap3A_159 = arith.constant 64 : index
      %swap3A_160 = tpu.vector_load %arg12[%swap3A_159] {strides = array<i32>} : memref<128xi32, #tpu.memory_space<vmem>>, vector<16xi32>,
      %swap3A_161 = vector.shape_cast %swap3A_160 : vector<16xi32> to vector<16xi32>
      %swap3A_162 = vector.shape_cast %add3A_158 : vector<16xi32> to vector<16xi32>
      tpu.vector_store %arg12[%swap3A_159], %swap3A_162 {strides = array<i32>} : memref<128xi32, #tpu.memory_space<vmem>>, vector<16xi32>,
      %get3A_163 = arith.constant 80 : index
      %get3A_164 = tpu.vector_load %arg10[%get3A_163] {strides = array<i32>} : memref<128xi32, #tpu.memory_space<vmem>>, vector<16xi32>,
      %get3A_165 = vector.shape_cast %get3A_164 : vector<16xi32> to vector<16xi32>
      %add3A_166 = vector.broadcast %mul3A_0 : i32 to vector<16xi32>
      %add3A_167 = arith.addi %get3A_165, %add3A_166 : vector<16xi32>
      %swap3A_168 = arith.constant 80 : index
      %swap3A_169 = tpu.vector_load %arg12[%swap3A_168] {strides = array<i32>} : memref<128xi32, #tpu.memory_space<vmem>>, vector<16xi32>,
      %swap3A_170 = vector.shape_cast %swap3A_169 : vector<16xi32> to vector<16xi32>
      %swap3A_171 = vector.shape_cast %add3A_167 : vector<16xi32> to vector<16xi32>
      tpu.vector_store %arg12[%swap3A_168], %swap3A_171 {strides = array<i32>} : memref<128xi32, #tpu.memory_space<vmem>>, vector<16xi32>,
      %get3A_172 = arith.constant 96 : index
      %get3A_173 = tpu.vector_load %arg10[%get3A_172] {strides = array<i32>} : memref<128xi32, #tpu.memory_space<vmem>>, vector<16xi32>,
      %get3A_174 = vector.shape_cast %get3A_173 : vector<16xi32> to vector<16xi32>
      %add3A_175 = vector.broadcast %mul3A_0 : i32 to vector<16xi32>
      %add3A_176 = arith.addi %get3A_174, %add3A_175 : vector<16xi32>
      %swap3A_177 = arith.constant 96 : index
      %swap3A_178 = tpu.vector_load %arg12[%swap3A_177] {strides = array<i32>} : memref<128xi32, #tpu.memory_space<vmem>>, vector<16xi32>,
      %swap3A_179 = vector.shape_cast %swap3A_178 : vector<16xi32> to vector<16xi32>
      %swap3A_180 = vector.shape_cast %add3A_176 : vector<16xi32> to vector<16xi32>
      tpu.vector_store %arg12[%swap3A_177], %swap3A_180 {strides = array<i32>} : memref<128xi32, #tpu.memory_space<vmem>>, vector<16xi32>,
      %get3A_181 = arith.constant 112 : index
      %get3A_182 = tpu.vector_load %arg10[%get3A_181] {strides = array<i32>} : memref<128xi32, #tpu.memory_space<vmem>>, vector<16xi32>,
      %get3A_183 = vector.shape_cast %get3A_182 : vector<16xi32> to vector<16xi32>
      %add3A_184 = vector.broadcast %mul3A_0 : i32 to vector<16xi32>
      %add3A_185 = arith.addi %get3A_183, %add3A_184 : vector<16xi32>
      %swap3A_186 = arith.constant 112 : index
      %swap3A_187 = tpu.vector_load %arg12[%swap3A_186] {strides = array<i32>} : memref<128xi32, #tpu.memory_space<vmem>>, vector<16xi32>,
      %swap3A_188 = vector.shape_cast %swap3A_187 : vector<16xi32> to vector<16xi32>
      %swap3A_189 = vector.shape_cast %add3A_185 : vector<16xi32> to vector<16xi32>
      tpu.vector_store %arg12[%swap3A_186], %swap3A_189 {strides = array<i32>} : memref<128xi32, #tpu.memory_space<vmem>>, vector<16xi32>,
      %dma_start3A_190 = arith.constant 0 : i32
      %dma_start3A_191 = arith.constant 0 : i32
      %dma_start3A_192 = tpu.memref_slice %arg2[%dma_start3A_190, %dma_start3A_191] : memref<100000x32xbf16, #tpu.memory_space<hbm>> -> memref<100000x32xbf16, #tpu.memory_space<hbm>>
      tpu.enqueue_indirect_dma source(%dma_start3A_192 : memref<100000x32xbf16, #tpu.memory_space<hbm>>) target(%arg8 : memref<128x32xbf16, #tpu.memory_space<vmem>>) offsets(%arg12 : memref<128xi32, #tpu.memory_space<vmem>>) semaphore(%arg17 : memref<!tpu.dma_semaphore, #tpu.memory_space<semaphore_mem>>)
      %add3A_193 = arith.constant 1 : i32
      %add3A_194 = arith.addi %mul3A_97, %add3A_193 : i32
      %mul3A_195 = arith.constant 128 : i32
      %mul3A_196 = arith.muli %add3A_194, %mul3A_195 : i32
      %add3A_197 = arith.addi %mul3A_8, %mul3A_196 : i32
      %dma_wait3A_198 = tpu.memref_slice %arg3[%add3A_197] : memref<800000xi32, #tpu.memory_space<hbm>> -> memref<128xi32, #tpu.memory_space<hbm>>
      %dma_wait3A_199 = tpu.memref_slice %arg3[%add3A_197] : memref<800000xi32, #tpu.memory_space<hbm>> -> memref<128xi32, #tpu.memory_space<hbm>>
      tpu.wait_dma2 semaphore(%arg20 : memref<!tpu.dma_semaphore, #tpu.memory_space<semaphore_mem>>) src(%dma_wait3A_199 : memref<128xi32, #tpu.memory_space<hbm>>) dst(%arg11 : memref<128xi32, #tpu.memory_space<vmem>>)
      %dma_wait3A_200 = tpu.memref_slice %arg4[%add3A_197] : memref<800000xi32, #tpu.memory_space<hbm>> -> memref<128xi32, #tpu.memory_space<hbm>>
      %dma_wait3A_201 = tpu.memref_slice %arg4[%add3A_197] : memref<800000xi32, #tpu.memory_space<hbm>> -> memref<128xi32, #tpu.memory_space<hbm>>
      tpu.wait_dma2 semaphore(%arg20 : memref<!tpu.dma_semaphore, #tpu.memory_space<semaphore_mem>>) src(%dma_wait3A_201 : memref<128xi32, #tpu.memory_space<hbm>>) dst(%arg15 : memref<128xi32, #tpu.memory_space<vmem>>)
      %get3A_202 = arith.constant 0 : index
      %get3A_203 = tpu.vector_load %arg11[%get3A_202] {strides = array<i32>} : memref<128xi32, #tpu.memory_space<vmem>>, vector<16xi32>,
      %get3A_204 = vector.shape_cast %get3A_203 : vector<16xi32> to vector<16xi32>
      %add3A_205 = vector.broadcast %mul3A_0 : i32 to vector<16xi32>
      %add3A_206 = arith.addi %get3A_204, %add3A_205 : vector<16xi32>
      %swap3A_207 = arith.constant 0 : index
      %swap3A_208 = tpu.vector_load %arg13[%swap3A_207] {strides = array<i32>} : memref<128xi32, #tpu.memory_space<vmem>>, vector<16xi32>,
      %swap3A_209 = vector.shape_cast %swap3A_208 : vector<16xi32> to vector<16xi32>
      %swap3A_210 = vector.shape_cast %add3A_206 : vector<16xi32> to vector<16xi32>
      tpu.vector_store %arg13[%swap3A_207], %swap3A_210 {strides = array<i32>} : memref<128xi32, #tpu.memory_space<vmem>>, vector<16xi32>,
      %get3A_211 = arith.constant 16 : index
      %get3A_212 = tpu.vector_load %arg11[%get3A_211] {strides = array<i32>} : memref<128xi32, #tpu.memory_space<vmem>>, vector<16xi32>,
      %get3A_213 = vector.shape_cast %get3A_212 : vector<16xi32> to vector<16xi32>
      %add3A_214 = vector.broadcast %mul3A_0 : i32 to vector<16xi32>
      %add3A_215 = arith.addi %get3A_213, %add3A_214 : vector<16xi32>
      %swap3A_216 = arith.constant 16 : index
      %swap3A_217 = tpu.vector_load %arg13[%swap3A_216] {strides = array<i32>} : memref<128xi32, #tpu.memory_space<vmem>>, vector<16xi32>,
      %swap3A_218 = vector.shape_cast %swap3A_217 : vector<16xi32> to vector<16xi32>
      %swap3A_219 = vector.shape_cast %add3A_215 : vector<16xi32> to vector<16xi32>
      tpu.vector_store %arg13[%swap3A_216], %swap3A_219 {strides = array<i32>} : memref<128xi32, #tpu.memory_space<vmem>>, vector<16xi32>,
      %get3A_220 = arith.constant 32 : index
      %get3A_221 = tpu.vector_load %arg11[%get3A_220] {strides = array<i32>} : memref<128xi32, #tpu.memory_space<vmem>>, vector<16xi32>,
      %get3A_222 = vector.shape_cast %get3A_221 : vector<16xi32> to vector<16xi32>
      %add3A_223 = vector.broadcast %mul3A_0 : i32 to vector<16xi32>
      %add3A_224 = arith.addi %get3A_222, %add3A_223 : vector<16xi32>
      %swap3A_225 = arith.constant 32 : index
      %swap3A_226 = tpu.vector_load %arg13[%swap3A_225] {strides = array<i32>} : memref<128xi32, #tpu.memory_space<vmem>>, vector<16xi32>,
      %swap3A_227 = vector.shape_cast %swap3A_226 : vector<16xi32> to vector<16xi32>
      %swap3A_228 = vector.shape_cast %add3A_224 : vector<16xi32> to vector<16xi32>
      tpu.vector_store %arg13[%swap3A_225], %swap3A_228 {strides = array<i32>} : memref<128xi32, #tpu.memory_space<vmem>>, vector<16xi32>,
      %get3A_229 = arith.constant 48 : index
      %get3A_230 = tpu.vector_load %arg11[%get3A_229] {strides = array<i32>} : memref<128xi32, #tpu.memory_space<vmem>>, vector<16xi32>,
      %get3A_231 = vector.shape_cast %get3A_230 : vector<16xi32> to vector<16xi32>
      %add3A_232 = vector.broadcast %mul3A_0 : i32 to vector<16xi32>
      %add3A_233 = arith.addi %get3A_231, %add3A_232 : vector<16xi32>
      %swap3A_234 = arith.constant 48 : index
      %swap3A_235 = tpu.vector_load %arg13[%swap3A_234] {strides = array<i32>} : memref<128xi32, #tpu.memory_space<vmem>>, vector<16xi32>,
      %swap3A_236 = vector.shape_cast %swap3A_235 : vector<16xi32> to vector<16xi32>
      %swap3A_237 = vector.shape_cast %add3A_233 : vector<16xi32> to vector<16xi32>
      tpu.vector_store %arg13[%swap3A_234], %swap3A_237 {strides = array<i32>} : memref<128xi32, #tpu.memory_space<vmem>>, vector<16xi32>,
      %get3A_238 = arith.constant 64 : index
      %get3A_239 = tpu.vector_load %arg11[%get3A_238] {strides = array<i32>} : memref<128xi32, #tpu.memory_space<vmem>>, vector<16xi32>,
      %get3A_240 = vector.shape_cast %get3A_239 : vector<16xi32> to vector<16xi32>
      %add3A_241 = vector.broadcast %mul3A_0 : i32 to vector<16xi32>
      %add3A_242 = arith.addi %get3A_240, %add3A_241 : vector<16xi32>
      %swap3A_243 = arith.constant 64 : index
      %swap3A_244 = tpu.vector_load %arg13[%swap3A_243] {strides = array<i32>} : memref<128xi32, #tpu.memory_space<vmem>>, vector<16xi32>,
      %swap3A_245 = vector.shape_cast %swap3A_244 : vector<16xi32> to vector<16xi32>
      %swap3A_246 = vector.shape_cast %add3A_242 : vector<16xi32> to vector<16xi32>
      tpu.vector_store %arg13[%swap3A_243], %swap3A_246 {strides = array<i32>} : memref<128xi32, #tpu.memory_space<vmem>>, vector<16xi32>,
      %get3A_247 = arith.constant 80 : index
      %get3A_248 = tpu.vector_load %arg11[%get3A_247] {strides = array<i32>} : memref<128xi32, #tpu.memory_space<vmem>>, vector<16xi32>,
      %get3A_249 = vector.shape_cast %get3A_248 : vector<16xi32> to vector<16xi32>
      %add3A_250 = vector.broadcast %mul3A_0 : i32 to vector<16xi32>
      %add3A_251 = arith.addi %get3A_249, %add3A_250 : vector<16xi32>
      %swap3A_252 = arith.constant 80 : index
      %swap3A_253 = tpu.vector_load %arg13[%swap3A_252] {strides = array<i32>} : memref<128xi32, #tpu.memory_space<vmem>>, vector<16xi32>,
      %swap3A_254 = vector.shape_cast %swap3A_253 : vector<16xi32> to vector<16xi32>
      %swap3A_255 = vector.shape_cast %add3A_251 : vector<16xi32> to vector<16xi32>
      tpu.vector_store %arg13[%swap3A_252], %swap3A_255 {strides = array<i32>} : memref<128xi32, #tpu.memory_space<vmem>>, vector<16xi32>,
      %get3A_256 = arith.constant 96 : index
      %get3A_257 = tpu.vector_load %arg11[%get3A_256] {strides = array<i32>} : memref<128xi32, #tpu.memory_space<vmem>>, vector<16xi32>,
      %get3A_258 = vector.shape_cast %get3A_257 : vector<16xi32> to vector<16xi32>
      %add3A_259 = vector.broadcast %mul3A_0 : i32 to vector<16xi32>
      %add3A_260 = arith.addi %get3A_258, %add3A_259 : vector<16xi32>
      %swap3A_261 = arith.constant 96 : index
      %swap3A_262 = tpu.vector_load %arg13[%swap3A_261] {strides = array<i32>} : memref<128xi32, #tpu.memory_space<vmem>>, vector<16xi32>,
      %swap3A_263 = vector.shape_cast %swap3A_262 : vector<16xi32> to vector<16xi32>
      %swap3A_264 = vector.shape_cast %add3A_260 : vector<16xi32> to vector<16xi32>
      tpu.vector_store %arg13[%swap3A_261], %swap3A_264 {strides = array<i32>} : memref<128xi32, #tpu.memory_space<vmem>>, vector<16xi32>,
      %get3A_265 = arith.constant 112 : index
      %get3A_266 = tpu.vector_load %arg11[%get3A_265] {strides = array<i32>} : memref<128xi32, #tpu.memory_space<vmem>>, vector<16xi32>,
      %get3A_267 = vector.shape_cast %get3A_266 : vector<16xi32> to vector<16xi32>
      %add3A_268 = vector.broadcast %mul3A_0 : i32 to vector<16xi32>
      %add3A_269 = arith.addi %get3A_267, %add3A_268 : vector<16xi32>
      %swap3A_270 = arith.constant 112 : index
      %swap3A_271 = tpu.vector_load %arg13[%swap3A_270] {strides = array<i32>} : memref<128xi32, #tpu.memory_space<vmem>>, vector<16xi32>,
      %swap3A_272 = vector.shape_cast %swap3A_271 : vector<16xi32> to vector<16xi32>
      %swap3A_273 = vector.shape_cast %add3A_269 : vector<16xi32> to vector<16xi32>
      tpu.vector_store %arg13[%swap3A_270], %swap3A_273 {strides = array<i32>} : memref<128xi32, #tpu.memory_space<vmem>>, vector<16xi32>,
      %dma_wait3A_274 = arith.constant 0 : i32
      %dma_wait3A_275 = arith.constant 0 : i32
      %dma_wait3A_276 = tpu.memref_slice %arg2[%dma_wait3A_274, %dma_wait3A_275] : memref<100000x32xbf16, #tpu.memory_space<hbm>> -> memref<128x32xbf16, #tpu.memory_space<hbm>>
      %dma_wait3A_277 = arith.constant 0 : i32
      %dma_wait3A_278 = arith.constant 0 : i32
      %dma_wait3A_279 = tpu.memref_slice %arg2[%dma_wait3A_277, %dma_wait3A_278] : memref<100000x32xbf16, #tpu.memory_space<hbm>> -> memref<128x32xbf16, #tpu.memory_space<hbm>>
      tpu.wait_dma2 semaphore(%arg17 : memref<!tpu.dma_semaphore, #tpu.memory_space<semaphore_mem>>) src(%dma_wait3A_279 : memref<128x32xbf16, #tpu.memory_space<hbm>>) dst(%arg8 : memref<128x32xbf16, #tpu.memory_space<vmem>>)
      "tpu.region"() ({
        %run_scoped3A = tpu.sem_alloc : memref<!tpu.dma_semaphore, #tpu.memory_space<semaphore_mem>>
        %dma_start3A_290 = arith.constant 0 : i32
        %dma_start3A_291 = arith.constant 0 : i32
        %dma_start3A_292 = tpu.memref_slice %arg7[%dma_start3A_290, %dma_start3A_291] : memref<50000x32xbf16, #tpu.memory_space<vmem_shared>> -> memref<50000x32xbf16, #tpu.memory_space<vmem_shared>>
        tpu.enqueue_indirect_dma source(%arg8 : memref<128x32xbf16, #tpu.memory_space<vmem>>) target(%dma_start3A_292 : memref<50000x32xbf16, #tpu.memory_space<vmem_shared>>) offsets(%arg14 : memref<128xi32, #tpu.memory_space<vmem>>) semaphore(%run_scoped3A : memref<!tpu.dma_semaphore, #tpu.memory_space<semaphore_mem>>) {add = true}
        %dma_wait3A_293 = arith.constant 0 : i32
        %dma_wait3A_294 = arith.constant 0 : i32
        %dma_wait3A_295 = tpu.memref_slice %arg7[%dma_wait3A_293, %dma_wait3A_294] : memref<50000x32xbf16, #tpu.memory_space<vmem_shared>> -> memref<50000x32xbf16, #tpu.memory_space<vmem_shared>>
        tpu.wait_indirect_dma semaphore(%run_scoped3A : memref<!tpu.dma_semaphore, #tpu.memory_space<semaphore_mem>>) src(%arg8 : memref<128x32xbf16, #tpu.memory_space<vmem>>) dst(%dma_wait3A_295 : memref<50000x32xbf16, #tpu.memory_space<vmem_shared>>)
        tpu.yield
      }) : () -> ()
      %dma_start3A_280 = arith.constant 0 : i32
      %dma_start3A_281 = arith.constant 0 : i32
      %dma_start3A_282 = tpu.memref_slice %arg2[%dma_start3A_280, %dma_start3A_281] : memref<100000x32xbf16, #tpu.memory_space<hbm>> -> memref<100000x32xbf16, #tpu.memory_space<hbm>>
      tpu.enqueue_indirect_dma source(%dma_start3A_282 : memref<100000x32xbf16, #tpu.memory_space<hbm>>) target(%arg9 : memref<128x32xbf16, #tpu.memory_space<vmem>>) offsets(%arg13 : memref<128xi32, #tpu.memory_space<vmem>>) semaphore(%arg18 : memref<!tpu.dma_semaphore, #tpu.memory_space<semaphore_mem>>)
      %add3A_283 = arith.constant 1 : i32
      %add3A_284 = arith.addi %scan3A_95, %add3A_283 : i32
      %lt3A_285 = arith.constant 195 : i32
      %lt3A_286 = arith.cmpi slt, %add3A_284, %lt3A_285 : i32
      %convert_element_type3A_287 = arith.extui %lt3A_286 : i1 to i32
      %cond3A_288 = arith.constant 0 : i32
      %cond3A_289 = arith.cmpi ne, %convert_element_type3A_287, %cond3A_288 : i32
      scf.if %cond3A_289 {
        %add3A_290 = arith.constant 2 : i32
        %add3A_291 = arith.addi %mul3A_97, %add3A_290 : i32
        %mul3A_292 = arith.constant 128 : i32
        %mul3A_293 = arith.muli %add3A_291, %mul3A_292 : i32
        %add3A_294 = arith.addi %mul3A_8, %mul3A_293 : i32
        %dma_start3A_295 = tpu.memref_slice %arg3[%add3A_294] : memref<800000xi32, #tpu.memory_space<hbm>> -> memref<128xi32, #tpu.memory_space<hbm>>
        %dma_start3A_296 = tpu.memref_slice %arg3[%add3A_294] : memref<800000xi32, #tpu.memory_space<hbm>> -> memref<128xi32, #tpu.memory_space<hbm>>
        tpu.enqueue_dma source(%dma_start3A_296 : memref<128xi32, #tpu.memory_space<hbm>>) target(%arg10 : memref<128xi32, #tpu.memory_space<vmem>>) target_semaphore(%arg19 : memref<!tpu.dma_semaphore, #tpu.memory_space<semaphore_mem>>)
        %dma_start3A_297 = tpu.memref_slice %arg4[%add3A_294] : memref<800000xi32, #tpu.memory_space<hbm>> -> memref<128xi32, #tpu.memory_space<hbm>>
        %dma_start3A_298 = tpu.memref_slice %arg4[%add3A_294] : memref<800000xi32, #tpu.memory_space<hbm>> -> memref<128xi32, #tpu.memory_space<hbm>>
        tpu.enqueue_dma source(%dma_start3A_298 : memref<128xi32, #tpu.memory_space<hbm>>) target(%arg14 : memref<128xi32, #tpu.memory_space<vmem>>) target_semaphore(%arg19 : memref<!tpu.dma_semaphore, #tpu.memory_space<semaphore_mem>>)
      } else {
      }
    }
    %scan3A_17 = arith.constant 195 : i32
    %dma_wait3A = arith.constant 0 : i32
    %dma_wait3A_18 = arith.constant 0 : i32
    %dma_wait3A_19 = tpu.memref_slice %arg2[%dma_wait3A, %dma_wait3A_18] : memref<100000x32xbf16, #tpu.memory_space<hbm>> -> memref<128x32xbf16, #tpu.memory_space<hbm>>
    %dma_wait3A_20 = arith.constant 0 : i32
    %dma_wait3A_21 = arith.constant 0 : i32
    %dma_wait3A_22 = tpu.memref_slice %arg2[%dma_wait3A_20, %dma_wait3A_21] : memref<100000x32xbf16, #tpu.memory_space<hbm>> -> memref<128x32xbf16, #tpu.memory_space<hbm>>
    tpu.wait_dma2 semaphore(%arg18 : memref<!tpu.dma_semaphore, #tpu.memory_space<semaphore_mem>>) src(%dma_wait3A_22 : memref<128x32xbf16, #tpu.memory_space<hbm>>) dst(%arg9 : memref<128x32xbf16, #tpu.memory_space<vmem>>)
    "tpu.region"() ({
      %run_scoped3A = tpu.sem_alloc : memref<!tpu.dma_semaphore, #tpu.memory_space<semaphore_mem>>
      %dma_start3A_95 = arith.constant 0 : i32
      %dma_start3A_96 = arith.constant 0 : i32
      %dma_start3A_97 = tpu.memref_slice %arg7[%dma_start3A_95, %dma_start3A_96] : memref<50000x32xbf16, #tpu.memory_space<vmem_shared>> -> memref<50000x32xbf16, #tpu.memory_space<vmem_shared>>
      tpu.enqueue_indirect_dma source(%arg9 : memref<128x32xbf16, #tpu.memory_space<vmem>>) target(%dma_start3A_97 : memref<50000x32xbf16, #tpu.memory_space<vmem_shared>>) offsets(%arg15 : memref<128xi32, #tpu.memory_space<vmem>>) semaphore(%run_scoped3A : memref<!tpu.dma_semaphore, #tpu.memory_space<semaphore_mem>>) {add = true}
      %dma_wait3A_98 = arith.constant 0 : i32
      %dma_wait3A_99 = arith.constant 0 : i32
      %dma_wait3A_100 = tpu.memref_slice %arg7[%dma_wait3A_98, %dma_wait3A_99] : memref<50000x32xbf16, #tpu.memory_space<vmem_shared>> -> memref<50000x32xbf16, #tpu.memory_space<vmem_shared>>
      tpu.wait_indirect_dma semaphore(%run_scoped3A : memref<!tpu.dma_semaphore, #tpu.memory_space<semaphore_mem>>) src(%arg9 : memref<128x32xbf16, #tpu.memory_space<vmem>>) dst(%dma_wait3A_100 : memref<50000x32xbf16, #tpu.memory_space<vmem_shared>>)
      tpu.yield
    }) : () -> ()
    %add3A_23 = arith.constant 49920 : i32
    %add3A_24 = arith.addi %mul3A_8, %add3A_23 : i32
    "tpu.region"() ({
      %run_scoped3A = tpu.sem_alloc : memref<!tpu.dma_semaphore, #tpu.memory_space<semaphore_mem>>
      %dma_start3A_95 = arith.constant 0 : i32
      %dma_start3A_96 = tpu.memref_slice %arg10[%dma_start3A_95] : memref<128xi32, #tpu.memory_space<vmem>> -> memref<80xi32, #tpu.memory_space<vmem>>
      %dma_start3A_97 = tpu.memref_slice %arg3[%add3A_24] : memref<800000xi32, #tpu.memory_space<hbm>> -> memref<80xi32, #tpu.memory_space<hbm>>
      %dma_start3A_98 = arith.constant 0 : i32
      %dma_start3A_99 = tpu.memref_slice %arg10[%dma_start3A_98] : memref<128xi32, #tpu.memory_space<vmem>> -> memref<80xi32, #tpu.memory_space<vmem>>
      %dma_start3A_100 = tpu.memref_slice %arg3[%add3A_24] : memref<800000xi32, #tpu.memory_space<hbm>> -> memref<80xi32, #tpu.memory_space<hbm>>
      tpu.enqueue_dma source(%dma_start3A_100 : memref<80xi32, #tpu.memory_space<hbm>>) target(%dma_start3A_99 : memref<80xi32, #tpu.memory_space<vmem>>) target_semaphore(%run_scoped3A : memref<!tpu.dma_semaphore, #tpu.memory_space<semaphore_mem>>)
      %dma_wait3A_101 = arith.constant 0 : i32
      %dma_wait3A_102 = tpu.memref_slice %arg10[%dma_wait3A_101] : memref<128xi32, #tpu.memory_space<vmem>> -> memref<80xi32, #tpu.memory_space<vmem>>
      %dma_wait3A_103 = tpu.memref_slice %arg3[%add3A_24] : memref<800000xi32, #tpu.memory_space<hbm>> -> memref<80xi32, #tpu.memory_space<hbm>>
      %dma_wait3A_104 = arith.constant 0 : i32
      %dma_wait3A_105 = tpu.memref_slice %arg10[%dma_wait3A_104] : memref<128xi32, #tpu.memory_space<vmem>> -> memref<80xi32, #tpu.memory_space<vmem>>
      %dma_wait3A_106 = tpu.memref_slice %arg3[%add3A_24] : memref<800000xi32, #tpu.memory_space<hbm>> -> memref<80xi32, #tpu.memory_space<hbm>>
      tpu.wait_dma2 semaphore(%run_scoped3A : memref<!tpu.dma_semaphore, #tpu.memory_space<semaphore_mem>>) src(%dma_wait3A_106 : memref<80xi32, #tpu.memory_space<hbm>>) dst(%dma_wait3A_105 : memref<80xi32, #tpu.memory_space<vmem>>)
      tpu.yield
    }) : () -> ()
    "tpu.region"() ({
      %run_scoped3A = tpu.sem_alloc : memref<!tpu.dma_semaphore, #tpu.memory_space<semaphore_mem>>
      %dma_start3A_95 = tpu.memref_slice %arg4[%add3A_24] : memref<800000xi32, #tpu.memory_space<hbm>> -> memref<80xi32, #tpu.memory_space<hbm>>
      %dma_start3A_96 = tpu.memref_slice %arg4[%add3A_24] : memref<800000xi32, #tpu.memory_space<hbm>> -> memref<80xi32, #tpu.memory_space<hbm>>
      tpu.enqueue_dma source(%dma_start3A_96 : memref<80xi32, #tpu.memory_space<hbm>>) target(%arg16 : memref<80xi32, #tpu.memory_space<vmem>>) target_semaphore(%run_scoped3A : memref<!tpu.dma_semaphore, #tpu.memory_space<semaphore_mem>>)
      %dma_wait3A_97 = tpu.memref_slice %arg4[%add3A_24] : memref<800000xi32, #tpu.memory_space<hbm>> -> memref<80xi32, #tpu.memory_space<hbm>>
      %dma_wait3A_98 = tpu.memref_slice %arg4[%add3A_24] : memref<800000xi32, #tpu.memory_space<hbm>> -> memref<80xi32, #tpu.memory_space<hbm>>
      tpu.wait_dma2 semaphore(%run_scoped3A : memref<!tpu.dma_semaphore, #tpu.memory_space<semaphore_mem>>) src(%dma_wait3A_98 : memref<80xi32, #tpu.memory_space<hbm>>) dst(%arg16 : memref<80xi32, #tpu.memory_space<vmem>>)
      tpu.yield
    }) : () -> ()
    %get3A = arith.constant 0 : index
    %get3A_25 = tpu.vector_load %arg10[%get3A] {strides = array<i32>} : memref<128xi32, #tpu.memory_space<vmem>>, vector<16xi32>,
    %get3A_26 = vector.shape_cast %get3A_25 : vector<16xi32> to vector<16xi32>
    %add3A_27 = vector.broadcast %mul3A_0 : i32 to vector<16xi32>
    %add3A_28 = arith.addi %get3A_26, %add3A_27 : vector<16xi32>
    %swap3A = arith.constant 0 : index
    %swap3A_29 = tpu.vector_load %arg12[%swap3A] {strides = array<i32>} : memref<128xi32, #tpu.memory_space<vmem>>, vector<16xi32>,
    %swap3A_30 = vector.shape_cast %swap3A_29 : vector<16xi32> to vector<16xi32>
    %swap3A_31 = vector.shape_cast %add3A_28 : vector<16xi32> to vector<16xi32>
    tpu.vector_store %arg12[%swap3A], %swap3A_31 {strides = array<i32>} : memref<128xi32, #tpu.memory_space<vmem>>, vector<16xi32>,
    %get3A_32 = arith.constant 16 : index
    %get3A_33 = tpu.vector_load %arg10[%get3A_32] {strides = array<i32>} : memref<128xi32, #tpu.memory_space<vmem>>, vector<16xi32>,
    %get3A_34 = vector.shape_cast %get3A_33 : vector<16xi32> to vector<16xi32>
    %add3A_35 = vector.broadcast %mul3A_0 : i32 to vector<16xi32>
    %add3A_36 = arith.addi %get3A_34, %add3A_35 : vector<16xi32>
    %swap3A_37 = arith.constant 16 : index
    %swap3A_38 = tpu.vector_load %arg12[%swap3A_37] {strides = array<i32>} : memref<128xi32, #tpu.memory_space<vmem>>, vector<16xi32>,
    %swap3A_39 = vector.shape_cast %swap3A_38 : vector<16xi32> to vector<16xi32>
    %swap3A_40 = vector.shape_cast %add3A_36 : vector<16xi32> to vector<16xi32>
    tpu.vector_store %arg12[%swap3A_37], %swap3A_40 {strides = array<i32>} : memref<128xi32, #tpu.memory_space<vmem>>, vector<16xi32>,
    %get3A_41 = arith.constant 32 : index
    %get3A_42 = tpu.vector_load %arg10[%get3A_41] {strides = array<i32>} : memref<128xi32, #tpu.memory_space<vmem>>, vector<16xi32>,
    %get3A_43 = vector.shape_cast %get3A_42 : vector<16xi32> to vector<16xi32>
    %add3A_44 = vector.broadcast %mul3A_0 : i32 to vector<16xi32>
    %add3A_45 = arith.addi %get3A_43, %add3A_44 : vector<16xi32>
    %swap3A_46 = arith.constant 32 : index
    %swap3A_47 = tpu.vector_load %arg12[%swap3A_46] {strides = array<i32>} : memref<128xi32, #tpu.memory_space<vmem>>, vector<16xi32>,
    %swap3A_48 = vector.shape_cast %swap3A_47 : vector<16xi32> to vector<16xi32>
    %swap3A_49 = vector.shape_cast %add3A_45 : vector<16xi32> to vector<16xi32>
    tpu.vector_store %arg12[%swap3A_46], %swap3A_49 {strides = array<i32>} : memref<128xi32, #tpu.memory_space<vmem>>, vector<16xi32>,
    %get3A_50 = arith.constant 48 : index
    %get3A_51 = tpu.vector_load %arg10[%get3A_50] {strides = array<i32>} : memref<128xi32, #tpu.memory_space<vmem>>, vector<16xi32>,
    %get3A_52 = vector.shape_cast %get3A_51 : vector<16xi32> to vector<16xi32>
    %add3A_53 = vector.broadcast %mul3A_0 : i32 to vector<16xi32>
    %add3A_54 = arith.addi %get3A_52, %add3A_53 : vector<16xi32>
    %swap3A_55 = arith.constant 48 : index
    %swap3A_56 = tpu.vector_load %arg12[%swap3A_55] {strides = array<i32>} : memref<128xi32, #tpu.memory_space<vmem>>, vector<16xi32>,
    %swap3A_57 = vector.shape_cast %swap3A_56 : vector<16xi32> to vector<16xi32>
    %swap3A_58 = vector.shape_cast %add3A_54 : vector<16xi32> to vector<16xi32>
    tpu.vector_store %arg12[%swap3A_55], %swap3A_58 {strides = array<i32>} : memref<128xi32, #tpu.memory_space<vmem>>, vector<16xi32>,
    %get3A_59 = arith.constant 64 : index
    %get3A_60 = tpu.vector_load %arg10[%get3A_59] {strides = array<i32>} : memref<128xi32, #tpu.memory_space<vmem>>, vector<16xi32>,
    %get3A_61 = vector.shape_cast %get3A_60 : vector<16xi32> to vector<16xi32>
    %add3A_62 = vector.broadcast %mul3A_0 : i32 to vector<16xi32>
    %add3A_63 = arith.addi %get3A_61, %add3A_62 : vector<16xi32>
    %swap3A_64 = arith.constant 64 : index
    %swap3A_65 = tpu.vector_load %arg12[%swap3A_64] {strides = array<i32>} : memref<128xi32, #tpu.memory_space<vmem>>, vector<16xi32>,
    %swap3A_66 = vector.shape_cast %swap3A_65 : vector<16xi32> to vector<16xi32>
    %swap3A_67 = vector.shape_cast %add3A_63 : vector<16xi32> to vector<16xi32>
    tpu.vector_store %arg12[%swap3A_64], %swap3A_67 {strides = array<i32>} : memref<128xi32, #tpu.memory_space<vmem>>, vector<16xi32>,
    %dma_start3A_68 = arith.constant 0 : i32
    %dma_start3A_69 = arith.constant 0 : i32
    %dma_start3A_70 = tpu.memref_slice %arg8[%dma_start3A_68, %dma_start3A_69] : memref<128x32xbf16, #tpu.memory_space<vmem>> -> memref<80x32xbf16, #tpu.memory_space<vmem>>
    %dma_start3A_71 = arith.constant 0 : i32
    %dma_start3A_72 = tpu.memref_slice %arg12[%dma_start3A_71] : memref<128xi32, #tpu.memory_space<vmem>> -> memref<80xi32, #tpu.memory_space<vmem>>
    %dma_start3A_73 = arith.constant 0 : i32
    %dma_start3A_74 = arith.constant 0 : i32
    %dma_start3A_75 = tpu.memref_slice %arg2[%dma_start3A_73, %dma_start3A_74] : memref<100000x32xbf16, #tpu.memory_space<hbm>> -> memref<100000x32xbf16, #tpu.memory_space<hbm>>
    tpu.enqueue_indirect_dma source(%dma_start3A_75 : memref<100000x32xbf16, #tpu.memory_space<hbm>>) target(%dma_start3A_70 : memref<80x32xbf16, #tpu.memory_space<vmem>>) offsets(%dma_start3A_72 : memref<80xi32, #tpu.memory_space<vmem>>) semaphore(%arg17 : memref<!tpu.dma_semaphore, #tpu.memory_space<semaphore_mem>>)
    %dma_wait3A_76 = arith.constant 0 : i32
    %dma_wait3A_77 = arith.constant 0 : i32
    %dma_wait3A_78 = tpu.memref_slice %arg8[%dma_wait3A_76, %dma_wait3A_77] : memref<128x32xbf16, #tpu.memory_space<vmem>> -> memref<80x32xbf16, #tpu.memory_space<vmem>>
    %dma_wait3A_79 = arith.constant 0 : i32
    %dma_wait3A_80 = tpu.memref_slice %arg12[%dma_wait3A_79] : memref<128xi32, #tpu.memory_space<vmem>> -> memref<80xi32, #tpu.memory_space<vmem>>
    %dma_wait3A_81 = arith.constant 0 : i32
    %dma_wait3A_82 = arith.constant 0 : i32
    %dma_wait3A_83 = tpu.memref_slice %arg2[%dma_wait3A_81, %dma_wait3A_82] : memref<100000x32xbf16, #tpu.memory_space<hbm>> -> memref<100000x32xbf16, #tpu.memory_space<hbm>>
    tpu.wait_indirect_dma semaphore(%arg17 : memref<!tpu.dma_semaphore, #tpu.memory_space<semaphore_mem>>) src(%dma_wait3A_83 : memref<100000x32xbf16, #tpu.memory_space<hbm>>) dst(%dma_wait3A_78 : memref<80x32xbf16, #tpu.memory_space<vmem>>)
    "tpu.region"() ({
      %run_scoped3A = tpu.sem_alloc : memref<!tpu.dma_semaphore, #tpu.memory_space<semaphore_mem>>
      %dma_start3A_95 = arith.constant 0 : i32
      %dma_start3A_96 = arith.constant 0 : i32
      %dma_start3A_97 = tpu.memref_slice %arg8[%dma_start3A_95, %dma_start3A_96] : memref<128x32xbf16, #tpu.memory_space<vmem>> -> memref<80x32xbf16, #tpu.memory_space<vmem>>
      %dma_start3A_98 = arith.constant 0 : i32
      %dma_start3A_99 = arith.constant 0 : i32
      %dma_start3A_100 = tpu.memref_slice %arg7[%dma_start3A_98, %dma_start3A_99] : memref<50000x32xbf16, #tpu.memory_space<vmem_shared>> -> memref<50000x32xbf16, #tpu.memory_space<vmem_shared>>
      tpu.enqueue_indirect_dma source(%dma_start3A_97 : memref<80x32xbf16, #tpu.memory_space<vmem>>) target(%dma_start3A_100 : memref<50000x32xbf16, #tpu.memory_space<vmem_shared>>) offsets(%arg16 : memref<80xi32, #tpu.memory_space<vmem>>) semaphore(%run_scoped3A : memref<!tpu.dma_semaphore, #tpu.memory_space<semaphore_mem>>) {add = true}
      %dma_wait3A_101 = arith.constant 0 : i32
      %dma_wait3A_102 = arith.constant 0 : i32
      %dma_wait3A_103 = tpu.memref_slice %arg8[%dma_wait3A_101, %dma_wait3A_102] : memref<128x32xbf16, #tpu.memory_space<vmem>> -> memref<80x32xbf16, #tpu.memory_space<vmem>>
      %dma_wait3A_104 = arith.constant 0 : i32
      %dma_wait3A_105 = arith.constant 0 : i32
      %dma_wait3A_106 = tpu.memref_slice %arg7[%dma_wait3A_104, %dma_wait3A_105] : memref<50000x32xbf16, #tpu.memory_space<vmem_shared>> -> memref<50000x32xbf16, #tpu.memory_space<vmem_shared>>
      tpu.wait_indirect_dma semaphore(%run_scoped3A : memref<!tpu.dma_semaphore, #tpu.memory_space<semaphore_mem>>) src(%dma_wait3A_103 : memref<80x32xbf16, #tpu.memory_space<vmem>>) dst(%dma_wait3A_106 : memref<50000x32xbf16, #tpu.memory_space<vmem_shared>>)
      tpu.yield
    }) : () -> ()
    %barrier3A_84 = arith.constant 0 : index
    tpu.barrier barrier_id(%barrier3A_84)
    %lt3A_85 = arith.constant 15 : i32
    %lt3A_86 = arith.cmpi slt, %arg1, %lt3A_85 : i32
    %convert_element_type3A_87 = arith.extui %lt3A_86 : i1 to i32
    %cond3A_88 = arith.constant 0 : i32
    %cond3A_89 = arith.cmpi ne, %convert_element_type3A_87, %cond3A_88 : i32
    scf.if %cond3A_89 {
      %mul3A_95 = arith.constant 3128 : i32
      %mul3A_96 = arith.muli %arg1, %mul3A_95 : i32
      %mul3A_97 = arith.constant 3128 : i32
      %mul3A_98 = arith.muli %arg1, %mul3A_97 : i32
      "tpu.region"() ({
        %run_scoped3A = tpu.sem_alloc : memref<!tpu.dma_semaphore, #tpu.memory_space<semaphore_mem>>
        %dma_start3A_99 = arith.constant 0 : i32
        %dma_start3A_100 = tpu.memref_slice %arg6[%arg0, %mul3A_98, %dma_start3A_99] : memref<2x50000x32xbf16, #tpu.memory_space<hbm>> -> memref<1x3128x32xbf16, #tpu.memory_space<hbm>>
        %dma_start3A_101 = tpu.memref_squeeze %dma_start3A_100 : memref<1x3128x32xbf16, #tpu.memory_space<hbm>> -> memref<3128x32xbf16, #tpu.memory_space<hbm>>
        %dma_start3A_102 = arith.constant 0 : i32
        %dma_start3A_103 = tpu.memref_slice %arg7[%mul3A_96, %dma_start3A_102] : memref<50000x32xbf16, #tpu.memory_space<vmem_shared>> -> memref<3128x32xbf16, #tpu.memory_space<vmem_shared>>
        tpu.enqueue_dma source(%dma_start3A_103 : memref<3128x32xbf16, #tpu.memory_space<vmem_shared>>) target(%dma_start3A_101 : memref<3128x32xbf16, #tpu.memory_space<hbm>>) target_semaphore(%run_scoped3A : memref<!tpu.dma_semaphore, #tpu.memory_space<semaphore_mem>>)
        %dma_wait3A_104 = arith.constant 0 : i32
        %dma_wait3A_105 = tpu.memref_slice %arg6[%arg0, %mul3A_98, %dma_wait3A_104] : memref<2x50000x32xbf16, #tpu.memory_space<hbm>> -> memref<1x3128x32xbf16, #tpu.memory_space<hbm>>
        %dma_wait3A_106 = tpu.memref_squeeze %dma_wait3A_105 : memref<1x3128x32xbf16, #tpu.memory_space<hbm>> -> memref<3128x32xbf16, #tpu.memory_space<hbm>>
        %dma_wait3A_107 = arith.constant 0 : i32
        %dma_wait3A_108 = tpu.memref_slice %arg7[%mul3A_96, %dma_wait3A_107] : memref<50000x32xbf16, #tpu.memory_space<vmem_shared>> -> memref<3128x32xbf16, #tpu.memory_space<vmem_shared>>
        tpu.wait_dma2 semaphore(%run_scoped3A : memref<!tpu.dma_semaphore, #tpu.memory_space<semaphore_mem>>) src(%dma_wait3A_108 : memref<3128x32xbf16, #tpu.memory_space<vmem_shared>>) dst(%dma_wait3A_106 : memref<3128x32xbf16, #tpu.memory_space<hbm>>)
        tpu.yield
      }) : () -> ()
    } else {
    }
    %eq3A_90 = arith.constant 15 : i32
    %eq3A_91 = arith.cmpi eq, %arg1, %eq3A_90 : i32
    %convert_element_type3A_92 = arith.extui %eq3A_91 : i1 to i32
    %cond3A_93 = arith.constant 0 : i32
    %cond3A_94 = arith.cmpi ne, %convert_element_type3A_92, %cond3A_93 : i32
    scf.if %cond3A_94 {
      "tpu.region"() ({
        %run_scoped3A = tpu.sem_alloc : memref<!tpu.dma_semaphore, #tpu.memory_space<semaphore_mem>>
        %dma_start3A_95 = arith.constant 46920 : i32
        %dma_start3A_96 = arith.constant 0 : i32
        %dma_start3A_97 = tpu.memref_slice %arg6[%arg0, %dma_start3A_95, %dma_start3A_96] : memref<2x50000x32xbf16, #tpu.memory_space<hbm>> -> memref<1x3080x32xbf16, #tpu.memory_space<hbm>>
        %dma_start3A_98 = tpu.memref_squeeze %dma_start3A_97 : memref<1x3080x32xbf16, #tpu.memory_space<hbm>> -> memref<3080x32xbf16, #tpu.memory_space<hbm>>
        %dma_start3A_99 = arith.constant 46920 : i32
        %dma_start3A_100 = arith.constant 0 : i32
        %dma_start3A_101 = tpu.memref_slice %arg7[%dma_start3A_99, %dma_start3A_100] : memref<50000x32xbf16, #tpu.memory_space<vmem_shared>> -> memref<3080x32xbf16, #tpu.memory_space<vmem_shared>>
        tpu.enqueue_dma source(%dma_start3A_101 : memref<3080x32xbf16, #tpu.memory_space<vmem_shared>>) target(%dma_start3A_98 : memref<3080x32xbf16, #tpu.memory_space<hbm>>) target_semaphore(%run_scoped3A : memref<!tpu.dma_semaphore, #tpu.memory_space<semaphore_mem>>)
        %dma_wait3A_102 = arith.constant 46920 : i32
        %dma_wait3A_103 = arith.constant 0 : i32
        %dma_wait3A_104 = tpu.memref_slice %arg6[%arg0, %dma_wait3A_102, %dma_wait3A_103] : memref<2x50000x32xbf16, #tpu.memory_space<hbm>> -> memref<1x3080x32xbf16, #tpu.memory_space<hbm>>
        %dma_wait3A_105 = tpu.memref_squeeze %dma_wait3A_104 : memref<1x3080x32xbf16, #tpu.memory_space<hbm>> -> memref<3080x32xbf16, #tpu.memory_space<hbm>>
        %dma_wait3A_106 = arith.constant 46920 : i32
        %dma_wait3A_107 = arith.constant 0 : i32
        %dma_wait3A_108 = tpu.memref_slice %arg7[%dma_wait3A_106, %dma_wait3A_107] : memref<50000x32xbf16, #tpu.memory_space<vmem_shared>> -> memref<3080x32xbf16, #tpu.memory_space<vmem_shared>>
        tpu.wait_dma2 semaphore(%run_scoped3A : memref<!tpu.dma_semaphore, #tpu.memory_space<semaphore_mem>>) src(%dma_wait3A_108 : memref<3080x32xbf16, #tpu.memory_space<vmem_shared>>) dst(%dma_wait3A_105 : memref<3080x32xbf16, #tpu.memory_space<hbm>>)
        tpu.yield
      }) : () -> ()
    } else {
    }
    return
  }
}

#map = affine_map<(d0, d1) -> (0, 0)>
#map1 = affine_map<(d0, d1) -> (0)>
#map2 = affine_map<(d0, d1) -> (0, 0, 0)>
module attributes {stable_mosaic.version = 14 : i64} {
  func.func @body(%arg0: i32, %arg1: i32, %arg2: memref<100000x32xbf16, #tpu.memory_space<hbm>>, %arg3: memref<800000xi32, #tpu.memory_space<hbm>>, %arg4: memref<800000xi32, #tpu.memory_space<hbm>>, %arg5: memref<3128x32xbf16, #tpu.memory_space<hbm>>, %arg6: memref<2x50000x32xbf16, #tpu.memory_space<hbm>>, %arg7: memref<50000x32xbf16, #tpu.memory_space<vmem_shared>>, %arg8: memref<128x32xbf16, #tpu.memory_space<vmem>>, %arg9: memref<128x32xbf16, #tpu.memory_space<vmem>>, %arg10: memref<128xi32, #tpu.memory_space<vmem>>, %arg11: memref<128xi32, #tpu.memory_space<vmem>>, %arg12: memref<128xi32, #tpu.memory_space<vmem>>, %arg13: memref<128xi32, #tpu.memory_space<vmem>>, %arg14: memref<128xi32, #tpu.memory_space<vmem>>, %arg15: memref<128xi32, #tpu.memory_space<vmem>>, %arg16: memref<80xi32, #tpu.memory_space<vmem>>, %arg17: memref<!tpu.dma_semaphore, #tpu.memory_space<semaphore_mem>>, %arg18: memref<!tpu.dma_semaphore, #tpu.memory_space<semaphore_mem>>, %arg19: memref<!tpu.dma_semaphore, #tpu.memory_space<semaphore_mem>>, %arg20: memref<!tpu.dma_semaphore, #tpu.memory_space<semaphore_mem>>) attributes {dimension_semantics = [#tpu.dimension_semantics<core_parallel>, #tpu.dimension_semantics<subcore_parallel>], iteration_bounds = array<i64: 2, 16>, scalar_prefetch = 0 : i64, scratch_operands = 14 : i64, tpu.core_type = #tpu.core_type<sc_vector_subcore>, window_params = [{transform_indices = #map}, {transform_indices = #map1}, {transform_indices = #map1}, {transform_indices = #map}, {transform_indices = #map2}]} {
    %mul3A = arith.constant 50000 : i32
    %mul3A_0 = arith.muli %arg0, %mul3A : i32
    %lt3A = arith.constant 15 : i32
    %lt3A_1 = arith.cmpi slt, %arg1, %lt3A : i32
    %convert_element_type3A = arith.extui %lt3A_1 : i1 to i32
    %cond3A = arith.constant 0 : i32
    %cond3A_2 = arith.cmpi ne, %convert_element_type3A, %cond3A : i32
    scf.if %cond3A_2 {
      %mul3A_95 = arith.constant 3128 : i32
      %mul3A_96 = arith.muli %arg1, %mul3A_95 : i32
      "tpu.region"() ({
        %run_scoped3A = tpu.sem_alloc : memref<!tpu.dma_semaphore, #tpu.memory_space<semaphore_mem>>
        %dma_start3A_97 = arith.constant 0 : i32
        %dma_start3A_98 = tpu.memref_slice %arg7[%mul3A_96, %dma_start3A_97] : memref<50000x32xbf16, #tpu.memory_space<vmem_shared>> -> memref<3128x32xbf16, #tpu.memory_space<vmem_shared>>
        tpu.enqueue_dma source(%arg5 : memref<3128x32xbf16, #tpu.memory_space<hbm>>) target(%dma_start3A_98 : memref<3128x32xbf16, #tpu.memory_space<vmem_shared>>) target_semaphore(%run_scoped3A : memref<!tpu.dma_semaphore, #tpu.memory_space<semaphore_mem>>)
        %dma_wait3A_99 = arith.constant 0 : i32
        %dma_wait3A_100 = tpu.memref_slice %arg7[%mul3A_96, %dma_wait3A_99] : memref<50000x32xbf16, #tpu.memory_space<vmem_shared>> -> memref<3128x32xbf16, #tpu.memory_space<vmem_shared>>
        tpu.wait_dma2 semaphore(%run_scoped3A : memref<!tpu.dma_semaphore, #tpu.memory_space<semaphore_mem>>) src(%arg5 : memref<3128x32xbf16, #tpu.memory_space<hbm>>) dst(%dma_wait3A_100 : memref<3128x32xbf16, #tpu.memory_space<vmem_shared>>)
        tpu.yield
      }) : () -> ()
    } else {
    }
    %eq3A = arith.constant 15 : i32
    %eq3A_3 = arith.cmpi eq, %arg1, %eq3A : i32
    %convert_element_type3A_4 = arith.extui %eq3A_3 : i1 to i32
    %cond3A_5 = arith.constant 0 : i32
    %cond3A_6 = arith.cmpi ne, %convert_element_type3A_4, %cond3A_5 : i32
    scf.if %cond3A_6 {
      "tpu.region"() ({
        %run_scoped3A = tpu.sem_alloc : memref<!tpu.dma_semaphore, #tpu.memory_space<semaphore_mem>>
        %dma_start3A_95 = arith.constant 46920 : i32
        %dma_start3A_96 = arith.constant 0 : i32
        %dma_start3A_97 = tpu.memref_slice %arg7[%dma_start3A_95, %dma_start3A_96] : memref<50000x32xbf16, #tpu.memory_space<vmem_shared>> -> memref<3080x32xbf16, #tpu.memory_space<vmem_shared>>
        %dma_start3A_98 = arith.constant 0 : i32
        %dma_start3A_99 = arith.constant 0 : i32
        %dma_start3A_100 = tpu.memref_slice %arg5[%dma_start3A_98, %dma_start3A_99] : memref<3128x32xbf16, #tpu.memory_space<hbm>> -> memref<3080x32xbf16, #tpu.memory_space<hbm>>
        tpu.enqueue_dma source(%dma_start3A_100 : memref<3080x32xbf16, #tpu.memory_space<hbm>>) target(%dma_start3A_97 : memref<3080x32xbf16, #tpu.memory_space<vmem_shared>>) target_semaphore(%run_scoped3A : memref<!tpu.dma_semaphore, #tpu.memory_space<semaphore_mem>>)
        %dma_wait3A_101 = arith.constant 46920 : i32
        %dma_wait3A_102 = arith.constant 0 : i32
        %dma_wait3A_103 = tpu.memref_slice %arg7[%dma_wait3A_101, %dma_wait3A_102] : memref<50000x32xbf16, #tpu.memory_space<vmem_shared>> -> memref<3080x32xbf16, #tpu.memory_space<vmem_shared>>
        %dma_wait3A_104 = arith.constant 0 : i32
        %dma_wait3A_105 = arith.constant 0 : i32
        %dma_wait3A_106 = tpu.memref_slice %arg5[%dma_wait3A_104, %dma_wait3A_105] : memref<3128x32xbf16, #tpu.memory_space<hbm>> -> memref<3080x32xbf16, #tpu.memory_space<hbm>>
        tpu.wait_dma2 semaphore(%run_scoped3A : memref<!tpu.dma_semaphore, #tpu.memory_space<semaphore_mem>>) src(%dma_wait3A_106 : memref<3080x32xbf16, #tpu.memory_space<hbm>>) dst(%dma_wait3A_103 : memref<3080x32xbf16, #tpu.memory_space<vmem_shared>>)
        tpu.yield
      }) : () -> ()
    } else {
    }
    %barrier3A = arith.constant 0 : index
    tpu.barrier barrier_id(%barrier3A)
    %mul3A_7 = arith.constant 50000 : i32
    %mul3A_8 = arith.muli %arg1, %mul3A_7 : i32
    %add3A = arith.constant 0 : i32
    %add3A_9 = arith.addi %mul3A_8, %add3A : i32
    %dma_start3A = tpu.memref_slice %arg3[%add3A_9] : memref<800000xi32, #tpu.memory_space<hbm>> -> memref<128xi32, #tpu.memory_space<hbm>>
    %dma_start3A_10 = tpu.memref_slice %arg3[%add3A_9] : memref<800000xi32, #tpu.memory_space<hbm>> -> memref<128xi32, #tpu.memory_space<hbm>>
    tpu.enqueue_dma source(%dma_start3A_10 : memref<128xi32, #tpu.memory_space<hbm>>) target(%arg10 : memref<128xi32, #tpu.memory_space<vmem>>) target_semaphore(%arg19 : memref<!tpu.dma_semaphore, #tpu.memory_space<semaphore_mem>>)
    %dma_start3A_11 = tpu.memref_slice %arg4[%add3A_9] : memref<800000xi32, #tpu.memory_space<hbm>> -> memref<128xi32, #tpu.memory_space<hbm>>
    %dma_start3A_12 = tpu.memref_slice %arg4[%add3A_9] : memref<800000xi32, #tpu.memory_space<hbm>> -> memref<128xi32, #tpu.memory_space<hbm>>
    tpu.enqueue_dma source(%dma_start3A_12 : memref<128xi32, #tpu.memory_space<hbm>>) target(%arg14 : memref<128xi32, #tpu.memory_space<vmem>>) target_semaphore(%arg19 : memref<!tpu.dma_semaphore, #tpu.memory_space<semaphore_mem>>)
    %scan3A = arith.constant 0 : i32
    %scan3A_13 = arith.constant 0 : i32
    %scan3A_14 = arith.constant 195 : i32
    %scan3A_15 = arith.addi %scan3A_13, %scan3A_14 : i32
    %scan3A_16 = arith.constant 1 : i32
    scf.for %scan3A_95 = %scan3A_13 to %scan3A_15 step %scan3A_16  : i32 {
      %mul3A_96 = arith.constant 2 : i32
      %mul3A_97 = arith.muli %mul3A_96, %scan3A_95 : i32
      %gt3A = arith.constant 0 : i32
      %gt3A_98 = arith.cmpi sgt, %scan3A_95, %gt3A : i32
      %convert_element_type3A_99 = arith.extui %gt3A_98 : i1 to i32
      %cond3A_100 = arith.constant 0 : i32
      %cond3A_101 = arith.cmpi ne, %convert_element_type3A_99, %cond3A_100 : i32
      scf.if %cond3A_101 {
        %dma_wait3A_290 = arith.constant 0 : i32
        %dma_wait3A_291 = arith.constant 0 : i32
        %dma_wait3A_292 = tpu.memref_slice %arg2[%dma_wait3A_290, %dma_wait3A_291] : memref<100000x32xbf16, #tpu.memory_space<hbm>> -> memref<128x32xbf16, #tpu.memory_space<hbm>>
        %dma_wait3A_293 = arith.constant 0 : i32
        %dma_wait3A_294 = arith.constant 0 : i32
        %dma_wait3A_295 = tpu.memref_slice %arg2[%dma_wait3A_293, %dma_wait3A_294] : memref<100000x32xbf16, #tpu.memory_space<hbm>> -> memref<128x32xbf16, #tpu.memory_space<hbm>>
        tpu.wait_dma2 semaphore(%arg18 : memref<!tpu.dma_semaphore, #tpu.memory_space<semaphore_mem>>) src(%dma_wait3A_295 : memref<128x32xbf16, #tpu.memory_space<hbm>>) dst(%arg9 : memref<128x32xbf16, #tpu.memory_space<vmem>>)
        "tpu.region"() ({
          %run_scoped3A = tpu.sem_alloc : memref<!tpu.dma_semaphore, #tpu.memory_space<semaphore_mem>>
          %dma_start3A_296 = arith.constant 0 : i32
          %dma_start3A_297 = arith.constant 0 : i32
          %dma_start3A_298 = tpu.memref_slice %arg7[%dma_start3A_296, %dma_start3A_297] : memref<50000x32xbf16, #tpu.memory_space<vmem_shared>> -> memref<50000x32xbf16, #tpu.memory_space<vmem_shared>>
          tpu.enqueue_indirect_dma source(%arg9 : memref<128x32xbf16, #tpu.memory_space<vmem>>) target(%dma_start3A_298 : memref<50000x32xbf16, #tpu.memory_space<vmem_shared>>) offsets(%arg15 : memref<128xi32, #tpu.memory_space<vmem>>) semaphore(%run_scoped3A : memref<!tpu.dma_semaphore, #tpu.memory_space<semaphore_mem>>) {add = true}
          %dma_wait3A_299 = arith.constant 0 : i32
          %dma_wait3A_300 = arith.constant 0 : i32
          %dma_wait3A_301 = tpu.memref_slice %arg7[%dma_wait3A_299, %dma_wait3A_300] : memref<50000x32xbf16, #tpu.memory_space<vmem_shared>> -> memref<50000x32xbf16, #tpu.memory_space<vmem_shared>>
          tpu.wait_indirect_dma semaphore(%run_scoped3A : memref<!tpu.dma_semaphore, #tpu.memory_space<semaphore_mem>>) src(%arg9 : memref<128x32xbf16, #tpu.memory_space<vmem>>) dst(%dma_wait3A_301 : memref<50000x32xbf16, #tpu.memory_space<vmem_shared>>)
          tpu.yield
        }) : () -> ()
      } else {
      }
      %add3A_102 = arith.constant 1 : i32
      %add3A_103 = arith.addi %mul3A_97, %add3A_102 : i32
      %mul3A_104 = arith.constant 128 : i32
      %mul3A_105 = arith.muli %add3A_103, %mul3A_104 : i32
      %add3A_106 = arith.addi %mul3A_8, %mul3A_105 : i32
      %dma_start3A_107 = tpu.memref_slice %arg3[%add3A_106] : memref<800000xi32, #tpu.memory_space<hbm>> -> memref<128xi32, #tpu.memory_space<hbm>>
      %dma_start3A_108 = tpu.memref_slice %arg3[%add3A_106] : memref<800000xi32, #tpu.memory_space<hbm>> -> memref<128xi32, #tpu.memory_space<hbm>>
      tpu.enqueue_dma source(%dma_start3A_108 : memref<128xi32, #tpu.memory_space<hbm>>) target(%arg11 : memref<128xi32, #tpu.memory_space<vmem>>) target_semaphore(%arg20 : memref<!tpu.dma_semaphore, #tpu.memory_space<semaphore_mem>>)
      %dma_start3A_109 = tpu.memref_slice %arg4[%add3A_106] : memref<800000xi32, #tpu.memory_space<hbm>> -> memref<128xi32, #tpu.memory_space<hbm>>
      %dma_start3A_110 = tpu.memref_slice %arg4[%add3A_106] : memref<800000xi32, #tpu.memory_space<hbm>> -> memref<128xi32, #tpu.memory_space<hbm>>
      tpu.enqueue_dma source(%dma_start3A_110 : memref<128xi32, #tpu.memory_space<hbm>>) target(%arg15 : memref<128xi32, #tpu.memory_space<vmem>>) target_semaphore(%arg20 : memref<!tpu.dma_semaphore, #tpu.memory_space<semaphore_mem>>)
      %mul3A_111 = arith.constant 128 : i32
      %mul3A_112 = arith.muli %mul3A_97, %mul3A_111 : i32
      %add3A_113 = arith.addi %mul3A_8, %mul3A_112 : i32
      %dma_wait3A_114 = tpu.memref_slice %arg3[%add3A_113] : memref<800000xi32, #tpu.memory_space<hbm>> -> memref<128xi32, #tpu.memory_space<hbm>>
      %dma_wait3A_115 = tpu.memref_slice %arg3[%add3A_113] : memref<800000xi32, #tpu.memory_space<hbm>> -> memref<128xi32, #tpu.memory_space<hbm>>
      tpu.wait_dma2 semaphore(%arg19 : memref<!tpu.dma_semaphore, #tpu.memory_space<semaphore_mem>>) src(%dma_wait3A_115 : memref<128xi32, #tpu.memory_space<hbm>>) dst(%arg10 : memref<128xi32, #tpu.memory_space<vmem>>)
      %dma_wait3A_116 = tpu.memref_slice %arg4[%add3A_113] : memref<800000xi32, #tpu.memory_space<hbm>> -> memref<128xi32, #tpu.memory_space<hbm>>
      %dma_wait3A_117 = tpu.memref_slice %arg4[%add3A_113] : memref<800000xi32, #tpu.memory_space<hbm>> -> memref<128xi32, #tpu.memory_space<hbm>>
      tpu.wait_dma2 semaphore(%arg19 : memref<!tpu.dma_semaphore, #tpu.memory_space<semaphore_mem>>) src(%dma_wait3A_117 : memref<128xi32, #tpu.memory_space<hbm>>) dst(%arg14 : memref<128xi32, #tpu.memory_space<vmem>>)
      %get3A_118 = arith.constant 0 : index
      %get3A_119 = tpu.vector_load %arg10[%get3A_118] {strides = array<i32>} : memref<128xi32, #tpu.memory_space<vmem>>, vector<16xi32>,
      %get3A_120 = vector.shape_cast %get3A_119 : vector<16xi32> to vector<16xi32>
      %add3A_121 = vector.broadcast %mul3A_0 : i32 to vector<16xi32>
      %add3A_122 = arith.addi %get3A_120, %add3A_121 : vector<16xi32>
      %swap3A_123 = arith.constant 0 : index
      %swap3A_124 = tpu.vector_load %arg12[%swap3A_123] {strides = array<i32>} : memref<128xi32, #tpu.memory_space<vmem>>, vector<16xi32>,
      %swap3A_125 = vector.shape_cast %swap3A_124 : vector<16xi32> to vector<16xi32>
      %swap3A_126 = vector.shape_cast %add3A_122 : vector<16xi32> to vector<16xi32>
      tpu.vector_store %arg12[%swap3A_123], %swap3A_126 {strides = array<i32>} : memref<128xi32, #tpu.memory_space<vmem>>, vector<16xi32>,
      %get3A_127 = arith.constant 16 : index
      %get3A_128 = tpu.vector_load %arg10[%get3A_127] {strides = array<i32>} : memref<128xi32, #tpu.memory_space<vmem>>, vector<16xi32>,
      %get3A_129 = vector.shape_cast %get3A_128 : vector<16xi32> to vector<16xi32>
      %add3A_130 = vector.broadcast %mul3A_0 : i32 to vector<16xi32>
      %add3A_131 = arith.addi %get3A_129, %add3A_130 : vector<16xi32>
      %swap3A_132 = arith.constant 16 : index
      %swap3A_133 = tpu.vector_load %arg12[%swap3A_132] {strides = array<i32>} : memref<128xi32, #tpu.memory_space<vmem>>, vector<16xi32>,
      %swap3A_134 = vector.shape_cast %swap3A_133 : vector<16xi32> to vector<16xi32>
      %swap3A_135 = vector.shape_cast %add3A_131 : vector<16xi32> to vector<16xi32>
      tpu.vector_store %arg12[%swap3A_132], %swap3A_135 {strides = array<i32>} : memref<128xi32, #tpu.memory_space<vmem>>, vector<16xi32>,
      %get3A_136 = arith.constant 32 : index
      %get3A_137 = tpu.vector_load %arg10[%get3A_136] {strides = array<i32>} : memref<128xi32, #tpu.memory_space<vmem>>, vector<16xi32>,
      %get3A_138 = vector.shape_cast %get3A_137 : vector<16xi32> to vector<16xi32>
      %add3A_139 = vector.broadcast %mul3A_0 : i32 to vector<16xi32>
      %add3A_140 = arith.addi %get3A_138, %add3A_139 : vector<16xi32>
      %swap3A_141 = arith.constant 32 : index
      %swap3A_142 = tpu.vector_load %arg12[%swap3A_141] {strides = array<i32>} : memref<128xi32, #tpu.memory_space<vmem>>, vector<16xi32>,
      %swap3A_143 = vector.shape_cast %swap3A_142 : vector<16xi32> to vector<16xi32>
      %swap3A_144 = vector.shape_cast %add3A_140 : vector<16xi32> to vector<16xi32>
      tpu.vector_store %arg12[%swap3A_141], %swap3A_144 {strides = array<i32>} : memref<128xi32, #tpu.memory_space<vmem>>, vector<16xi32>,
      %get3A_145 = arith.constant 48 : index
      %get3A_146 = tpu.vector_load %arg10[%get3A_145] {strides = array<i32>} : memref<128xi32, #tpu.memory_space<vmem>>, vector<16xi32>,
      %get3A_147 = vector.shape_cast %get3A_146 : vector<16xi32> to vector<16xi32>
      %add3A_148 = vector.broadcast %mul3A_0 : i32 to vector<16xi32>
      %add3A_149 = arith.addi %get3A_147, %add3A_148 : vector<16xi32>
      %swap3A_150 = arith.constant 48 : index
      %swap3A_151 = tpu.vector_load %arg12[%swap3A_150] {strides = array<i32>} : memref<128xi32, #tpu.memory_space<vmem>>, vector<16xi32>,
      %swap3A_152 = vector.shape_cast %swap3A_151 : vector<16xi32> to vector<16xi32>
      %swap3A_153 = vector.shape_cast %add3A_149 : vector<16xi32> to vector<16xi32>
      tpu.vector_store %arg12[%swap3A_150], %swap3A_153 {strides = array<i32>} : memref<128xi32, #tpu.memory_space<vmem>>, vector<16xi32>,
      %get3A_154 = arith.constant 64 : index
      %get3A_155 = tpu.vector_load %arg10[%get3A_154] {strides = array<i32>} : memref<128xi32, #tpu.memory_space<vmem>>, vector<16xi32>,
      %get3A_156 = vector.shape_cast %get3A_155 : vector<16xi32> to vector<16xi32>
      %add3A_157 = vector.broadcast %mul3A_0 : i32 to vector<16xi32>
      %add3A_158 = arith.addi %get3A_156, %add3A_157 : vector<16xi32>
      %swap3A_159 = arith.constant 64 : index
      %swap3A_160 = tpu.vector_load %arg12[%swap3A_159] {strides = array<i32>} : memref<128xi32, #tpu.memory_space<vmem>>, vector<16xi32>,
      %swap3A_161 = vector.shape_cast %swap3A_160 : vector<16xi32> to vector<16xi32>
      %swap3A_162 = vector.shape_cast %add3A_158 : vector<16xi32> to vector<16xi32>
      tpu.vector_store %arg12[%swap3A_159], %swap3A_162 {strides = array<i32>} : memref<128xi32, #tpu.memory_space<vmem>>, vector<16xi32>,
      %get3A_163 = arith.constant 80 : index
      %get3A_164 = tpu.vector_load %arg10[%get3A_163] {strides = array<i32>} : memref<128xi32, #tpu.memory_space<vmem>>, vector<16xi32>,
      %get3A_165 = vector.shape_cast %get3A_164 : vector<16xi32> to vector<16xi32>
      %add3A_166 = vector.broadcast %mul3A_0 : i32 to vector<16xi32>
      %add3A_167 = arith.addi %get3A_165, %add3A_166 : vector<16xi32>
      %swap3A_168 = arith.constant 80 : index
      %swap3A_169 = tpu.vector_load %arg12[%swap3A_168] {strides = array<i32>} : memref<128xi32, #tpu.memory_space<vmem>>, vector<16xi32>,
      %swap3A_170 = vector.shape_cast %swap3A_169 : vector<16xi32> to vector<16xi32>
      %swap3A_171 = vector.shape_cast %add3A_167 : vector<16xi32> to vector<16xi32>
      tpu.vector_store %arg12[%swap3A_168], %swap3A_171 {strides = array<i32>} : memref<128xi32, #tpu.memory_space<vmem>>, vector<16xi32>,
      %get3A_172 = arith.constant 96 : index
      %get3A_173 = tpu.vector_load %arg10[%get3A_172] {strides = array<i32>} : memref<128xi32, #tpu.memory_space<vmem>>, vector<16xi32>,
      %get3A_174 = vector.shape_cast %get3A_173 : vector<16xi32> to vector<16xi32>
      %add3A_175 = vector.broadcast %mul3A_0 : i32 to vector<16xi32>
      %add3A_176 = arith.addi %get3A_174, %add3A_175 : vector<16xi32>
      %swap3A_177 = arith.constant 96 : index
      %swap3A_178 = tpu.vector_load %arg12[%swap3A_177] {strides = array<i32>} : memref<128xi32, #tpu.memory_space<vmem>>, vector<16xi32>,
      %swap3A_179 = vector.shape_cast %swap3A_178 : vector<16xi32> to vector<16xi32>
      %swap3A_180 = vector.shape_cast %add3A_176 : vector<16xi32> to vector<16xi32>
      tpu.vector_store %arg12[%swap3A_177], %swap3A_180 {strides = array<i32>} : memref<128xi32, #tpu.memory_space<vmem>>, vector<16xi32>,
      %get3A_181 = arith.constant 112 : index
      %get3A_182 = tpu.vector_load %arg10[%get3A_181] {strides = array<i32>} : memref<128xi32, #tpu.memory_space<vmem>>, vector<16xi32>,
      %get3A_183 = vector.shape_cast %get3A_182 : vector<16xi32> to vector<16xi32>
      %add3A_184 = vector.broadcast %mul3A_0 : i32 to vector<16xi32>
      %add3A_185 = arith.addi %get3A_183, %add3A_184 : vector<16xi32>
      %swap3A_186 = arith.constant 112 : index
      %swap3A_187 = tpu.vector_load %arg12[%swap3A_186] {strides = array<i32>} : memref<128xi32, #tpu.memory_space<vmem>>, vector<16xi32>,
      %swap3A_188 = vector.shape_cast %swap3A_187 : vector<16xi32> to vector<16xi32>
      %swap3A_189 = vector.shape_cast %add3A_185 : vector<16xi32> to vector<16xi32>
      tpu.vector_store %arg12[%swap3A_186], %swap3A_189 {strides = array<i32>} : memref<128xi32, #tpu.memory_space<vmem>>, vector<16xi32>,
      %dma_start3A_190 = arith.constant 0 : i32
      %dma_start3A_191 = arith.constant 0 : i32
      %dma_start3A_192 = tpu.memref_slice %arg2[%dma_start3A_190, %dma_start3A_191] : memref<100000x32xbf16, #tpu.memory_space<hbm>> -> memref<100000x32xbf16, #tpu.memory_space<hbm>>
      tpu.enqueue_indirect_dma source(%dma_start3A_192 : memref<100000x32xbf16, #tpu.memory_space<hbm>>) target(%arg8 : memref<128x32xbf16, #tpu.memory_space<vmem>>) offsets(%arg12 : memref<128xi32, #tpu.memory_space<vmem>>) semaphore(%arg17 : memref<!tpu.dma_semaphore, #tpu.memory_space<semaphore_mem>>)
      %add3A_193 = arith.constant 1 : i32
      %add3A_194 = arith.addi %mul3A_97, %add3A_193 : i32
      %mul3A_195 = arith.constant 128 : i32
      %mul3A_196 = arith.muli %add3A_194, %mul3A_195 : i32
      %add3A_197 = arith.addi %mul3A_8, %mul3A_196 : i32
      %dma_wait3A_198 = tpu.memref_slice %arg3[%add3A_197] : memref<800000xi32, #tpu.memory_space<hbm>> -> memref<128xi32, #tpu.memory_space<hbm>>
      %dma_wait3A_199 = tpu.memref_slice %arg3[%add3A_197] : memref<800000xi32, #tpu.memory_space<hbm>> -> memref<128xi32, #tpu.memory_space<hbm>>
      tpu.wait_dma2 semaphore(%arg20 : memref<!tpu.dma_semaphore, #tpu.memory_space<semaphore_mem>>) src(%dma_wait3A_199 : memref<128xi32, #tpu.memory_space<hbm>>) dst(%arg11 : memref<128xi32, #tpu.memory_space<vmem>>)
      %dma_wait3A_200 = tpu.memref_slice %arg4[%add3A_197] : memref<800000xi32, #tpu.memory_space<hbm>> -> memref<128xi32, #tpu.memory_space<hbm>>
      %dma_wait3A_201 = tpu.memref_slice %arg4[%add3A_197] : memref<800000xi32, #tpu.memory_space<hbm>> -> memref<128xi32, #tpu.memory_space<hbm>>
      tpu.wait_dma2 semaphore(%arg20 : memref<!tpu.dma_semaphore, #tpu.memory_space<semaphore_mem>>) src(%dma_wait3A_201 : memref<128xi32, #tpu.memory_space<hbm>>) dst(%arg15 : memref<128xi32, #tpu.memory_space<vmem>>)
      %get3A_202 = arith.constant 0 : index
      %get3A_203 = tpu.vector_load %arg11[%get3A_202] {strides = array<i32>} : memref<128xi32, #tpu.memory_space<vmem>>, vector<16xi32>,
      %get3A_204 = vector.shape_cast %get3A_203 : vector<16xi32> to vector<16xi32>
      %add3A_205 = vector.broadcast %mul3A_0 : i32 to vector<16xi32>
      %add3A_206 = arith.addi %get3A_204, %add3A_205 : vector<16xi32>
      %swap3A_207 = arith.constant 0 : index
      %swap3A_208 = tpu.vector_load %arg13[%swap3A_207] {strides = array<i32>} : memref<128xi32, #tpu.memory_space<vmem>>, vector<16xi32>,
      %swap3A_209 = vector.shape_cast %swap3A_208 : vector<16xi32> to vector<16xi32>
      %swap3A_210 = vector.shape_cast %add3A_206 : vector<16xi32> to vector<16xi32>
      tpu.vector_store %arg13[%swap3A_207], %swap3A_210 {strides = array<i32>} : memref<128xi32, #tpu.memory_space<vmem>>, vector<16xi32>,
      %get3A_211 = arith.constant 16 : index
      %get3A_212 = tpu.vector_load %arg11[%get3A_211] {strides = array<i32>} : memref<128xi32, #tpu.memory_space<vmem>>, vector<16xi32>,
      %get3A_213 = vector.shape_cast %get3A_212 : vector<16xi32> to vector<16xi32>
      %add3A_214 = vector.broadcast %mul3A_0 : i32 to vector<16xi32>
      %add3A_215 = arith.addi %get3A_213, %add3A_214 : vector<16xi32>
      %swap3A_216 = arith.constant 16 : index
      %swap3A_217 = tpu.vector_load %arg13[%swap3A_216] {strides = array<i32>} : memref<128xi32, #tpu.memory_space<vmem>>, vector<16xi32>,
      %swap3A_218 = vector.shape_cast %swap3A_217 : vector<16xi32> to vector<16xi32>
      %swap3A_219 = vector.shape_cast %add3A_215 : vector<16xi32> to vector<16xi32>
      tpu.vector_store %arg13[%swap3A_216], %swap3A_219 {strides = array<i32>} : memref<128xi32, #tpu.memory_space<vmem>>, vector<16xi32>,
      %get3A_220 = arith.constant 32 : index
      %get3A_221 = tpu.vector_load %arg11[%get3A_220] {strides = array<i32>} : memref<128xi32, #tpu.memory_space<vmem>>, vector<16xi32>,
      %get3A_222 = vector.shape_cast %get3A_221 : vector<16xi32> to vector<16xi32>
      %add3A_223 = vector.broadcast %mul3A_0 : i32 to vector<16xi32>
      %add3A_224 = arith.addi %get3A_222, %add3A_223 : vector<16xi32>
      %swap3A_225 = arith.constant 32 : index
      %swap3A_226 = tpu.vector_load %arg13[%swap3A_225] {strides = array<i32>} : memref<128xi32, #tpu.memory_space<vmem>>, vector<16xi32>,
      %swap3A_227 = vector.shape_cast %swap3A_226 : vector<16xi32> to vector<16xi32>
      %swap3A_228 = vector.shape_cast %add3A_224 : vector<16xi32> to vector<16xi32>
      tpu.vector_store %arg13[%swap3A_225], %swap3A_228 {strides = array<i32>} : memref<128xi32, #tpu.memory_space<vmem>>, vector<16xi32>,
      %get3A_229 = arith.constant 48 : index
      %get3A_230 = tpu.vector_load %arg11[%get3A_229] {strides = array<i32>} : memref<128xi32, #tpu.memory_space<vmem>>, vector<16xi32>,
      %get3A_231 = vector.shape_cast %get3A_230 : vector<16xi32> to vector<16xi32>
      %add3A_232 = vector.broadcast %mul3A_0 : i32 to vector<16xi32>
      %add3A_233 = arith.addi %get3A_231, %add3A_232 : vector<16xi32>
      %swap3A_234 = arith.constant 48 : index
      %swap3A_235 = tpu.vector_load %arg13[%swap3A_234] {strides = array<i32>} : memref<128xi32, #tpu.memory_space<vmem>>, vector<16xi32>,
      %swap3A_236 = vector.shape_cast %swap3A_235 : vector<16xi32> to vector<16xi32>
      %swap3A_237 = vector.shape_cast %add3A_233 : vector<16xi32> to vector<16xi32>
      tpu.vector_store %arg13[%swap3A_234], %swap3A_237 {strides = array<i32>} : memref<128xi32, #tpu.memory_space<vmem>>, vector<16xi32>,
      %get3A_238 = arith.constant 64 : index
      %get3A_239 = tpu.vector_load %arg11[%get3A_238] {strides = array<i32>} : memref<128xi32, #tpu.memory_space<vmem>>, vector<16xi32>,
      %get3A_240 = vector.shape_cast %get3A_239 : vector<16xi32> to vector<16xi32>
      %add3A_241 = vector.broadcast %mul3A_0 : i32 to vector<16xi32>
      %add3A_242 = arith.addi %get3A_240, %add3A_241 : vector<16xi32>
      %swap3A_243 = arith.constant 64 : index
      %swap3A_244 = tpu.vector_load %arg13[%swap3A_243] {strides = array<i32>} : memref<128xi32, #tpu.memory_space<vmem>>, vector<16xi32>,
      %swap3A_245 = vector.shape_cast %swap3A_244 : vector<16xi32> to vector<16xi32>
      %swap3A_246 = vector.shape_cast %add3A_242 : vector<16xi32> to vector<16xi32>
      tpu.vector_store %arg13[%swap3A_243], %swap3A_246 {strides = array<i32>} : memref<128xi32, #tpu.memory_space<vmem>>, vector<16xi32>,
      %get3A_247 = arith.constant 80 : index
      %get3A_248 = tpu.vector_load %arg11[%get3A_247] {strides = array<i32>} : memref<128xi32, #tpu.memory_space<vmem>>, vector<16xi32>,
      %get3A_249 = vector.shape_cast %get3A_248 : vector<16xi32> to vector<16xi32>
      %add3A_250 = vector.broadcast %mul3A_0 : i32 to vector<16xi32>
      %add3A_251 = arith.addi %get3A_249, %add3A_250 : vector<16xi32>
      %swap3A_252 = arith.constant 80 : index
      %swap3A_253 = tpu.vector_load %arg13[%swap3A_252] {strides = array<i32>} : memref<128xi32, #tpu.memory_space<vmem>>, vector<16xi32>,
      %swap3A_254 = vector.shape_cast %swap3A_253 : vector<16xi32> to vector<16xi32>
      %swap3A_255 = vector.shape_cast %add3A_251 : vector<16xi32> to vector<16xi32>
      tpu.vector_store %arg13[%swap3A_252], %swap3A_255 {strides = array<i32>} : memref<128xi32, #tpu.memory_space<vmem>>, vector<16xi32>,
      %get3A_256 = arith.constant 96 : index
      %get3A_257 = tpu.vector_load %arg11[%get3A_256] {strides = array<i32>} : memref<128xi32, #tpu.memory_space<vmem>>, vector<16xi32>,
      %get3A_258 = vector.shape_cast %get3A_257 : vector<16xi32> to vector<16xi32>
      %add3A_259 = vector.broadcast %mul3A_0 : i32 to vector<16xi32>
      %add3A_260 = arith.addi %get3A_258, %add3A_259 : vector<16xi32>
      %swap3A_261 = arith.constant 96 : index
      %swap3A_262 = tpu.vector_load %arg13[%swap3A_261] {strides = array<i32>} : memref<128xi32, #tpu.memory_space<vmem>>, vector<16xi32>,
      %swap3A_263 = vector.shape_cast %swap3A_262 : vector<16xi32> to vector<16xi32>
      %swap3A_264 = vector.shape_cast %add3A_260 : vector<16xi32> to vector<16xi32>
      tpu.vector_store %arg13[%swap3A_261], %swap3A_264 {strides = array<i32>} : memref<128xi32, #tpu.memory_space<vmem>>, vector<16xi32>,
      %get3A_265 = arith.constant 112 : index
      %get3A_266 = tpu.vector_load %arg11[%get3A_265] {strides = array<i32>} : memref<128xi32, #tpu.memory_space<vmem>>, vector<16xi32>,
      %get3A_267 = vector.shape_cast %get3A_266 : vector<16xi32> to vector<16xi32>
      %add3A_268 = vector.broadcast %mul3A_0 : i32 to vector<16xi32>
      %add3A_269 = arith.addi %get3A_267, %add3A_268 : vector<16xi32>
      %swap3A_270 = arith.constant 112 : index
      %swap3A_271 = tpu.vector_load %arg13[%swap3A_270] {strides = array<i32>} : memref<128xi32, #tpu.memory_space<vmem>>, vector<16xi32>,
      %swap3A_272 = vector.shape_cast %swap3A_271 : vector<16xi32> to vector<16xi32>
      %swap3A_273 = vector.shape_cast %add3A_269 : vector<16xi32> to vector<16xi32>
      tpu.vector_store %arg13[%swap3A_270], %swap3A_273 {strides = array<i32>} : memref<128xi32, #tpu.memory_space<vmem>>, vector<16xi32>,
      %dma_wait3A_274 = arith.constant 0 : i32
      %dma_wait3A_275 = arith.constant 0 : i32
      %dma_wait3A_276 = tpu.memref_slice %arg2[%dma_wait3A_274, %dma_wait3A_275] : memref<100000x32xbf16, #tpu.memory_space<hbm>> -> memref<128x32xbf16, #tpu.memory_space<hbm>>
      %dma_wait3A_277 = arith.constant 0 : i32
      %dma_wait3A_278 = arith.constant 0 : i32
      %dma_wait3A_279 = tpu.memref_slice %arg2[%dma_wait3A_277, %dma_wait3A_278] : memref<100000x32xbf16, #tpu.memory_space<hbm>> -> memref<128x32xbf16, #tpu.memory_space<hbm>>
      tpu.wait_dma2 semaphore(%arg17 : memref<!tpu.dma_semaphore, #tpu.memory_space<semaphore_mem>>) src(%dma_wait3A_279 : memref<128x32xbf16, #tpu.memory_space<hbm>>) dst(%arg8 : memref<128x32xbf16, #tpu.memory_space<vmem>>)
      "tpu.region"() ({
        %run_scoped3A = tpu.sem_alloc : memref<!tpu.dma_semaphore, #tpu.memory_space<semaphore_mem>>
        %dma_start3A_290 = arith.constant 0 : i32
        %dma_start3A_291 = arith.constant 0 : i32
        %dma_start3A_292 = tpu.memref_slice %arg7[%dma_start3A_290, %dma_start3A_291] : memref<50000x32xbf16, #tpu.memory_space<vmem_shared>> -> memref<50000x32xbf16, #tpu.memory_space<vmem_shared>>
        tpu.enqueue_indirect_dma source(%arg8 : memref<128x32xbf16, #tpu.memory_space<vmem>>) target(%dma_start3A_292 : memref<50000x32xbf16, #tpu.memory_space<vmem_shared>>) offsets(%arg14 : memref<128xi32, #tpu.memory_space<vmem>>) semaphore(%run_scoped3A : memref<!tpu.dma_semaphore, #tpu.memory_space<semaphore_mem>>) {add = true}
        %dma_wait3A_293 = arith.constant 0 : i32
        %dma_wait3A_294 = arith.constant 0 : i32
        %dma_wait3A_295 = tpu.memref_slice %arg7[%dma_wait3A_293, %dma_wait3A_294] : memref<50000x32xbf16, #tpu.memory_space<vmem_shared>> -> memref<50000x32xbf16, #tpu.memory_space<vmem_shared>>
        tpu.wait_indirect_dma semaphore(%run_scoped3A : memref<!tpu.dma_semaphore, #tpu.memory_space<semaphore_mem>>) src(%arg8 : memref<128x32xbf16, #tpu.memory_space<vmem>>) dst(%dma_wait3A_295 : memref<50000x32xbf16, #tpu.memory_space<vmem_shared>>)
        tpu.yield
      }) : () -> ()
      %dma_start3A_280 = arith.constant 0 : i32
      %dma_start3A_281 = arith.constant 0 : i32
      %dma_start3A_282 = tpu.memref_slice %arg2[%dma_start3A_280, %dma_start3A_281] : memref<100000x32xbf16, #tpu.memory_space<hbm>> -> memref<100000x32xbf16, #tpu.memory_space<hbm>>
      tpu.enqueue_indirect_dma source(%dma_start3A_282 : memref<100000x32xbf16, #tpu.memory_space<hbm>>) target(%arg9 : memref<128x32xbf16, #tpu.memory_space<vmem>>) offsets(%arg13 : memref<128xi32, #tpu.memory_space<vmem>>) semaphore(%arg18 : memref<!tpu.dma_semaphore, #tpu.memory_space<semaphore_mem>>)
      %add3A_283 = arith.constant 1 : i32
      %add3A_284 = arith.addi %scan3A_95, %add3A_283 : i32
      %lt3A_285 = arith.constant 195 : i32
      %lt3A_286 = arith.cmpi slt, %add3A_284, %lt3A_285 : i32
      %convert_element_type3A_287 = arith.extui %lt3A_286 : i1 to i32
      %cond3A_288 = arith.constant 0 : i32
      %cond3A_289 = arith.cmpi ne, %convert_element_type3A_287, %cond3A_288 : i32
      scf.if %cond3A_289 {
        %add3A_290 = arith.constant 2 : i32
        %add3A_291 = arith.addi %mul3A_97, %add3A_290 : i32
        %mul3A_292 = arith.constant 128 : i32
        %mul3A_293 = arith.muli %add3A_291, %mul3A_292 : i32
        %add3A_294 = arith.addi %mul3A_8, %mul3A_293 : i32
        %dma_start3A_295 = tpu.memref_slice %arg3[%add3A_294] : memref<800000xi32, #tpu.memory_space<hbm>> -> memref<128xi32, #tpu.memory_space<hbm>>
        %dma_start3A_296 = tpu.memref_slice %arg3[%add3A_294] : memref<800000xi32, #tpu.memory_space<hbm>> -> memref<128xi32, #tpu.memory_space<hbm>>
        tpu.enqueue_dma source(%dma_start3A_296 : memref<128xi32, #tpu.memory_space<hbm>>) target(%arg10 : memref<128xi32, #tpu.memory_space<vmem>>) target_semaphore(%arg19 : memref<!tpu.dma_semaphore, #tpu.memory_space<semaphore_mem>>)
        %dma_start3A_297 = tpu.memref_slice %arg4[%add3A_294] : memref<800000xi32, #tpu.memory_space<hbm>> -> memref<128xi32, #tpu.memory_space<hbm>>
        %dma_start3A_298 = tpu.memref_slice %arg4[%add3A_294] : memref<800000xi32, #tpu.memory_space<hbm>> -> memref<128xi32, #tpu.memory_space<hbm>>
        tpu.enqueue_dma source(%dma_start3A_298 : memref<128xi32, #tpu.memory_space<hbm>>) target(%arg14 : memref<128xi32, #tpu.memory_space<vmem>>) target_semaphore(%arg19 : memref<!tpu.dma_semaphore, #tpu.memory_space<semaphore_mem>>)
      } else {
      }
    }
    %scan3A_17 = arith.constant 195 : i32
    %dma_wait3A = arith.constant 0 : i32
    %dma_wait3A_18 = arith.constant 0 : i32
    %dma_wait3A_19 = tpu.memref_slice %arg2[%dma_wait3A, %dma_wait3A_18] : memref<100000x32xbf16, #tpu.memory_space<hbm>> -> memref<128x32xbf16, #tpu.memory_space<hbm>>
    %dma_wait3A_20 = arith.constant 0 : i32
    %dma_wait3A_21 = arith.constant 0 : i32
    %dma_wait3A_22 = tpu.memref_slice %arg2[%dma_wait3A_20, %dma_wait3A_21] : memref<100000x32xbf16, #tpu.memory_space<hbm>> -> memref<128x32xbf16, #tpu.memory_space<hbm>>
    tpu.wait_dma2 semaphore(%arg18 : memref<!tpu.dma_semaphore, #tpu.memory_space<semaphore_mem>>) src(%dma_wait3A_22 : memref<128x32xbf16, #tpu.memory_space<hbm>>) dst(%arg9 : memref<128x32xbf16, #tpu.memory_space<vmem>>)
    "tpu.region"() ({
      %run_scoped3A = tpu.sem_alloc : memref<!tpu.dma_semaphore, #tpu.memory_space<semaphore_mem>>
      %dma_start3A_95 = arith.constant 0 : i32
      %dma_start3A_96 = arith.constant 0 : i32
      %dma_start3A_97 = tpu.memref_slice %arg7[%dma_start3A_95, %dma_start3A_96] : memref<50000x32xbf16, #tpu.memory_space<vmem_shared>> -> memref<50000x32xbf16, #tpu.memory_space<vmem_shared>>
      tpu.enqueue_indirect_dma source(%arg9 : memref<128x32xbf16, #tpu.memory_space<vmem>>) target(%dma_start3A_97 : memref<50000x32xbf16, #tpu.memory_space<vmem_shared>>) offsets(%arg15 : memref<128xi32, #tpu.memory_space<vmem>>) semaphore(%run_scoped3A : memref<!tpu.dma_semaphore, #tpu.memory_space<semaphore_mem>>) {add = true}
      %dma_wait3A_98 = arith.constant 0 : i32
      %dma_wait3A_99 = arith.constant 0 : i32
      %dma_wait3A_100 = tpu.memref_slice %arg7[%dma_wait3A_98, %dma_wait3A_99] : memref<50000x32xbf16, #tpu.memory_space<vmem_shared>> -> memref<50000x32xbf16, #tpu.memory_space<vmem_shared>>
      tpu.wait_indirect_dma semaphore(%run_scoped3A : memref<!tpu.dma_semaphore, #tpu.memory_space<semaphore_mem>>) src(%arg9 : memref<128x32xbf16, #tpu.memory_space<vmem>>) dst(%dma_wait3A_100 : memref<50000x32xbf16, #tpu.memory_space<vmem_shared>>)
      tpu.yield
    }) : () -> ()
    %add3A_23 = arith.constant 49920 : i32
    %add3A_24 = arith.addi %mul3A_8, %add3A_23 : i32
    "tpu.region"() ({
      %run_scoped3A = tpu.sem_alloc : memref<!tpu.dma_semaphore, #tpu.memory_space<semaphore_mem>>
      %dma_start3A_95 = arith.constant 0 : i32
      %dma_start3A_96 = tpu.memref_slice %arg10[%dma_start3A_95] : memref<128xi32, #tpu.memory_space<vmem>> -> memref<80xi32, #tpu.memory_space<vmem>>
      %dma_start3A_97 = tpu.memref_slice %arg3[%add3A_24] : memref<800000xi32, #tpu.memory_space<hbm>> -> memref<80xi32, #tpu.memory_space<hbm>>
      %dma_start3A_98 = arith.constant 0 : i32
      %dma_start3A_99 = tpu.memref_slice %arg10[%dma_start3A_98] : memref<128xi32, #tpu.memory_space<vmem>> -> memref<80xi32, #tpu.memory_space<vmem>>
      %dma_start3A_100 = tpu.memref_slice %arg3[%add3A_24] : memref<800000xi32, #tpu.memory_space<hbm>> -> memref<80xi32, #tpu.memory_space<hbm>>
      tpu.enqueue_dma source(%dma_start3A_100 : memref<80xi32, #tpu.memory_space<hbm>>) target(%dma_start3A_99 : memref<80xi32, #tpu.memory_space<vmem>>) target_semaphore(%run_scoped3A : memref<!tpu.dma_semaphore, #tpu.memory_space<semaphore_mem>>)
      %dma_wait3A_101 = arith.constant 0 : i32
      %dma_wait3A_102 = tpu.memref_slice %arg10[%dma_wait3A_101] : memref<128xi32, #tpu.memory_space<vmem>> -> memref<80xi32, #tpu.memory_space<vmem>>
      %dma_wait3A_103 = tpu.memref_slice %arg3[%add3A_24] : memref<800000xi32, #tpu.memory_space<hbm>> -> memref<80xi32, #tpu.memory_space<hbm>>
      %dma_wait3A_104 = arith.constant 0 : i32
      %dma_wait3A_105 = tpu.memref_slice %arg10[%dma_wait3A_104] : memref<128xi32, #tpu.memory_space<vmem>> -> memref<80xi32, #tpu.memory_space<vmem>>
      %dma_wait3A_106 = tpu.memref_slice %arg3[%add3A_24] : memref<800000xi32, #tpu.memory_space<hbm>> -> memref<80xi32, #tpu.memory_space<hbm>>
      tpu.wait_dma2 semaphore(%run_scoped3A : memref<!tpu.dma_semaphore, #tpu.memory_space<semaphore_mem>>) src(%dma_wait3A_106 : memref<80xi32, #tpu.memory_space<hbm>>) dst(%dma_wait3A_105 : memref<80xi32, #tpu.memory_space<vmem>>)
      tpu.yield
    }) : () -> ()
    "tpu.region"() ({
      %run_scoped3A = tpu.sem_alloc : memref<!tpu.dma_semaphore, #tpu.memory_space<semaphore_mem>>
      %dma_start3A_95 = tpu.memref_slice %arg4[%add3A_24] : memref<800000xi32, #tpu.memory_space<hbm>> -> memref<80xi32, #tpu.memory_space<hbm>>
      %dma_start3A_96 = tpu.memref_slice %arg4[%add3A_24] : memref<800000xi32, #tpu.memory_space<hbm>> -> memref<80xi32, #tpu.memory_space<hbm>>
      tpu.enqueue_dma source(%dma_start3A_96 : memref<80xi32, #tpu.memory_space<hbm>>) target(%arg16 : memref<80xi32, #tpu.memory_space<vmem>>) target_semaphore(%run_scoped3A : memref<!tpu.dma_semaphore, #tpu.memory_space<semaphore_mem>>)
      %dma_wait3A_97 = tpu.memref_slice %arg4[%add3A_24] : memref<800000xi32, #tpu.memory_space<hbm>> -> memref<80xi32, #tpu.memory_space<hbm>>
      %dma_wait3A_98 = tpu.memref_slice %arg4[%add3A_24] : memref<800000xi32, #tpu.memory_space<hbm>> -> memref<80xi32, #tpu.memory_space<hbm>>
      tpu.wait_dma2 semaphore(%run_scoped3A : memref<!tpu.dma_semaphore, #tpu.memory_space<semaphore_mem>>) src(%dma_wait3A_98 : memref<80xi32, #tpu.memory_space<hbm>>) dst(%arg16 : memref<80xi32, #tpu.memory_space<vmem>>)
      tpu.yield
    }) : () -> ()
    %get3A = arith.constant 0 : index
    %get3A_25 = tpu.vector_load %arg10[%get3A] {strides = array<i32>} : memref<128xi32, #tpu.memory_space<vmem>>, vector<16xi32>,
    %get3A_26 = vector.shape_cast %get3A_25 : vector<16xi32> to vector<16xi32>
    %add3A_27 = vector.broadcast %mul3A_0 : i32 to vector<16xi32>
    %add3A_28 = arith.addi %get3A_26, %add3A_27 : vector<16xi32>
    %swap3A = arith.constant 0 : index
    %swap3A_29 = tpu.vector_load %arg12[%swap3A] {strides = array<i32>} : memref<128xi32, #tpu.memory_space<vmem>>, vector<16xi32>,
    %swap3A_30 = vector.shape_cast %swap3A_29 : vector<16xi32> to vector<16xi32>
    %swap3A_31 = vector.shape_cast %add3A_28 : vector<16xi32> to vector<16xi32>
    tpu.vector_store %arg12[%swap3A], %swap3A_31 {strides = array<i32>} : memref<128xi32, #tpu.memory_space<vmem>>, vector<16xi32>,
    %get3A_32 = arith.constant 16 : index
    %get3A_33 = tpu.vector_load %arg10[%get3A_32] {strides = array<i32>} : memref<128xi32, #tpu.memory_space<vmem>>, vector<16xi32>,
    %get3A_34 = vector.shape_cast %get3A_33 : vector<16xi32> to vector<16xi32>
    %add3A_35 = vector.broadcast %mul3A_0 : i32 to vector<16xi32>
    %add3A_36 = arith.addi %get3A_34, %add3A_35 : vector<16xi32>
    %swap3A_37 = arith.constant 16 : index
    %swap3A_38 = tpu.vector_load %arg12[%swap3A_37] {strides = array<i32>} : memref<128xi32, #tpu.memory_space<vmem>>, vector<16xi32>,
    %swap3A_39 = vector.shape_cast %swap3A_38 : vector<16xi32> to vector<16xi32>
    %swap3A_40 = vector.shape_cast %add3A_36 : vector<16xi32> to vector<16xi32>
    tpu.vector_store %arg12[%swap3A_37], %swap3A_40 {strides = array<i32>} : memref<128xi32, #tpu.memory_space<vmem>>, vector<16xi32>,
    %get3A_41 = arith.constant 32 : index
    %get3A_42 = tpu.vector_load %arg10[%get3A_41] {strides = array<i32>} : memref<128xi32, #tpu.memory_space<vmem>>, vector<16xi32>,
    %get3A_43 = vector.shape_cast %get3A_42 : vector<16xi32> to vector<16xi32>
    %add3A_44 = vector.broadcast %mul3A_0 : i32 to vector<16xi32>
    %add3A_45 = arith.addi %get3A_43, %add3A_44 : vector<16xi32>
    %swap3A_46 = arith.constant 32 : index
    %swap3A_47 = tpu.vector_load %arg12[%swap3A_46] {strides = array<i32>} : memref<128xi32, #tpu.memory_space<vmem>>, vector<16xi32>,
    %swap3A_48 = vector.shape_cast %swap3A_47 : vector<16xi32> to vector<16xi32>
    %swap3A_49 = vector.shape_cast %add3A_45 : vector<16xi32> to vector<16xi32>
    tpu.vector_store %arg12[%swap3A_46], %swap3A_49 {strides = array<i32>} : memref<128xi32, #tpu.memory_space<vmem>>, vector<16xi32>,
    %get3A_50 = arith.constant 48 : index
    %get3A_51 = tpu.vector_load %arg10[%get3A_50] {strides = array<i32>} : memref<128xi32, #tpu.memory_space<vmem>>, vector<16xi32>,
    %get3A_52 = vector.shape_cast %get3A_51 : vector<16xi32> to vector<16xi32>
    %add3A_53 = vector.broadcast %mul3A_0 : i32 to vector<16xi32>
    %add3A_54 = arith.addi %get3A_52, %add3A_53 : vector<16xi32>
    %swap3A_55 = arith.constant 48 : index
    %swap3A_56 = tpu.vector_load %arg12[%swap3A_55] {strides = array<i32>} : memref<128xi32, #tpu.memory_space<vmem>>, vector<16xi32>,
    %swap3A_57 = vector.shape_cast %swap3A_56 : vector<16xi32> to vector<16xi32>
    %swap3A_58 = vector.shape_cast %add3A_54 : vector<16xi32> to vector<16xi32>
    tpu.vector_store %arg12[%swap3A_55], %swap3A_58 {strides = array<i32>} : memref<128xi32, #tpu.memory_space<vmem>>, vector<16xi32>,
    %get3A_59 = arith.constant 64 : index
    %get3A_60 = tpu.vector_load %arg10[%get3A_59] {strides = array<i32>} : memref<128xi32, #tpu.memory_space<vmem>>, vector<16xi32>,
    %get3A_61 = vector.shape_cast %get3A_60 : vector<16xi32> to vector<16xi32>
    %add3A_62 = vector.broadcast %mul3A_0 : i32 to vector<16xi32>
    %add3A_63 = arith.addi %get3A_61, %add3A_62 : vector<16xi32>
    %swap3A_64 = arith.constant 64 : index
    %swap3A_65 = tpu.vector_load %arg12[%swap3A_64] {strides = array<i32>} : memref<128xi32, #tpu.memory_space<vmem>>, vector<16xi32>,
    %swap3A_66 = vector.shape_cast %swap3A_65 : vector<16xi32> to vector<16xi32>
    %swap3A_67 = vector.shape_cast %add3A_63 : vector<16xi32> to vector<16xi32>
    tpu.vector_store %arg12[%swap3A_64], %swap3A_67 {strides = array<i32>} : memref<128xi32, #tpu.memory_space<vmem>>, vector<16xi32>,
    %dma_start3A_68 = arith.constant 0 : i32
    %dma_start3A_69 = arith.constant 0 : i32
    %dma_start3A_70 = tpu.memref_slice %arg8[%dma_start3A_68, %dma_start3A_69] : memref<128x32xbf16, #tpu.memory_space<vmem>> -> memref<80x32xbf16, #tpu.memory_space<vmem>>
    %dma_start3A_71 = arith.constant 0 : i32
    %dma_start3A_72 = tpu.memref_slice %arg12[%dma_start3A_71] : memref<128xi32, #tpu.memory_space<vmem>> -> memref<80xi32, #tpu.memory_space<vmem>>
    %dma_start3A_73 = arith.constant 0 : i32
    %dma_start3A_74 = arith.constant 0 : i32
    %dma_start3A_75 = tpu.memref_slice %arg2[%dma_start3A_73, %dma_start3A_74] : memref<100000x32xbf16, #tpu.memory_space<hbm>> -> memref<100000x32xbf16, #tpu.memory_space<hbm>>
    tpu.enqueue_indirect_dma source(%dma_start3A_75 : memref<100000x32xbf16, #tpu.memory_space<hbm>>) target(%dma_start3A_70 : memref<80x32xbf16, #tpu.memory_space<vmem>>) offsets(%dma_start3A_72 : memref<80xi32, #tpu.memory_space<vmem>>) semaphore(%arg17 : memref<!tpu.dma_semaphore, #tpu.memory_space<semaphore_mem>>)
    %dma_wait3A_76 = arith.constant 0 : i32
    %dma_wait3A_77 = arith.constant 0 : i32
    %dma_wait3A_78 = tpu.memref_slice %arg8[%dma_wait3A_76, %dma_wait3A_77] : memref<128x32xbf16, #tpu.memory_space<vmem>> -> memref<80x32xbf16, #tpu.memory_space<vmem>>
    %dma_wait3A_79 = arith.constant 0 : i32
    %dma_wait3A_80 = tpu.memref_slice %arg12[%dma_wait3A_79] : memref<128xi32, #tpu.memory_space<vmem>> -> memref<80xi32, #tpu.memory_space<vmem>>
    %dma_wait3A_81 = arith.constant 0 : i32
    %dma_wait3A_82 = arith.constant 0 : i32
    %dma_wait3A_83 = tpu.memref_slice %arg2[%dma_wait3A_81, %dma_wait3A_82] : memref<100000x32xbf16, #tpu.memory_space<hbm>> -> memref<100000x32xbf16, #tpu.memory_space<hbm>>
    tpu.wait_indirect_dma semaphore(%arg17 : memref<!tpu.dma_semaphore, #tpu.memory_space<semaphore_mem>>) src(%dma_wait3A_83 : memref<100000x32xbf16, #tpu.memory_space<hbm>>) dst(%dma_wait3A_78 : memref<80x32xbf16, #tpu.memory_space<vmem>>)
    "tpu.region"() ({
      %run_scoped3A = tpu.sem_alloc : memref<!tpu.dma_semaphore, #tpu.memory_space<semaphore_mem>>
      %dma_start3A_95 = arith.constant 0 : i32
      %dma_start3A_96 = arith.constant 0 : i32
      %dma_start3A_97 = tpu.memref_slice %arg8[%dma_start3A_95, %dma_start3A_96] : memref<128x32xbf16, #tpu.memory_space<vmem>> -> memref<80x32xbf16, #tpu.memory_space<vmem>>
      %dma_start3A_98 = arith.constant 0 : i32
      %dma_start3A_99 = arith.constant 0 : i32
      %dma_start3A_100 = tpu.memref_slice %arg7[%dma_start3A_98, %dma_start3A_99] : memref<50000x32xbf16, #tpu.memory_space<vmem_shared>> -> memref<50000x32xbf16, #tpu.memory_space<vmem_shared>>
      tpu.enqueue_indirect_dma source(%dma_start3A_97 : memref<80x32xbf16, #tpu.memory_space<vmem>>) target(%dma_start3A_100 : memref<50000x32xbf16, #tpu.memory_space<vmem_shared>>) offsets(%arg16 : memref<80xi32, #tpu.memory_space<vmem>>) semaphore(%run_scoped3A : memref<!tpu.dma_semaphore, #tpu.memory_space<semaphore_mem>>) {add = true}
      %dma_wait3A_101 = arith.constant 0 : i32
      %dma_wait3A_102 = arith.constant 0 : i32
      %dma_wait3A_103 = tpu.memref_slice %arg8[%dma_wait3A_101, %dma_wait3A_102] : memref<128x32xbf16, #tpu.memory_space<vmem>> -> memref<80x32xbf16, #tpu.memory_space<vmem>>
      %dma_wait3A_104 = arith.constant 0 : i32
      %dma_wait3A_105 = arith.constant 0 : i32
      %dma_wait3A_106 = tpu.memref_slice %arg7[%dma_wait3A_104, %dma_wait3A_105] : memref<50000x32xbf16, #tpu.memory_space<vmem_shared>> -> memref<50000x32xbf16, #tpu.memory_space<vmem_shared>>
      tpu.wait_indirect_dma semaphore(%run_scoped3A : memref<!tpu.dma_semaphore, #tpu.memory_space<semaphore_mem>>) src(%dma_wait3A_103 : memref<80x32xbf16, #tpu.memory_space<vmem>>) dst(%dma_wait3A_106 : memref<50000x32xbf16, #tpu.memory_space<vmem_shared>>)
      tpu.yield
    }) : () -> ()
    %barrier3A_84 = arith.constant 0 : index
    tpu.barrier barrier_id(%barrier3A_84)
    %lt3A_85 = arith.constant 15 : i32
    %lt3A_86 = arith.cmpi slt, %arg1, %lt3A_85 : i32
    %convert_element_type3A_87 = arith.extui %lt3A_86 : i1 to i32
    %cond3A_88 = arith.constant 0 : i32
    %cond3A_89 = arith.cmpi ne, %convert_element_type3A_87, %cond3A_88 : i32
    scf.if %cond3A_89 {
      %mul3A_95 = arith.constant 3128 : i32
      %mul3A_96 = arith.muli %arg1, %mul3A_95 : i32
      %mul3A_97 = arith.constant 3128 : i32
      %mul3A_98 = arith.muli %arg1, %mul3A_97 : i32
      "tpu.region"() ({
        %run_scoped3A = tpu.sem_alloc : memref<!tpu.dma_semaphore, #tpu.memory_space<semaphore_mem>>
        %dma_start3A_99 = arith.constant 0 : i32
        %dma_start3A_100 = tpu.memref_slice %arg6[%arg0, %mul3A_98, %dma_start3A_99] : memref<2x50000x32xbf16, #tpu.memory_space<hbm>> -> memref<1x3128x32xbf16, #tpu.memory_space<hbm>>
        %dma_start3A_101 = tpu.memref_squeeze %dma_start3A_100 : memref<1x3128x32xbf16, #tpu.memory_space<hbm>> -> memref<3128x32xbf16, #tpu.memory_space<hbm>>
        %dma_start3A_102 = arith.constant 0 : i32
        %dma_start3A_103 = tpu.memref_slice %arg7[%mul3A_96, %dma_start3A_102] : memref<50000x32xbf16, #tpu.memory_space<vmem_shared>> -> memref<3128x32xbf16, #tpu.memory_space<vmem_shared>>
        tpu.enqueue_dma source(%dma_start3A_103 : memref<3128x32xbf16, #tpu.memory_space<vmem_shared>>) target(%dma_start3A_101 : memref<3128x32xbf16, #tpu.memory_space<hbm>>) target_semaphore(%run_scoped3A : memref<!tpu.dma_semaphore, #tpu.memory_space<semaphore_mem>>)
        %dma_wait3A_104 = arith.constant 0 : i32
        %dma_wait3A_105 = tpu.memref_slice %arg6[%arg0, %mul3A_98, %dma_wait3A_104] : memref<2x50000x32xbf16, #tpu.memory_space<hbm>> -> memref<1x3128x32xbf16, #tpu.memory_space<hbm>>
        %dma_wait3A_106 = tpu.memref_squeeze %dma_wait3A_105 : memref<1x3128x32xbf16, #tpu.memory_space<hbm>> -> memref<3128x32xbf16, #tpu.memory_space<hbm>>
        %dma_wait3A_107 = arith.constant 0 : i32
        %dma_wait3A_108 = tpu.memref_slice %arg7[%mul3A_96, %dma_wait3A_107] : memref<50000x32xbf16, #tpu.memory_space<vmem_shared>> -> memref<3128x32xbf16, #tpu.memory_space<vmem_shared>>
        tpu.wait_dma2 semaphore(%run_scoped3A : memref<!tpu.dma_semaphore, #tpu.memory_space<semaphore_mem>>) src(%dma_wait3A_108 : memref<3128x32xbf16, #tpu.memory_space<vmem_shared>>) dst(%dma_wait3A_106 : memref<3128x32xbf16, #tpu.memory_space<hbm>>)
        tpu.yield
      }) : () -> ()
    } else {
    }
    %eq3A_90 = arith.constant 15 : i32
    %eq3A_91 = arith.cmpi eq, %arg1, %eq3A_90 : i32
    %convert_element_type3A_92 = arith.extui %eq3A_91 : i1 to i32
    %cond3A_93 = arith.constant 0 : i32
    %cond3A_94 = arith.cmpi ne, %convert_element_type3A_92, %cond3A_93 : i32
    scf.if %cond3A_94 {
      "tpu.region"() ({
        %run_scoped3A = tpu.sem_alloc : memref<!tpu.dma_semaphore, #tpu.memory_space<semaphore_mem>>
        %dma_start3A_95 = arith.constant 46920 : i32
        %dma_start3A_96 = arith.constant 0 : i32
        %dma_start3A_97 = tpu.memref_slice %arg6[%arg0, %dma_start3A_95, %dma_start3A_96] : memref<2x50000x32xbf16, #tpu.memory_space<hbm>> -> memref<1x3080x32xbf16, #tpu.memory_space<hbm>>
        %dma_start3A_98 = tpu.memref_squeeze %dma_start3A_97 : memref<1x3080x32xbf16, #tpu.memory_space<hbm>> -> memref<3080x32xbf16, #tpu.memory_space<hbm>>
        %dma_start3A_99 = arith.constant 46920 : i32
        %dma_start3A_100 = arith.constant 0 : i32
        %dma_start3A_101 = tpu.memref_slice %arg7[%dma_start3A_99, %dma_start3A_100] : memref<50000x32xbf16, #tpu.memory_space<vmem_shared>> -> memref<3080x32xbf16, #tpu.memory_space<vmem_shared>>
        tpu.enqueue_dma source(%dma_start3A_101 : memref<3080x32xbf16, #tpu.memory_space<vmem_shared>>) target(%dma_start3A_98 : memref<3080x32xbf16, #tpu.memory_space<hbm>>) target_semaphore(%run_scoped3A : memref<!tpu.dma_semaphore, #tpu.memory_space<semaphore_mem>>)
        %dma_wait3A_102 = arith.constant 46920 : i32
        %dma_wait3A_103 = arith.constant 0 : i32
        %dma_wait3A_104 = tpu.memref_slice %arg6[%arg0, %dma_wait3A_102, %dma_wait3A_103] : memref<2x50000x32xbf16, #tpu.memory_space<hbm>> -> memref<1x3080x32xbf16, #tpu.memory_space<hbm>>
        %dma_wait3A_105 = tpu.memref_squeeze %dma_wait3A_104 : memref<1x3080x32xbf16, #tpu.memory_space<hbm>> -> memref<3080x32xbf16, #tpu.memory_space<hbm>>
        %dma_wait3A_106 = arith.constant 46920 : i32
        %dma_wait3A_107 = arith.constant 0 : i32
        %dma_wait3A_108 = tpu.memref_slice %arg7[%dma_wait3A_106, %dma_wait3A_107] : memref<50000x32xbf16, #tpu.memory_space<vmem_shared>> -> memref<3080x32xbf16, #tpu.memory_space<vmem_shared>>
        tpu.wait_dma2 semaphore(%run_scoped3A : memref<!tpu.dma_semaphore, #tpu.memory_space<semaphore_mem>>) src(%dma_wait3A_108 : memref<3080x32xbf16, #tpu.memory_space<vmem_shared>>) dst(%dma_wait3A_105 : memref<3080x32xbf16, #tpu.memory_space<hbm>>)
        tpu.yield
      }) : () -> ()
    } else {
    }
    return
  }
}

#map = affine_map<(d0, d1) -> (0, 0)>
#map1 = affine_map<(d0, d1) -> (0)>
#map2 = affine_map<(d0, d1) -> (0, 0, 0)>
module attributes {stable_mosaic.version = 14 : i64} {
  func.func @body(%arg0: i32, %arg1: i32, %arg2: memref<800000x16xf32, #tpu.memory_space<hbm>>, %arg3: memref<800000xi32, #tpu.memory_space<hbm>>, %arg4: memref<128x16xf32, #tpu.memory_space<hbm>>, %arg5: memref<3128x16xf32, #tpu.memory_space<hbm>>, %arg6: memref<2x50000x16xf32, #tpu.memory_space<hbm>>, %arg7: memref<50000x16xf32, #tpu.memory_space<vmem_shared>>, %arg8: memref<128x16xf32, #tpu.memory_space<vmem>>, %arg9: memref<128xi32, #tpu.memory_space<vmem>>, %arg10: memref<80xi32, #tpu.memory_space<vmem>>) attributes {dimension_semantics = [#tpu.dimension_semantics<core_parallel>, #tpu.dimension_semantics<subcore_parallel>], iteration_bounds = array<i64: 2, 16>, scalar_prefetch = 0 : i64, scratch_operands = 4 : i64, tpu.core_type = #tpu.core_type<sc_vector_subcore>, window_params = [{transform_indices = #map}, {transform_indices = #map1}, {transform_indices = #map}, {transform_indices = #map}, {transform_indices = #map2}]} {
    %lt3A = arith.constant 15 : i32
    %lt3A_0 = arith.cmpi slt, %arg1, %lt3A : i32
    %convert_element_type3A = arith.extui %lt3A_0 : i1 to i32
    %cond3A = arith.constant 0 : i32
    %cond3A_1 = arith.cmpi ne, %convert_element_type3A, %cond3A : i32
    scf.if %cond3A_1 {
      %mul3A_29 = arith.constant 3128 : i32
      %mul3A_30 = arith.muli %arg1, %mul3A_29 : i32
      "tpu.region"() ({
        %run_scoped3A = tpu.sem_alloc : memref<!tpu.dma_semaphore, #tpu.memory_space<semaphore_mem>>
        %dma_start3A = arith.constant 0 : i32
        %dma_start3A_31 = tpu.memref_slice %arg7[%mul3A_30, %dma_start3A] : memref<50000x16xf32, #tpu.memory_space<vmem_shared>> -> memref<3128x16xf32, #tpu.memory_space<vmem_shared>>
        tpu.enqueue_dma source(%arg5 : memref<3128x16xf32, #tpu.memory_space<hbm>>) target(%dma_start3A_31 : memref<3128x16xf32, #tpu.memory_space<vmem_shared>>) target_semaphore(%run_scoped3A : memref<!tpu.dma_semaphore, #tpu.memory_space<semaphore_mem>>)
        %dma_wait3A = arith.constant 0 : i32
        %dma_wait3A_32 = tpu.memref_slice %arg7[%mul3A_30, %dma_wait3A] : memref<50000x16xf32, #tpu.memory_space<vmem_shared>> -> memref<3128x16xf32, #tpu.memory_space<vmem_shared>>
        tpu.wait_dma2 semaphore(%run_scoped3A : memref<!tpu.dma_semaphore, #tpu.memory_space<semaphore_mem>>) src(%arg5 : memref<3128x16xf32, #tpu.memory_space<hbm>>) dst(%dma_wait3A_32 : memref<3128x16xf32, #tpu.memory_space<vmem_shared>>)
        tpu.yield
      }) : () -> ()
    } else {
    }
    %eq3A = arith.constant 15 : i32
    %eq3A_2 = arith.cmpi eq, %arg1, %eq3A : i32
    %convert_element_type3A_3 = arith.extui %eq3A_2 : i1 to i32
    %cond3A_4 = arith.constant 0 : i32
    %cond3A_5 = arith.cmpi ne, %convert_element_type3A_3, %cond3A_4 : i32
    scf.if %cond3A_5 {
      "tpu.region"() ({
        %run_scoped3A = tpu.sem_alloc : memref<!tpu.dma_semaphore, #tpu.memory_space<semaphore_mem>>
        %dma_start3A = arith.constant 46920 : i32
        %dma_start3A_29 = arith.constant 0 : i32
        %dma_start3A_30 = tpu.memref_slice %arg7[%dma_start3A, %dma_start3A_29] : memref<50000x16xf32, #tpu.memory_space<vmem_shared>> -> memref<3080x16xf32, #tpu.memory_space<vmem_shared>>
        %dma_start3A_31 = arith.constant 0 : i32
        %dma_start3A_32 = arith.constant 0 : i32
        %dma_start3A_33 = tpu.memref_slice %arg5[%dma_start3A_31, %dma_start3A_32] : memref<3128x16xf32, #tpu.memory_space<hbm>> -> memref<3080x16xf32, #tpu.memory_space<hbm>>
        tpu.enqueue_dma source(%dma_start3A_33 : memref<3080x16xf32, #tpu.memory_space<hbm>>) target(%dma_start3A_30 : memref<3080x16xf32, #tpu.memory_space<vmem_shared>>) target_semaphore(%run_scoped3A : memref<!tpu.dma_semaphore, #tpu.memory_space<semaphore_mem>>)
        %dma_wait3A = arith.constant 46920 : i32
        %dma_wait3A_34 = arith.constant 0 : i32
        %dma_wait3A_35 = tpu.memref_slice %arg7[%dma_wait3A, %dma_wait3A_34] : memref<50000x16xf32, #tpu.memory_space<vmem_shared>> -> memref<3080x16xf32, #tpu.memory_space<vmem_shared>>
        %dma_wait3A_36 = arith.constant 0 : i32
        %dma_wait3A_37 = arith.constant 0 : i32
        %dma_wait3A_38 = tpu.memref_slice %arg5[%dma_wait3A_36, %dma_wait3A_37] : memref<3128x16xf32, #tpu.memory_space<hbm>> -> memref<3080x16xf32, #tpu.memory_space<hbm>>
        tpu.wait_dma2 semaphore(%run_scoped3A : memref<!tpu.dma_semaphore, #tpu.memory_space<semaphore_mem>>) src(%dma_wait3A_38 : memref<3080x16xf32, #tpu.memory_space<hbm>>) dst(%dma_wait3A_35 : memref<3080x16xf32, #tpu.memory_space<vmem_shared>>)
        tpu.yield
      }) : () -> ()
    } else {
    }
    "tpu.region"() ({
      %run_scoped3A = tpu.sem_alloc : memref<!tpu.dma_semaphore, #tpu.memory_space<semaphore_mem>>
      tpu.enqueue_dma source(%arg4 : memref<128x16xf32, #tpu.memory_space<hbm>>) target(%arg8 : memref<128x16xf32, #tpu.memory_space<vmem>>) target_semaphore(%run_scoped3A : memref<!tpu.dma_semaphore, #tpu.memory_space<semaphore_mem>>)
      tpu.wait_dma2 semaphore(%run_scoped3A : memref<!tpu.dma_semaphore, #tpu.memory_space<semaphore_mem>>) src(%arg4 : memref<128x16xf32, #tpu.memory_space<hbm>>) dst(%arg8 : memref<128x16xf32, #tpu.memory_space<vmem>>)
      tpu.yield
    }) : () -> ()
    %barrier3A = arith.constant 0 : index
    tpu.barrier barrier_id(%barrier3A)
    %mul3A = arith.constant 50000 : i32
    %mul3A_6 = arith.muli %arg1, %mul3A : i32
    %scan3A = arith.constant 0 : i32
    %scan3A_7 = arith.constant 0 : i32
    %scan3A_8 = arith.constant 390 : i32
    %scan3A_9 = arith.addi %scan3A_7, %scan3A_8 : i32
    %scan3A_10 = arith.constant 1 : i32
    scf.for %scan3A_29 = %scan3A_7 to %scan3A_9 step %scan3A_10  : i32 {
      %mul3A_30 = arith.constant 128 : i32
      %mul3A_31 = arith.muli %scan3A_29, %mul3A_30 : i32
      %add3A_32 = arith.addi %mul3A_6, %mul3A_31 : i32
      "tpu.region"() ({
        %run_scoped3A = tpu.sem_alloc : memref<!tpu.dma_semaphore, #tpu.memory_space<semaphore_mem>>
        %dma_start3A = tpu.memref_slice %arg3[%add3A_32] : memref<800000xi32, #tpu.memory_space<hbm>> -> memref<128xi32, #tpu.memory_space<hbm>>
        %dma_start3A_38 = tpu.memref_slice %arg3[%add3A_32] : memref<800000xi32, #tpu.memory_space<hbm>> -> memref<128xi32, #tpu.memory_space<hbm>>
        tpu.enqueue_dma source(%dma_start3A_38 : memref<128xi32, #tpu.memory_space<hbm>>) target(%arg9 : memref<128xi32, #tpu.memory_space<vmem>>) target_semaphore(%run_scoped3A : memref<!tpu.dma_semaphore, #tpu.memory_space<semaphore_mem>>)
        %dma_wait3A = tpu.memref_slice %arg3[%add3A_32] : memref<800000xi32, #tpu.memory_space<hbm>> -> memref<128xi32, #tpu.memory_space<hbm>>
        %dma_wait3A_39 = tpu.memref_slice %arg3[%add3A_32] : memref<800000xi32, #tpu.memory_space<hbm>> -> memref<128xi32, #tpu.memory_space<hbm>>
        tpu.wait_dma2 semaphore(%run_scoped3A : memref<!tpu.dma_semaphore, #tpu.memory_space<semaphore_mem>>) src(%dma_wait3A_39 : memref<128xi32, #tpu.memory_space<hbm>>) dst(%arg9 : memref<128xi32, #tpu.memory_space<vmem>>)
        tpu.yield
      }) : () -> ()
      %eq3A_33 = arith.constant 0 : i32
      %eq3A_34 = arith.cmpi eq, %arg0, %eq3A_33 : i32
      %convert_element_type3A_35 = arith.extui %eq3A_34 : i1 to i32
      %cond3A_36 = arith.constant 0 : i32
      %cond3A_37 = arith.cmpi ne, %convert_element_type3A_35, %cond3A_36 : i32
      scf.if %cond3A_37 {
        "tpu.region"() ({
          %run_scoped3A = tpu.sem_alloc : memref<!tpu.dma_semaphore, #tpu.memory_space<semaphore_mem>>
          %dma_start3A = arith.constant 0 : i32
          %dma_start3A_38 = tpu.memref_slice %arg2[%add3A_32, %dma_start3A] : memref<800000x16xf32, #tpu.memory_space<hbm>> -> memref<128x16xf32, #tpu.memory_space<hbm>>
          %dma_start3A_39 = arith.constant 0 : i32
          %dma_start3A_40 = tpu.memref_slice %arg2[%add3A_32, %dma_start3A_39] : memref<800000x16xf32, #tpu.memory_space<hbm>> -> memref<128x16xf32, #tpu.memory_space<hbm>>
          tpu.enqueue_dma source(%dma_start3A_40 : memref<128x16xf32, #tpu.memory_space<hbm>>) target(%arg8 : memref<128x16xf32, #tpu.memory_space<vmem>>) target_semaphore(%run_scoped3A : memref<!tpu.dma_semaphore, #tpu.memory_space<semaphore_mem>>)
          %dma_wait3A = arith.constant 0 : i32
          %dma_wait3A_41 = tpu.memref_slice %arg2[%add3A_32, %dma_wait3A] : memref<800000x16xf32, #tpu.memory_space<hbm>> -> memref<128x16xf32, #tpu.memory_space<hbm>>
          %dma_wait3A_42 = arith.constant 0 : i32
          %dma_wait3A_43 = tpu.memref_slice %arg2[%add3A_32, %dma_wait3A_42] : memref<800000x16xf32, #tpu.memory_space<hbm>> -> memref<128x16xf32, #tpu.memory_space<hbm>>
          tpu.wait_dma2 semaphore(%run_scoped3A : memref<!tpu.dma_semaphore, #tpu.memory_space<semaphore_mem>>) src(%dma_wait3A_43 : memref<128x16xf32, #tpu.memory_space<hbm>>) dst(%arg8 : memref<128x16xf32, #tpu.memory_space<vmem>>)
          tpu.yield
        }) : () -> ()
      } else {
      }
      "tpu.region"() ({
        %run_scoped3A = tpu.sem_alloc : memref<!tpu.dma_semaphore, #tpu.memory_space<semaphore_mem>>
        %dma_start3A = arith.constant 0 : i32
        %dma_start3A_38 = arith.constant 0 : i32
        %dma_start3A_39 = tpu.memref_slice %arg7[%dma_start3A, %dma_start3A_38] : memref<50000x16xf32, #tpu.memory_space<vmem_shared>> -> memref<50000x16xf32, #tpu.memory_space<vmem_shared>>
        tpu.enqueue_indirect_dma source(%arg8 : memref<128x16xf32, #tpu.memory_space<vmem>>) target(%dma_start3A_39 : memref<50000x16xf32, #tpu.memory_space<vmem_shared>>) offsets(%arg9 : memref<128xi32, #tpu.memory_space<vmem>>) semaphore(%run_scoped3A : memref<!tpu.dma_semaphore, #tpu.memory_space<semaphore_mem>>) {add = true}
        %dma_wait3A = arith.constant 0 : i32
        %dma_wait3A_40 = arith.constant 0 : i32
        %dma_wait3A_41 = tpu.memref_slice %arg7[%dma_wait3A, %dma_wait3A_40] : memref<50000x16xf32, #tpu.memory_space<vmem_shared>> -> memref<50000x16xf32, #tpu.memory_space<vmem_shared>>
        tpu.wait_indirect_dma semaphore(%run_scoped3A : memref<!tpu.dma_semaphore, #tpu.memory_space<semaphore_mem>>) src(%arg8 : memref<128x16xf32, #tpu.memory_space<vmem>>) dst(%dma_wait3A_41 : memref<50000x16xf32, #tpu.memory_space<vmem_shared>>)
        tpu.yield
      }) : () -> ()
    }
    %scan3A_11 = arith.constant 390 : i32
    %add3A = arith.constant 49920 : i32
    %add3A_12 = arith.addi %mul3A_6, %add3A : i32
    "tpu.region"() ({
      %run_scoped3A = tpu.sem_alloc : memref<!tpu.dma_semaphore, #tpu.memory_space<semaphore_mem>>
      %dma_start3A = tpu.memref_slice %arg3[%add3A_12] : memref<800000xi32, #tpu.memory_space<hbm>> -> memref<80xi32, #tpu.memory_space<hbm>>
      %dma_start3A_29 = tpu.memref_slice %arg3[%add3A_12] : memref<800000xi32, #tpu.memory_space<hbm>> -> memref<80xi32, #tpu.memory_space<hbm>>
      tpu.enqueue_dma source(%dma_start3A_29 : memref<80xi32, #tpu.memory_space<hbm>>) target(%arg10 : memref<80xi32, #tpu.memory_space<vmem>>) target_semaphore(%run_scoped3A : memref<!tpu.dma_semaphore, #tpu.memory_space<semaphore_mem>>)
      %dma_wait3A = tpu.memref_slice %arg3[%add3A_12] : memref<800000xi32, #tpu.memory_space<hbm>> -> memref<80xi32, #tpu.memory_space<hbm>>
      %dma_wait3A_30 = tpu.memref_slice %arg3[%add3A_12] : memref<800000xi32, #tpu.memory_space<hbm>> -> memref<80xi32, #tpu.memory_space<hbm>>
      tpu.wait_dma2 semaphore(%run_scoped3A : memref<!tpu.dma_semaphore, #tpu.memory_space<semaphore_mem>>) src(%dma_wait3A_30 : memref<80xi32, #tpu.memory_space<hbm>>) dst(%arg10 : memref<80xi32, #tpu.memory_space<vmem>>)
      tpu.yield
    }) : () -> ()
    %eq3A_13 = arith.constant 0 : i32
    %eq3A_14 = arith.cmpi eq, %arg0, %eq3A_13 : i32
    %convert_element_type3A_15 = arith.extui %eq3A_14 : i1 to i32
    %cond3A_16 = arith.constant 0 : i32
    %cond3A_17 = arith.cmpi ne, %convert_element_type3A_15, %cond3A_16 : i32
    scf.if %cond3A_17 {
      "tpu.region"() ({
        %run_scoped3A = tpu.sem_alloc : memref<!tpu.dma_semaphore, #tpu.memory_space<semaphore_mem>>
        %dma_start3A = arith.constant 0 : i32
        %dma_start3A_29 = arith.constant 0 : i32
        %dma_start3A_30 = tpu.memref_slice %arg8[%dma_start3A, %dma_start3A_29] : memref<128x16xf32, #tpu.memory_space<vmem>> -> memref<80x16xf32, #tpu.memory_space<vmem>>
        %dma_start3A_31 = arith.constant 0 : i32
        %dma_start3A_32 = tpu.memref_slice %arg2[%add3A_12, %dma_start3A_31] : memref<800000x16xf32, #tpu.memory_space<hbm>> -> memref<80x16xf32, #tpu.memory_space<hbm>>
        %dma_start3A_33 = arith.constant 0 : i32
        %dma_start3A_34 = arith.constant 0 : i32
        %dma_start3A_35 = tpu.memref_slice %arg8[%dma_start3A_33, %dma_start3A_34] : memref<128x16xf32, #tpu.memory_space<vmem>> -> memref<80x16xf32, #tpu.memory_space<vmem>>
        %dma_start3A_36 = arith.constant 0 : i32
        %dma_start3A_37 = tpu.memref_slice %arg2[%add3A_12, %dma_start3A_36] : memref<800000x16xf32, #tpu.memory_space<hbm>> -> memref<80x16xf32, #tpu.memory_space<hbm>>
        tpu.enqueue_dma source(%dma_start3A_37 : memref<80x16xf32, #tpu.memory_space<hbm>>) target(%dma_start3A_35 : memref<80x16xf32, #tpu.memory_space<vmem>>) target_semaphore(%run_scoped3A : memref<!tpu.dma_semaphore, #tpu.memory_space<semaphore_mem>>)
        %dma_wait3A = arith.constant 0 : i32
        %dma_wait3A_38 = arith.constant 0 : i32
        %dma_wait3A_39 = tpu.memref_slice %arg8[%dma_wait3A, %dma_wait3A_38] : memref<128x16xf32, #tpu.memory_space<vmem>> -> memref<80x16xf32, #tpu.memory_space<vmem>>
        %dma_wait3A_40 = arith.constant 0 : i32
        %dma_wait3A_41 = tpu.memref_slice %arg2[%add3A_12, %dma_wait3A_40] : memref<800000x16xf32, #tpu.memory_space<hbm>> -> memref<80x16xf32, #tpu.memory_space<hbm>>
        %dma_wait3A_42 = arith.constant 0 : i32
        %dma_wait3A_43 = arith.constant 0 : i32
        %dma_wait3A_44 = tpu.memref_slice %arg8[%dma_wait3A_42, %dma_wait3A_43] : memref<128x16xf32, #tpu.memory_space<vmem>> -> memref<80x16xf32, #tpu.memory_space<vmem>>
        %dma_wait3A_45 = arith.constant 0 : i32
        %dma_wait3A_46 = tpu.memref_slice %arg2[%add3A_12, %dma_wait3A_45] : memref<800000x16xf32, #tpu.memory_space<hbm>> -> memref<80x16xf32, #tpu.memory_space<hbm>>
        tpu.wait_dma2 semaphore(%run_scoped3A : memref<!tpu.dma_semaphore, #tpu.memory_space<semaphore_mem>>) src(%dma_wait3A_46 : memref<80x16xf32, #tpu.memory_space<hbm>>) dst(%dma_wait3A_44 : memref<80x16xf32, #tpu.memory_space<vmem>>)
        tpu.yield
      }) : () -> ()
    } else {
    }
    "tpu.region"() ({
      %run_scoped3A = tpu.sem_alloc : memref<!tpu.dma_semaphore, #tpu.memory_space<semaphore_mem>>
      %dma_start3A = arith.constant 0 : i32
      %dma_start3A_29 = arith.constant 0 : i32
      %dma_start3A_30 = tpu.memref_slice %arg8[%dma_start3A, %dma_start3A_29] : memref<128x16xf32, #tpu.memory_space<vmem>> -> memref<80x16xf32, #tpu.memory_space<vmem>>
      %dma_start3A_31 = arith.constant 0 : i32
      %dma_start3A_32 = arith.constant 0 : i32
      %dma_start3A_33 = tpu.memref_slice %arg7[%dma_start3A_31, %dma_start3A_32] : memref<50000x16xf32, #tpu.memory_space<vmem_shared>> -> memref<50000x16xf32, #tpu.memory_space<vmem_shared>>
      tpu.enqueue_indirect_dma source(%dma_start3A_30 : memref<80x16xf32, #tpu.memory_space<vmem>>) target(%dma_start3A_33 : memref<50000x16xf32, #tpu.memory_space<vmem_shared>>) offsets(%arg10 : memref<80xi32, #tpu.memory_space<vmem>>) semaphore(%run_scoped3A : memref<!tpu.dma_semaphore, #tpu.memory_space<semaphore_mem>>) {add = true}
      %dma_wait3A = arith.constant 0 : i32
      %dma_wait3A_34 = arith.constant 0 : i32
      %dma_wait3A_35 = tpu.memref_slice %arg8[%dma_wait3A, %dma_wait3A_34] : memref<128x16xf32, #tpu.memory_space<vmem>> -> memref<80x16xf32, #tpu.memory_space<vmem>>
      %dma_wait3A_36 = arith.constant 0 : i32
      %dma_wait3A_37 = arith.constant 0 : i32
      %dma_wait3A_38 = tpu.memref_slice %arg7[%dma_wait3A_36, %dma_wait3A_37] : memref<50000x16xf32, #tpu.memory_space<vmem_shared>> -> memref<50000x16xf32, #tpu.memory_space<vmem_shared>>
      tpu.wait_indirect_dma semaphore(%run_scoped3A : memref<!tpu.dma_semaphore, #tpu.memory_space<semaphore_mem>>) src(%dma_wait3A_35 : memref<80x16xf32, #tpu.memory_space<vmem>>) dst(%dma_wait3A_38 : memref<50000x16xf32, #tpu.memory_space<vmem_shared>>)
      tpu.yield
    }) : () -> ()
    %barrier3A_18 = arith.constant 0 : index
    tpu.barrier barrier_id(%barrier3A_18)
    %lt3A_19 = arith.constant 15 : i32
    %lt3A_20 = arith.cmpi slt, %arg1, %lt3A_19 : i32
    %convert_element_type3A_21 = arith.extui %lt3A_20 : i1 to i32
    %cond3A_22 = arith.constant 0 : i32
    %cond3A_23 = arith.cmpi ne, %convert_element_type3A_21, %cond3A_22 : i32
    scf.if %cond3A_23 {
      %mul3A_29 = arith.constant 3128 : i32
      %mul3A_30 = arith.muli %arg1, %mul3A_29 : i32
      %mul3A_31 = arith.constant 3128 : i32
      %mul3A_32 = arith.muli %arg1, %mul3A_31 : i32
      "tpu.region"() ({
        %run_scoped3A = tpu.sem_alloc : memref<!tpu.dma_semaphore, #tpu.memory_space<semaphore_mem>>
        %dma_start3A = arith.constant 0 : i32
        %dma_start3A_33 = tpu.memref_slice %arg6[%arg0, %mul3A_32, %dma_start3A] : memref<2x50000x16xf32, #tpu.memory_space<hbm>> -> memref<1x3128x16xf32, #tpu.memory_space<hbm>>
        %dma_start3A_34 = tpu.memref_squeeze %dma_start3A_33 : memref<1x3128x16xf32, #tpu.memory_space<hbm>> -> memref<3128x16xf32, #tpu.memory_space<hbm>>
        %dma_start3A_35 = arith.constant 0 : i32
        %dma_start3A_36 = tpu.memref_slice %arg7[%mul3A_30, %dma_start3A_35] : memref<50000x16xf32, #tpu.memory_space<vmem_shared>> -> memref<3128x16xf32, #tpu.memory_space<vmem_shared>>
        tpu.enqueue_dma source(%dma_start3A_36 : memref<3128x16xf32, #tpu.memory_space<vmem_shared>>) target(%dma_start3A_34 : memref<3128x16xf32, #tpu.memory_space<hbm>>) target_semaphore(%run_scoped3A : memref<!tpu.dma_semaphore, #tpu.memory_space<semaphore_mem>>)
        %dma_wait3A = arith.constant 0 : i32
        %dma_wait3A_37 = tpu.memref_slice %arg6[%arg0, %mul3A_32, %dma_wait3A] : memref<2x50000x16xf32, #tpu.memory_space<hbm>> -> memref<1x3128x16xf32, #tpu.memory_space<hbm>>
        %dma_wait3A_38 = tpu.memref_squeeze %dma_wait3A_37 : memref<1x3128x16xf32, #tpu.memory_space<hbm>> -> memref<3128x16xf32, #tpu.memory_space<hbm>>
        %dma_wait3A_39 = arith.constant 0 : i32
        %dma_wait3A_40 = tpu.memref_slice %arg7[%mul3A_30, %dma_wait3A_39] : memref<50000x16xf32, #tpu.memory_space<vmem_shared>> -> memref<3128x16xf32, #tpu.memory_space<vmem_shared>>
        tpu.wait_dma2 semaphore(%run_scoped3A : memref<!tpu.dma_semaphore, #tpu.memory_space<semaphore_mem>>) src(%dma_wait3A_40 : memref<3128x16xf32, #tpu.memory_space<vmem_shared>>) dst(%dma_wait3A_38 : memref<3128x16xf32, #tpu.memory_space<hbm>>)
        tpu.yield
      }) : () -> ()
    } else {
    }
    %eq3A_24 = arith.constant 15 : i32
    %eq3A_25 = arith.cmpi eq, %arg1, %eq3A_24 : i32
    %convert_element_type3A_26 = arith.extui %eq3A_25 : i1 to i32
    %cond3A_27 = arith.constant 0 : i32
    %cond3A_28 = arith.cmpi ne, %convert_element_type3A_26, %cond3A_27 : i32
    scf.if %cond3A_28 {
      "tpu.region"() ({
        %run_scoped3A = tpu.sem_alloc : memref<!tpu.dma_semaphore, #tpu.memory_space<semaphore_mem>>
        %dma_start3A = arith.constant 46920 : i32
        %dma_start3A_29 = arith.constant 0 : i32
        %dma_start3A_30 = tpu.memref_slice %arg6[%arg0, %dma_start3A, %dma_start3A_29] : memref<2x50000x16xf32, #tpu.memory_space<hbm>> -> memref<1x3080x16xf32, #tpu.memory_space<hbm>>
        %dma_start3A_31 = tpu.memref_squeeze %dma_start3A_30 : memref<1x3080x16xf32, #tpu.memory_space<hbm>> -> memref<3080x16xf32, #tpu.memory_space<hbm>>
        %dma_start3A_32 = arith.constant 46920 : i32
        %dma_start3A_33 = arith.constant 0 : i32
        %dma_start3A_34 = tpu.memref_slice %arg7[%dma_start3A_32, %dma_start3A_33] : memref<50000x16xf32, #tpu.memory_space<vmem_shared>> -> memref<3080x16xf32, #tpu.memory_space<vmem_shared>>
        tpu.enqueue_dma source(%dma_start3A_34 : memref<3080x16xf32, #tpu.memory_space<vmem_shared>>) target(%dma_start3A_31 : memref<3080x16xf32, #tpu.memory_space<hbm>>) target_semaphore(%run_scoped3A : memref<!tpu.dma_semaphore, #tpu.memory_space<semaphore_mem>>)
        %dma_wait3A = arith.constant 46920 : i32
        %dma_wait3A_35 = arith.constant 0 : i32
        %dma_wait3A_36 = tpu.memref_slice %arg6[%arg0, %dma_wait3A, %dma_wait3A_35] : memref<2x50000x16xf32, #tpu.memory_space<hbm>> -> memref<1x3080x16xf32, #tpu.memory_space<hbm>>
        %dma_wait3A_37 = tpu.memref_squeeze %dma_wait3A_36 : memref<1x3080x16xf32, #tpu.memory_space<hbm>> -> memref<3080x16xf32, #tpu.memory_space<hbm>>
        %dma_wait3A_38 = arith.constant 46920 : i32
        %dma_wait3A_39 = arith.constant 0 : i32
        %dma_wait3A_40 = tpu.memref_slice %arg7[%dma_wait3A_38, %dma_wait3A_39] : memref<50000x16xf32, #tpu.memory_space<vmem_shared>> -> memref<3080x16xf32, #tpu.memory_space<vmem_shared>>
        tpu.wait_dma2 semaphore(%run_scoped3A : memref<!tpu.dma_semaphore, #tpu.memory_space<semaphore_mem>>) src(%dma_wait3A_40 : memref<3080x16xf32, #tpu.memory_space<vmem_shared>>) dst(%dma_wait3A_37 : memref<3080x16xf32, #tpu.memory_space<hbm>>)
        tpu.yield
      }) : () -> ()
    } else {
    }
    return
  }
}

#map = affine_map<(d0, d1) -> (0, 0)>
#map1 = affine_map<(d0, d1) -> (0)>
#map2 = affine_map<(d0, d1) -> (0, 0, 0)>
module attributes {stable_mosaic.version = 14 : i64} {
  func.func @body(%arg0: i32, %arg1: i32, %arg2: memref<100000x32xbf16, #tpu.memory_space<hbm>>, %arg3: memref<800000xi32, #tpu.memory_space<hbm>>, %arg4: memref<800000xi32, #tpu.memory_space<hbm>>, %arg5: memref<3128x32xbf16, #tpu.memory_space<hbm>>, %arg6: memref<2x50000x32xbf16, #tpu.memory_space<hbm>>, %arg7: memref<50000x32xbf16, #tpu.memory_space<vmem_shared>>, %arg8: memref<128x32xbf16, #tpu.memory_space<vmem>>, %arg9: memref<128x32xbf16, #tpu.memory_space<vmem>>, %arg10: memref<128xi32, #tpu.memory_space<vmem>>, %arg11: memref<128xi32, #tpu.memory_space<vmem>>, %arg12: memref<128xi32, #tpu.memory_space<vmem>>, %arg13: memref<128xi32, #tpu.memory_space<vmem>>, %arg14: memref<128xi32, #tpu.memory_space<vmem>>, %arg15: memref<128xi32, #tpu.memory_space<vmem>>, %arg16: memref<80xi32, #tpu.memory_space<vmem>>, %arg17: memref<!tpu.dma_semaphore, #tpu.memory_space<semaphore_mem>>, %arg18: memref<!tpu.dma_semaphore, #tpu.memory_space<semaphore_mem>>, %arg19: memref<!tpu.dma_semaphore, #tpu.memory_space<semaphore_mem>>, %arg20: memref<!tpu.dma_semaphore, #tpu.memory_space<semaphore_mem>>) attributes {dimension_semantics = [#tpu.dimension_semantics<core_parallel>, #tpu.dimension_semantics<subcore_parallel>], iteration_bounds = array<i64: 2, 16>, scalar_prefetch = 0 : i64, scratch_operands = 14 : i64, tpu.core_type = #tpu.core_type<sc_vector_subcore>, window_params = [{transform_indices = #map}, {transform_indices = #map1}, {transform_indices = #map1}, {transform_indices = #map}, {transform_indices = #map2}]} {
    %mul3A = arith.constant 50000 : i32
    %mul3A_0 = arith.muli %arg0, %mul3A : i32
    %lt3A = arith.constant 15 : i32
    %lt3A_1 = arith.cmpi slt, %arg1, %lt3A : i32
    %convert_element_type3A = arith.extui %lt3A_1 : i1 to i32
    %cond3A = arith.constant 0 : i32
    %cond3A_2 = arith.cmpi ne, %convert_element_type3A, %cond3A : i32
    scf.if %cond3A_2 {
      %mul3A_95 = arith.constant 3128 : i32
      %mul3A_96 = arith.muli %arg1, %mul3A_95 : i32
      "tpu.region"() ({
        %run_scoped3A = tpu.sem_alloc : memref<!tpu.dma_semaphore, #tpu.memory_space<semaphore_mem>>
        %dma_start3A_97 = arith.constant 0 : i32
        %dma_start3A_98 = tpu.memref_slice %arg7[%mul3A_96, %dma_start3A_97] : memref<50000x32xbf16, #tpu.memory_space<vmem_shared>> -> memref<3128x32xbf16, #tpu.memory_space<vmem_shared>>
        tpu.enqueue_dma source(%arg5 : memref<3128x32xbf16, #tpu.memory_space<hbm>>) target(%dma_start3A_98 : memref<3128x32xbf16, #tpu.memory_space<vmem_shared>>) target_semaphore(%run_scoped3A : memref<!tpu.dma_semaphore, #tpu.memory_space<semaphore_mem>>)
        %dma_wait3A_99 = arith.constant 0 : i32
        %dma_wait3A_100 = tpu.memref_slice %arg7[%mul3A_96, %dma_wait3A_99] : memref<50000x32xbf16, #tpu.memory_space<vmem_shared>> -> memref<3128x32xbf16, #tpu.memory_space<vmem_shared>>
        tpu.wait_dma2 semaphore(%run_scoped3A : memref<!tpu.dma_semaphore, #tpu.memory_space<semaphore_mem>>) src(%arg5 : memref<3128x32xbf16, #tpu.memory_space<hbm>>) dst(%dma_wait3A_100 : memref<3128x32xbf16, #tpu.memory_space<vmem_shared>>)
        tpu.yield
      }) : () -> ()
    } else {
    }
    %eq3A = arith.constant 15 : i32
    %eq3A_3 = arith.cmpi eq, %arg1, %eq3A : i32
    %convert_element_type3A_4 = arith.extui %eq3A_3 : i1 to i32
    %cond3A_5 = arith.constant 0 : i32
    %cond3A_6 = arith.cmpi ne, %convert_element_type3A_4, %cond3A_5 : i32
    scf.if %cond3A_6 {
      "tpu.region"() ({
        %run_scoped3A = tpu.sem_alloc : memref<!tpu.dma_semaphore, #tpu.memory_space<semaphore_mem>>
        %dma_start3A_95 = arith.constant 46920 : i32
        %dma_start3A_96 = arith.constant 0 : i32
        %dma_start3A_97 = tpu.memref_slice %arg7[%dma_start3A_95, %dma_start3A_96] : memref<50000x32xbf16, #tpu.memory_space<vmem_shared>> -> memref<3080x32xbf16, #tpu.memory_space<vmem_shared>>
        %dma_start3A_98 = arith.constant 0 : i32
        %dma_start3A_99 = arith.constant 0 : i32
        %dma_start3A_100 = tpu.memref_slice %arg5[%dma_start3A_98, %dma_start3A_99] : memref<3128x32xbf16, #tpu.memory_space<hbm>> -> memref<3080x32xbf16, #tpu.memory_space<hbm>>
        tpu.enqueue_dma source(%dma_start3A_100 : memref<3080x32xbf16, #tpu.memory_space<hbm>>) target(%dma_start3A_97 : memref<3080x32xbf16, #tpu.memory_space<vmem_shared>>) target_semaphore(%run_scoped3A : memref<!tpu.dma_semaphore, #tpu.memory_space<semaphore_mem>>)
        %dma_wait3A_101 = arith.constant 46920 : i32
        %dma_wait3A_102 = arith.constant 0 : i32
        %dma_wait3A_103 = tpu.memref_slice %arg7[%dma_wait3A_101, %dma_wait3A_102] : memref<50000x32xbf16, #tpu.memory_space<vmem_shared>> -> memref<3080x32xbf16, #tpu.memory_space<vmem_shared>>
        %dma_wait3A_104 = arith.constant 0 : i32
        %dma_wait3A_105 = arith.constant 0 : i32
        %dma_wait3A_106 = tpu.memref_slice %arg5[%dma_wait3A_104, %dma_wait3A_105] : memref<3128x32xbf16, #tpu.memory_space<hbm>> -> memref<3080x32xbf16, #tpu.memory_space<hbm>>
        tpu.wait_dma2 semaphore(%run_scoped3A : memref<!tpu.dma_semaphore, #tpu.memory_space<semaphore_mem>>) src(%dma_wait3A_106 : memref<3080x32xbf16, #tpu.memory_space<hbm>>) dst(%dma_wait3A_103 : memref<3080x32xbf16, #tpu.memory_space<vmem_shared>>)
        tpu.yield
      }) : () -> ()
    } else {
    }
    %barrier3A = arith.constant 0 : index
    tpu.barrier barrier_id(%barrier3A)
    %mul3A_7 = arith.constant 50000 : i32
    %mul3A_8 = arith.muli %arg1, %mul3A_7 : i32
    %add3A = arith.constant 0 : i32
    %add3A_9 = arith.addi %mul3A_8, %add3A : i32
    %dma_start3A = tpu.memref_slice %arg3[%add3A_9] : memref<800000xi32, #tpu.memory_space<hbm>> -> memref<128xi32, #tpu.memory_space<hbm>>
    %dma_start3A_10 = tpu.memref_slice %arg3[%add3A_9] : memref<800000xi32, #tpu.memory_space<hbm>> -> memref<128xi32, #tpu.memory_space<hbm>>
    tpu.enqueue_dma source(%dma_start3A_10 : memref<128xi32, #tpu.memory_space<hbm>>) target(%arg10 : memref<128xi32, #tpu.memory_space<vmem>>) target_semaphore(%arg19 : memref<!tpu.dma_semaphore, #tpu.memory_space<semaphore_mem>>)
    %dma_start3A_11 = tpu.memref_slice %arg4[%add3A_9] : memref<800000xi32, #tpu.memory_space<hbm>> -> memref<128xi32, #tpu.memory_space<hbm>>
    %dma_start3A_12 = tpu.memref_slice %arg4[%add3A_9] : memref<800000xi32, #tpu.memory_space<hbm>> -> memref<128xi32, #tpu.memory_space<hbm>>
    tpu.enqueue_dma source(%dma_start3A_12 : memref<128xi32, #tpu.memory_space<hbm>>) target(%arg14 : memref<128xi32, #tpu.memory_space<vmem>>) target_semaphore(%arg19 : memref<!tpu.dma_semaphore, #tpu.memory_space<semaphore_mem>>)
    %scan3A = arith.constant 0 : i32
    %scan3A_13 = arith.constant 0 : i32
    %scan3A_14 = arith.constant 195 : i32
    %scan3A_15 = arith.addi %scan3A_13, %scan3A_14 : i32
    %scan3A_16 = arith.constant 1 : i32
    scf.for %scan3A_95 = %scan3A_13 to %scan3A_15 step %scan3A_16  : i32 {
      %mul3A_96 = arith.constant 2 : i32
      %mul3A_97 = arith.muli %mul3A_96, %scan3A_95 : i32
      %gt3A = arith.constant 0 : i32
      %gt3A_98 = arith.cmpi sgt, %scan3A_95, %gt3A : i32
      %convert_element_type3A_99 = arith.extui %gt3A_98 : i1 to i32
      %cond3A_100 = arith.constant 0 : i32
      %cond3A_101 = arith.cmpi ne, %convert_element_type3A_99, %cond3A_100 : i32
      scf.if %cond3A_101 {
        %dma_wait3A_290 = arith.constant 0 : i32
        %dma_wait3A_291 = arith.constant 0 : i32
        %dma_wait3A_292 = tpu.memref_slice %arg2[%dma_wait3A_290, %dma_wait3A_291] : memref<100000x32xbf16, #tpu.memory_space<hbm>> -> memref<128x32xbf16, #tpu.memory_space<hbm>>
        %dma_wait3A_293 = arith.constant 0 : i32
        %dma_wait3A_294 = arith.constant 0 : i32
        %dma_wait3A_295 = tpu.memref_slice %arg2[%dma_wait3A_293, %dma_wait3A_294] : memref<100000x32xbf16, #tpu.memory_space<hbm>> -> memref<128x32xbf16, #tpu.memory_space<hbm>>
        tpu.wait_dma2 semaphore(%arg18 : memref<!tpu.dma_semaphore, #tpu.memory_space<semaphore_mem>>) src(%dma_wait3A_295 : memref<128x32xbf16, #tpu.memory_space<hbm>>) dst(%arg9 : memref<128x32xbf16, #tpu.memory_space<vmem>>)
        "tpu.region"() ({
          %run_scoped3A = tpu.sem_alloc : memref<!tpu.dma_semaphore, #tpu.memory_space<semaphore_mem>>
          %dma_start3A_296 = arith.constant 0 : i32
          %dma_start3A_297 = arith.constant 0 : i32
          %dma_start3A_298 = tpu.memref_slice %arg7[%dma_start3A_296, %dma_start3A_297] : memref<50000x32xbf16, #tpu.memory_space<vmem_shared>> -> memref<50000x32xbf16, #tpu.memory_space<vmem_shared>>
          tpu.enqueue_indirect_dma source(%arg9 : memref<128x32xbf16, #tpu.memory_space<vmem>>) target(%dma_start3A_298 : memref<50000x32xbf16, #tpu.memory_space<vmem_shared>>) offsets(%arg15 : memref<128xi32, #tpu.memory_space<vmem>>) semaphore(%run_scoped3A : memref<!tpu.dma_semaphore, #tpu.memory_space<semaphore_mem>>) {add = true}
          %dma_wait3A_299 = arith.constant 0 : i32
          %dma_wait3A_300 = arith.constant 0 : i32
          %dma_wait3A_301 = tpu.memref_slice %arg7[%dma_wait3A_299, %dma_wait3A_300] : memref<50000x32xbf16, #tpu.memory_space<vmem_shared>> -> memref<50000x32xbf16, #tpu.memory_space<vmem_shared>>
          tpu.wait_indirect_dma semaphore(%run_scoped3A : memref<!tpu.dma_semaphore, #tpu.memory_space<semaphore_mem>>) src(%arg9 : memref<128x32xbf16, #tpu.memory_space<vmem>>) dst(%dma_wait3A_301 : memref<50000x32xbf16, #tpu.memory_space<vmem_shared>>)
          tpu.yield
        }) : () -> ()
      } else {
      }
      %add3A_102 = arith.constant 1 : i32
      %add3A_103 = arith.addi %mul3A_97, %add3A_102 : i32
      %mul3A_104 = arith.constant 128 : i32
      %mul3A_105 = arith.muli %add3A_103, %mul3A_104 : i32
      %add3A_106 = arith.addi %mul3A_8, %mul3A_105 : i32
      %dma_start3A_107 = tpu.memref_slice %arg3[%add3A_106] : memref<800000xi32, #tpu.memory_space<hbm>> -> memref<128xi32, #tpu.memory_space<hbm>>
      %dma_start3A_108 = tpu.memref_slice %arg3[%add3A_106] : memref<800000xi32, #tpu.memory_space<hbm>> -> memref<128xi32, #tpu.memory_space<hbm>>
      tpu.enqueue_dma source(%dma_start3A_108 : memref<128xi32, #tpu.memory_space<hbm>>) target(%arg11 : memref<128xi32, #tpu.memory_space<vmem>>) target_semaphore(%arg20 : memref<!tpu.dma_semaphore, #tpu.memory_space<semaphore_mem>>)
      %dma_start3A_109 = tpu.memref_slice %arg4[%add3A_106] : memref<800000xi32, #tpu.memory_space<hbm>> -> memref<128xi32, #tpu.memory_space<hbm>>
      %dma_start3A_110 = tpu.memref_slice %arg4[%add3A_106] : memref<800000xi32, #tpu.memory_space<hbm>> -> memref<128xi32, #tpu.memory_space<hbm>>
      tpu.enqueue_dma source(%dma_start3A_110 : memref<128xi32, #tpu.memory_space<hbm>>) target(%arg15 : memref<128xi32, #tpu.memory_space<vmem>>) target_semaphore(%arg20 : memref<!tpu.dma_semaphore, #tpu.memory_space<semaphore_mem>>)
      %mul3A_111 = arith.constant 128 : i32
      %mul3A_112 = arith.muli %mul3A_97, %mul3A_111 : i32
      %add3A_113 = arith.addi %mul3A_8, %mul3A_112 : i32
      %dma_wait3A_114 = tpu.memref_slice %arg3[%add3A_113] : memref<800000xi32, #tpu.memory_space<hbm>> -> memref<128xi32, #tpu.memory_space<hbm>>
      %dma_wait3A_115 = tpu.memref_slice %arg3[%add3A_113] : memref<800000xi32, #tpu.memory_space<hbm>> -> memref<128xi32, #tpu.memory_space<hbm>>
      tpu.wait_dma2 semaphore(%arg19 : memref<!tpu.dma_semaphore, #tpu.memory_space<semaphore_mem>>) src(%dma_wait3A_115 : memref<128xi32, #tpu.memory_space<hbm>>) dst(%arg10 : memref<128xi32, #tpu.memory_space<vmem>>)
      %dma_wait3A_116 = tpu.memref_slice %arg4[%add3A_113] : memref<800000xi32, #tpu.memory_space<hbm>> -> memref<128xi32, #tpu.memory_space<hbm>>
      %dma_wait3A_117 = tpu.memref_slice %arg4[%add3A_113] : memref<800000xi32, #tpu.memory_space<hbm>> -> memref<128xi32, #tpu.memory_space<hbm>>
      tpu.wait_dma2 semaphore(%arg19 : memref<!tpu.dma_semaphore, #tpu.memory_space<semaphore_mem>>) src(%dma_wait3A_117 : memref<128xi32, #tpu.memory_space<hbm>>) dst(%arg14 : memref<128xi32, #tpu.memory_space<vmem>>)
      %get3A_118 = arith.constant 0 : index
      %get3A_119 = tpu.vector_load %arg10[%get3A_118] {strides = array<i32>} : memref<128xi32, #tpu.memory_space<vmem>>, vector<16xi32>,
      %get3A_120 = vector.shape_cast %get3A_119 : vector<16xi32> to vector<16xi32>
      %add3A_121 = vector.broadcast %mul3A_0 : i32 to vector<16xi32>
      %add3A_122 = arith.addi %get3A_120, %add3A_121 : vector<16xi32>
      %swap3A_123 = arith.constant 0 : index
      %swap3A_124 = tpu.vector_load %arg12[%swap3A_123] {strides = array<i32>} : memref<128xi32, #tpu.memory_space<vmem>>, vector<16xi32>,
      %swap3A_125 = vector.shape_cast %swap3A_124 : vector<16xi32> to vector<16xi32>
      %swap3A_126 = vector.shape_cast %add3A_122 : vector<16xi32> to vector<16xi32>
      tpu.vector_store %arg12[%swap3A_123], %swap3A_126 {strides = array<i32>} : memref<128xi32, #tpu.memory_space<vmem>>, vector<16xi32>,
      %get3A_127 = arith.constant 16 : index
      %get3A_128 = tpu.vector_load %arg10[%get3A_127] {strides = array<i32>} : memref<128xi32, #tpu.memory_space<vmem>>, vector<16xi32>,
      %get3A_129 = vector.shape_cast %get3A_128 : vector<16xi32> to vector<16xi32>
      %add3A_130 = vector.broadcast %mul3A_0 : i32 to vector<16xi32>
      %add3A_131 = arith.addi %get3A_129, %add3A_130 : vector<16xi32>
      %swap3A_132 = arith.constant 16 : index
      %swap3A_133 = tpu.vector_load %arg12[%swap3A_132] {strides = array<i32>} : memref<128xi32, #tpu.memory_space<vmem>>, vector<16xi32>,
      %swap3A_134 = vector.shape_cast %swap3A_133 : vector<16xi32> to vector<16xi32>
      %swap3A_135 = vector.shape_cast %add3A_131 : vector<16xi32> to vector<16xi32>
      tpu.vector_store %arg12[%swap3A_132], %swap3A_135 {strides = array<i32>} : memref<128xi32, #tpu.memory_space<vmem>>, vector<16xi32>,
      %get3A_136 = arith.constant 32 : index
      %get3A_137 = tpu.vector_load %arg10[%get3A_136] {strides = array<i32>} : memref<128xi32, #tpu.memory_space<vmem>>, vector<16xi32>,
      %get3A_138 = vector.shape_cast %get3A_137 : vector<16xi32> to vector<16xi32>
      %add3A_139 = vector.broadcast %mul3A_0 : i32 to vector<16xi32>
      %add3A_140 = arith.addi %get3A_138, %add3A_139 : vector<16xi32>
      %swap3A_141 = arith.constant 32 : index
      %swap3A_142 = tpu.vector_load %arg12[%swap3A_141] {strides = array<i32>} : memref<128xi32, #tpu.memory_space<vmem>>, vector<16xi32>,
      %swap3A_143 = vector.shape_cast %swap3A_142 : vector<16xi32> to vector<16xi32>
      %swap3A_144 = vector.shape_cast %add3A_140 : vector<16xi32> to vector<16xi32>
      tpu.vector_store %arg12[%swap3A_141], %swap3A_144 {strides = array<i32>} : memref<128xi32, #tpu.memory_space<vmem>>, vector<16xi32>,
      %get3A_145 = arith.constant 48 : index
      %get3A_146 = tpu.vector_load %arg10[%get3A_145] {strides = array<i32>} : memref<128xi32, #tpu.memory_space<vmem>>, vector<16xi32>,
      %get3A_147 = vector.shape_cast %get3A_146 : vector<16xi32> to vector<16xi32>
      %add3A_148 = vector.broadcast %mul3A_0 : i32 to vector<16xi32>
      %add3A_149 = arith.addi %get3A_147, %add3A_148 : vector<16xi32>
      %swap3A_150 = arith.constant 48 : index
      %swap3A_151 = tpu.vector_load %arg12[%swap3A_150] {strides = array<i32>} : memref<128xi32, #tpu.memory_space<vmem>>, vector<16xi32>,
      %swap3A_152 = vector.shape_cast %swap3A_151 : vector<16xi32> to vector<16xi32>
      %swap3A_153 = vector.shape_cast %add3A_149 : vector<16xi32> to vector<16xi32>
      tpu.vector_store %arg12[%swap3A_150], %swap3A_153 {strides = array<i32>} : memref<128xi32, #tpu.memory_space<vmem>>, vector<16xi32>,
      %get3A_154 = arith.constant 64 : index
      %get3A_155 = tpu.vector_load %arg10[%get3A_154] {strides = array<i32>} : memref<128xi32, #tpu.memory_space<vmem>>, vector<16xi32>,
      %get3A_156 = vector.shape_cast %get3A_155 : vector<16xi32> to vector<16xi32>
      %add3A_157 = vector.broadcast %mul3A_0 : i32 to vector<16xi32>
      %add3A_158 = arith.addi %get3A_156, %add3A_157 : vector<16xi32>
      %swap3A_159 = arith.constant 64 : index
      %swap3A_160 = tpu.vector_load %arg12[%swap3A_159] {strides = array<i32>} : memref<128xi32, #tpu.memory_space<vmem>>, vector<16xi32>,
      %swap3A_161 = vector.shape_cast %swap3A_160 : vector<16xi32> to vector<16xi32>
      %swap3A_162 = vector.shape_cast %add3A_158 : vector<16xi32> to vector<16xi32>
      tpu.vector_store %arg12[%swap3A_159], %swap3A_162 {strides = array<i32>} : memref<128xi32, #tpu.memory_space<vmem>>, vector<16xi32>,
      %get3A_163 = arith.constant 80 : index
      %get3A_164 = tpu.vector_load %arg10[%get3A_163] {strides = array<i32>} : memref<128xi32, #tpu.memory_space<vmem>>, vector<16xi32>,
      %get3A_165 = vector.shape_cast %get3A_164 : vector<16xi32> to vector<16xi32>
      %add3A_166 = vector.broadcast %mul3A_0 : i32 to vector<16xi32>
      %add3A_167 = arith.addi %get3A_165, %add3A_166 : vector<16xi32>
      %swap3A_168 = arith.constant 80 : index
      %swap3A_169 = tpu.vector_load %arg12[%swap3A_168] {strides = array<i32>} : memref<128xi32, #tpu.memory_space<vmem>>, vector<16xi32>,
      %swap3A_170 = vector.shape_cast %swap3A_169 : vector<16xi32> to vector<16xi32>
      %swap3A_171 = vector.shape_cast %add3A_167 : vector<16xi32> to vector<16xi32>
      tpu.vector_store %arg12[%swap3A_168], %swap3A_171 {strides = array<i32>} : memref<128xi32, #tpu.memory_space<vmem>>, vector<16xi32>,
      %get3A_172 = arith.constant 96 : index
      %get3A_173 = tpu.vector_load %arg10[%get3A_172] {strides = array<i32>} : memref<128xi32, #tpu.memory_space<vmem>>, vector<16xi32>,
      %get3A_174 = vector.shape_cast %get3A_173 : vector<16xi32> to vector<16xi32>
      %add3A_175 = vector.broadcast %mul3A_0 : i32 to vector<16xi32>
      %add3A_176 = arith.addi %get3A_174, %add3A_175 : vector<16xi32>
      %swap3A_177 = arith.constant 96 : index
      %swap3A_178 = tpu.vector_load %arg12[%swap3A_177] {strides = array<i32>} : memref<128xi32, #tpu.memory_space<vmem>>, vector<16xi32>,
      %swap3A_179 = vector.shape_cast %swap3A_178 : vector<16xi32> to vector<16xi32>
      %swap3A_180 = vector.shape_cast %add3A_176 : vector<16xi32> to vector<16xi32>
      tpu.vector_store %arg12[%swap3A_177], %swap3A_180 {strides = array<i32>} : memref<128xi32, #tpu.memory_space<vmem>>, vector<16xi32>,
      %get3A_181 = arith.constant 112 : index
      %get3A_182 = tpu.vector_load %arg10[%get3A_181] {strides = array<i32>} : memref<128xi32, #tpu.memory_space<vmem>>, vector<16xi32>,
      %get3A_183 = vector.shape_cast %get3A_182 : vector<16xi32> to vector<16xi32>
      %add3A_184 = vector.broadcast %mul3A_0 : i32 to vector<16xi32>
      %add3A_185 = arith.addi %get3A_183, %add3A_184 : vector<16xi32>
      %swap3A_186 = arith.constant 112 : index
      %swap3A_187 = tpu.vector_load %arg12[%swap3A_186] {strides = array<i32>} : memref<128xi32, #tpu.memory_space<vmem>>, vector<16xi32>,
      %swap3A_188 = vector.shape_cast %swap3A_187 : vector<16xi32> to vector<16xi32>
      %swap3A_189 = vector.shape_cast %add3A_185 : vector<16xi32> to vector<16xi32>
      tpu.vector_store %arg12[%swap3A_186], %swap3A_189 {strides = array<i32>} : memref<128xi32, #tpu.memory_space<vmem>>, vector<16xi32>,
      %dma_start3A_190 = arith.constant 0 : i32
      %dma_start3A_191 = arith.constant 0 : i32
      %dma_start3A_192 = tpu.memref_slice %arg2[%dma_start3A_190, %dma_start3A_191] : memref<100000x32xbf16, #tpu.memory_space<hbm>> -> memref<100000x32xbf16, #tpu.memory_space<hbm>>
      tpu.enqueue_indirect_dma source(%dma_start3A_192 : memref<100000x32xbf16, #tpu.memory_space<hbm>>) target(%arg8 : memref<128x32xbf16, #tpu.memory_space<vmem>>) offsets(%arg12 : memref<128xi32, #tpu.memory_space<vmem>>) semaphore(%arg17 : memref<!tpu.dma_semaphore, #tpu.memory_space<semaphore_mem>>)
      %add3A_193 = arith.constant 1 : i32
      %add3A_194 = arith.addi %mul3A_97, %add3A_193 : i32
      %mul3A_195 = arith.constant 128 : i32
      %mul3A_196 = arith.muli %add3A_194, %mul3A_195 : i32
      %add3A_197 = arith.addi %mul3A_8, %mul3A_196 : i32
      %dma_wait3A_198 = tpu.memref_slice %arg3[%add3A_197] : memref<800000xi32, #tpu.memory_space<hbm>> -> memref<128xi32, #tpu.memory_space<hbm>>
      %dma_wait3A_199 = tpu.memref_slice %arg3[%add3A_197] : memref<800000xi32, #tpu.memory_space<hbm>> -> memref<128xi32, #tpu.memory_space<hbm>>
      tpu.wait_dma2 semaphore(%arg20 : memref<!tpu.dma_semaphore, #tpu.memory_space<semaphore_mem>>) src(%dma_wait3A_199 : memref<128xi32, #tpu.memory_space<hbm>>) dst(%arg11 : memref<128xi32, #tpu.memory_space<vmem>>)
      %dma_wait3A_200 = tpu.memref_slice %arg4[%add3A_197] : memref<800000xi32, #tpu.memory_space<hbm>> -> memref<128xi32, #tpu.memory_space<hbm>>
      %dma_wait3A_201 = tpu.memref_slice %arg4[%add3A_197] : memref<800000xi32, #tpu.memory_space<hbm>> -> memref<128xi32, #tpu.memory_space<hbm>>
      tpu.wait_dma2 semaphore(%arg20 : memref<!tpu.dma_semaphore, #tpu.memory_space<semaphore_mem>>) src(%dma_wait3A_201 : memref<128xi32, #tpu.memory_space<hbm>>) dst(%arg15 : memref<128xi32, #tpu.memory_space<vmem>>)
      %get3A_202 = arith.constant 0 : index
      %get3A_203 = tpu.vector_load %arg11[%get3A_202] {strides = array<i32>} : memref<128xi32, #tpu.memory_space<vmem>>, vector<16xi32>,
      %get3A_204 = vector.shape_cast %get3A_203 : vector<16xi32> to vector<16xi32>
      %add3A_205 = vector.broadcast %mul3A_0 : i32 to vector<16xi32>
      %add3A_206 = arith.addi %get3A_204, %add3A_205 : vector<16xi32>
      %swap3A_207 = arith.constant 0 : index
      %swap3A_208 = tpu.vector_load %arg13[%swap3A_207] {strides = array<i32>} : memref<128xi32, #tpu.memory_space<vmem>>, vector<16xi32>,
      %swap3A_209 = vector.shape_cast %swap3A_208 : vector<16xi32> to vector<16xi32>
      %swap3A_210 = vector.shape_cast %add3A_206 : vector<16xi32> to vector<16xi32>
      tpu.vector_store %arg13[%swap3A_207], %swap3A_210 {strides = array<i32>} : memref<128xi32, #tpu.memory_space<vmem>>, vector<16xi32>,
      %get3A_211 = arith.constant 16 : index
      %get3A_212 = tpu.vector_load %arg11[%get3A_211] {strides = array<i32>} : memref<128xi32, #tpu.memory_space<vmem>>, vector<16xi32>,
      %get3A_213 = vector.shape_cast %get3A_212 : vector<16xi32> to vector<16xi32>
      %add3A_214 = vector.broadcast %mul3A_0 : i32 to vector<16xi32>
      %add3A_215 = arith.addi %get3A_213, %add3A_214 : vector<16xi32>
      %swap3A_216 = arith.constant 16 : index
      %swap3A_217 = tpu.vector_load %arg13[%swap3A_216] {strides = array<i32>} : memref<128xi32, #tpu.memory_space<vmem>>, vector<16xi32>,
      %swap3A_218 = vector.shape_cast %swap3A_217 : vector<16xi32> to vector<16xi32>
      %swap3A_219 = vector.shape_cast %add3A_215 : vector<16xi32> to vector<16xi32>
      tpu.vector_store %arg13[%swap3A_216], %swap3A_219 {strides = array<i32>} : memref<128xi32, #tpu.memory_space<vmem>>, vector<16xi32>,
      %get3A_220 = arith.constant 32 : index
      %get3A_221 = tpu.vector_load %arg11[%get3A_220] {strides = array<i32>} : memref<128xi32, #tpu.memory_space<vmem>>, vector<16xi32>,
      %get3A_222 = vector.shape_cast %get3A_221 : vector<16xi32> to vector<16xi32>
      %add3A_223 = vector.broadcast %mul3A_0 : i32 to vector<16xi32>
      %add3A_224 = arith.addi %get3A_222, %add3A_223 : vector<16xi32>
      %swap3A_225 = arith.constant 32 : index
      %swap3A_226 = tpu.vector_load %arg13[%swap3A_225] {strides = array<i32>} : memref<128xi32, #tpu.memory_space<vmem>>, vector<16xi32>,
      %swap3A_227 = vector.shape_cast %swap3A_226 : vector<16xi32> to vector<16xi32>
      %swap3A_228 = vector.shape_cast %add3A_224 : vector<16xi32> to vector<16xi32>
      tpu.vector_store %arg13[%swap3A_225], %swap3A_228 {strides = array<i32>} : memref<128xi32, #tpu.memory_space<vmem>>, vector<16xi32>,
      %get3A_229 = arith.constant 48 : index
      %get3A_230 = tpu.vector_load %arg11[%get3A_229] {strides = array<i32>} : memref<128xi32, #tpu.memory_space<vmem>>, vector<16xi32>,
      %get3A_231 = vector.shape_cast %get3A_230 : vector<16xi32> to vector<16xi32>
      %add3A_232 = vector.broadcast %mul3A_0 : i32 to vector<16xi32>
      %add3A_233 = arith.addi %get3A_231, %add3A_232 : vector<16xi32>
      %swap3A_234 = arith.constant 48 : index
      %swap3A_235 = tpu.vector_load %arg13[%swap3A_234] {strides = array<i32>} : memref<128xi32, #tpu.memory_space<vmem>>, vector<16xi32>,
      %swap3A_236 = vector.shape_cast %swap3A_235 : vector<16xi32> to vector<16xi32>
      %swap3A_237 = vector.shape_cast %add3A_233 : vector<16xi32> to vector<16xi32>
      tpu.vector_store %arg13[%swap3A_234], %swap3A_237 {strides = array<i32>} : memref<128xi32, #tpu.memory_space<vmem>>, vector<16xi32>,
      %get3A_238 = arith.constant 64 : index
      %get3A_239 = tpu.vector_load %arg11[%get3A_238] {strides = array<i32>} : memref<128xi32, #tpu.memory_space<vmem>>, vector<16xi32>,
      %get3A_240 = vector.shape_cast %get3A_239 : vector<16xi32> to vector<16xi32>
      %add3A_241 = vector.broadcast %mul3A_0 : i32 to vector<16xi32>
      %add3A_242 = arith.addi %get3A_240, %add3A_241 : vector<16xi32>
      %swap3A_243 = arith.constant 64 : index
      %swap3A_244 = tpu.vector_load %arg13[%swap3A_243] {strides = array<i32>} : memref<128xi32, #tpu.memory_space<vmem>>, vector<16xi32>,
      %swap3A_245 = vector.shape_cast %swap3A_244 : vector<16xi32> to vector<16xi32>
      %swap3A_246 = vector.shape_cast %add3A_242 : vector<16xi32> to vector<16xi32>
      tpu.vector_store %arg13[%swap3A_243], %swap3A_246 {strides = array<i32>} : memref<128xi32, #tpu.memory_space<vmem>>, vector<16xi32>,
      %get3A_247 = arith.constant 80 : index
      %get3A_248 = tpu.vector_load %arg11[%get3A_247] {strides = array<i32>} : memref<128xi32, #tpu.memory_space<vmem>>, vector<16xi32>,
      %get3A_249 = vector.shape_cast %get3A_248 : vector<16xi32> to vector<16xi32>
      %add3A_250 = vector.broadcast %mul3A_0 : i32 to vector<16xi32>
      %add3A_251 = arith.addi %get3A_249, %add3A_250 : vector<16xi32>
      %swap3A_252 = arith.constant 80 : index
      %swap3A_253 = tpu.vector_load %arg13[%swap3A_252] {strides = array<i32>} : memref<128xi32, #tpu.memory_space<vmem>>, vector<16xi32>,
      %swap3A_254 = vector.shape_cast %swap3A_253 : vector<16xi32> to vector<16xi32>
      %swap3A_255 = vector.shape_cast %add3A_251 : vector<16xi32> to vector<16xi32>
      tpu.vector_store %arg13[%swap3A_252], %swap3A_255 {strides = array<i32>} : memref<128xi32, #tpu.memory_space<vmem>>, vector<16xi32>,
      %get3A_256 = arith.constant 96 : index
      %get3A_257 = tpu.vector_load %arg11[%get3A_256] {strides = array<i32>} : memref<128xi32, #tpu.memory_space<vmem>>, vector<16xi32>,
      %get3A_258 = vector.shape_cast %get3A_257 : vector<16xi32> to vector<16xi32>
      %add3A_259 = vector.broadcast %mul3A_0 : i32 to vector<16xi32>
      %add3A_260 = arith.addi %get3A_258, %add3A_259 : vector<16xi32>
      %swap3A_261 = arith.constant 96 : index
      %swap3A_262 = tpu.vector_load %arg13[%swap3A_261] {strides = array<i32>} : memref<128xi32, #tpu.memory_space<vmem>>, vector<16xi32>,
      %swap3A_263 = vector.shape_cast %swap3A_262 : vector<16xi32> to vector<16xi32>
      %swap3A_264 = vector.shape_cast %add3A_260 : vector<16xi32> to vector<16xi32>
      tpu.vector_store %arg13[%swap3A_261], %swap3A_264 {strides = array<i32>} : memref<128xi32, #tpu.memory_space<vmem>>, vector<16xi32>,
      %get3A_265 = arith.constant 112 : index
      %get3A_266 = tpu.vector_load %arg11[%get3A_265] {strides = array<i32>} : memref<128xi32, #tpu.memory_space<vmem>>, vector<16xi32>,
      %get3A_267 = vector.shape_cast %get3A_266 : vector<16xi32> to vector<16xi32>
      %add3A_268 = vector.broadcast %mul3A_0 : i32 to vector<16xi32>
      %add3A_269 = arith.addi %get3A_267, %add3A_268 : vector<16xi32>
      %swap3A_270 = arith.constant 112 : index
      %swap3A_271 = tpu.vector_load %arg13[%swap3A_270] {strides = array<i32>} : memref<128xi32, #tpu.memory_space<vmem>>, vector<16xi32>,
      %swap3A_272 = vector.shape_cast %swap3A_271 : vector<16xi32> to vector<16xi32>
      %swap3A_273 = vector.shape_cast %add3A_269 : vector<16xi32> to vector<16xi32>
      tpu.vector_store %arg13[%swap3A_270], %swap3A_273 {strides = array<i32>} : memref<128xi32, #tpu.memory_space<vmem>>, vector<16xi32>,
      %dma_wait3A_274 = arith.constant 0 : i32
      %dma_wait3A_275 = arith.constant 0 : i32
      %dma_wait3A_276 = tpu.memref_slice %arg2[%dma_wait3A_274, %dma_wait3A_275] : memref<100000x32xbf16, #tpu.memory_space<hbm>> -> memref<128x32xbf16, #tpu.memory_space<hbm>>
      %dma_wait3A_277 = arith.constant 0 : i32
      %dma_wait3A_278 = arith.constant 0 : i32
      %dma_wait3A_279 = tpu.memref_slice %arg2[%dma_wait3A_277, %dma_wait3A_278] : memref<100000x32xbf16, #tpu.memory_space<hbm>> -> memref<128x32xbf16, #tpu.memory_space<hbm>>
      tpu.wait_dma2 semaphore(%arg17 : memref<!tpu.dma_semaphore, #tpu.memory_space<semaphore_mem>>) src(%dma_wait3A_279 : memref<128x32xbf16, #tpu.memory_space<hbm>>) dst(%arg8 : memref<128x32xbf16, #tpu.memory_space<vmem>>)
      "tpu.region"() ({
        %run_scoped3A = tpu.sem_alloc : memref<!tpu.dma_semaphore, #tpu.memory_space<semaphore_mem>>
        %dma_start3A_290 = arith.constant 0 : i32
        %dma_start3A_291 = arith.constant 0 : i32
        %dma_start3A_292 = tpu.memref_slice %arg7[%dma_start3A_290, %dma_start3A_291] : memref<50000x32xbf16, #tpu.memory_space<vmem_shared>> -> memref<50000x32xbf16, #tpu.memory_space<vmem_shared>>
        tpu.enqueue_indirect_dma source(%arg8 : memref<128x32xbf16, #tpu.memory_space<vmem>>) target(%dma_start3A_292 : memref<50000x32xbf16, #tpu.memory_space<vmem_shared>>) offsets(%arg14 : memref<128xi32, #tpu.memory_space<vmem>>) semaphore(%run_scoped3A : memref<!tpu.dma_semaphore, #tpu.memory_space<semaphore_mem>>) {add = true}
        %dma_wait3A_293 = arith.constant 0 : i32
        %dma_wait3A_294 = arith.constant 0 : i32
        %dma_wait3A_295 = tpu.memref_slice %arg7[%dma_wait3A_293, %dma_wait3A_294] : memref<50000x32xbf16, #tpu.memory_space<vmem_shared>> -> memref<50000x32xbf16, #tpu.memory_space<vmem_shared>>
        tpu.wait_indirect_dma semaphore(%run_scoped3A : memref<!tpu.dma_semaphore, #tpu.memory_space<semaphore_mem>>) src(%arg8 : memref<128x32xbf16, #tpu.memory_space<vmem>>) dst(%dma_wait3A_295 : memref<50000x32xbf16, #tpu.memory_space<vmem_shared>>)
        tpu.yield
      }) : () -> ()
      %dma_start3A_280 = arith.constant 0 : i32
      %dma_start3A_281 = arith.constant 0 : i32
      %dma_start3A_282 = tpu.memref_slice %arg2[%dma_start3A_280, %dma_start3A_281] : memref<100000x32xbf16, #tpu.memory_space<hbm>> -> memref<100000x32xbf16, #tpu.memory_space<hbm>>
      tpu.enqueue_indirect_dma source(%dma_start3A_282 : memref<100000x32xbf16, #tpu.memory_space<hbm>>) target(%arg9 : memref<128x32xbf16, #tpu.memory_space<vmem>>) offsets(%arg13 : memref<128xi32, #tpu.memory_space<vmem>>) semaphore(%arg18 : memref<!tpu.dma_semaphore, #tpu.memory_space<semaphore_mem>>)
      %add3A_283 = arith.constant 1 : i32
      %add3A_284 = arith.addi %scan3A_95, %add3A_283 : i32
      %lt3A_285 = arith.constant 195 : i32
      %lt3A_286 = arith.cmpi slt, %add3A_284, %lt3A_285 : i32
      %convert_element_type3A_287 = arith.extui %lt3A_286 : i1 to i32
      %cond3A_288 = arith.constant 0 : i32
      %cond3A_289 = arith.cmpi ne, %convert_element_type3A_287, %cond3A_288 : i32
      scf.if %cond3A_289 {
        %add3A_290 = arith.constant 2 : i32
        %add3A_291 = arith.addi %mul3A_97, %add3A_290 : i32
        %mul3A_292 = arith.constant 128 : i32
        %mul3A_293 = arith.muli %add3A_291, %mul3A_292 : i32
        %add3A_294 = arith.addi %mul3A_8, %mul3A_293 : i32
        %dma_start3A_295 = tpu.memref_slice %arg3[%add3A_294] : memref<800000xi32, #tpu.memory_space<hbm>> -> memref<128xi32, #tpu.memory_space<hbm>>
        %dma_start3A_296 = tpu.memref_slice %arg3[%add3A_294] : memref<800000xi32, #tpu.memory_space<hbm>> -> memref<128xi32, #tpu.memory_space<hbm>>
        tpu.enqueue_dma source(%dma_start3A_296 : memref<128xi32, #tpu.memory_space<hbm>>) target(%arg10 : memref<128xi32, #tpu.memory_space<vmem>>) target_semaphore(%arg19 : memref<!tpu.dma_semaphore, #tpu.memory_space<semaphore_mem>>)
        %dma_start3A_297 = tpu.memref_slice %arg4[%add3A_294] : memref<800000xi32, #tpu.memory_space<hbm>> -> memref<128xi32, #tpu.memory_space<hbm>>
        %dma_start3A_298 = tpu.memref_slice %arg4[%add3A_294] : memref<800000xi32, #tpu.memory_space<hbm>> -> memref<128xi32, #tpu.memory_space<hbm>>
        tpu.enqueue_dma source(%dma_start3A_298 : memref<128xi32, #tpu.memory_space<hbm>>) target(%arg14 : memref<128xi32, #tpu.memory_space<vmem>>) target_semaphore(%arg19 : memref<!tpu.dma_semaphore, #tpu.memory_space<semaphore_mem>>)
      } else {
      }
    }
    %scan3A_17 = arith.constant 195 : i32
    %dma_wait3A = arith.constant 0 : i32
    %dma_wait3A_18 = arith.constant 0 : i32
    %dma_wait3A_19 = tpu.memref_slice %arg2[%dma_wait3A, %dma_wait3A_18] : memref<100000x32xbf16, #tpu.memory_space<hbm>> -> memref<128x32xbf16, #tpu.memory_space<hbm>>
    %dma_wait3A_20 = arith.constant 0 : i32
    %dma_wait3A_21 = arith.constant 0 : i32
    %dma_wait3A_22 = tpu.memref_slice %arg2[%dma_wait3A_20, %dma_wait3A_21] : memref<100000x32xbf16, #tpu.memory_space<hbm>> -> memref<128x32xbf16, #tpu.memory_space<hbm>>
    tpu.wait_dma2 semaphore(%arg18 : memref<!tpu.dma_semaphore, #tpu.memory_space<semaphore_mem>>) src(%dma_wait3A_22 : memref<128x32xbf16, #tpu.memory_space<hbm>>) dst(%arg9 : memref<128x32xbf16, #tpu.memory_space<vmem>>)
    "tpu.region"() ({
      %run_scoped3A = tpu.sem_alloc : memref<!tpu.dma_semaphore, #tpu.memory_space<semaphore_mem>>
      %dma_start3A_95 = arith.constant 0 : i32
      %dma_start3A_96 = arith.constant 0 : i32
      %dma_start3A_97 = tpu.memref_slice %arg7[%dma_start3A_95, %dma_start3A_96] : memref<50000x32xbf16, #tpu.memory_space<vmem_shared>> -> memref<50000x32xbf16, #tpu.memory_space<vmem_shared>>
      tpu.enqueue_indirect_dma source(%arg9 : memref<128x32xbf16, #tpu.memory_space<vmem>>) target(%dma_start3A_97 : memref<50000x32xbf16, #tpu.memory_space<vmem_shared>>) offsets(%arg15 : memref<128xi32, #tpu.memory_space<vmem>>) semaphore(%run_scoped3A : memref<!tpu.dma_semaphore, #tpu.memory_space<semaphore_mem>>) {add = true}
      %dma_wait3A_98 = arith.constant 0 : i32
      %dma_wait3A_99 = arith.constant 0 : i32
      %dma_wait3A_100 = tpu.memref_slice %arg7[%dma_wait3A_98, %dma_wait3A_99] : memref<50000x32xbf16, #tpu.memory_space<vmem_shared>> -> memref<50000x32xbf16, #tpu.memory_space<vmem_shared>>
      tpu.wait_indirect_dma semaphore(%run_scoped3A : memref<!tpu.dma_semaphore, #tpu.memory_space<semaphore_mem>>) src(%arg9 : memref<128x32xbf16, #tpu.memory_space<vmem>>) dst(%dma_wait3A_100 : memref<50000x32xbf16, #tpu.memory_space<vmem_shared>>)
      tpu.yield
    }) : () -> ()
    %add3A_23 = arith.constant 49920 : i32
    %add3A_24 = arith.addi %mul3A_8, %add3A_23 : i32
    "tpu.region"() ({
      %run_scoped3A = tpu.sem_alloc : memref<!tpu.dma_semaphore, #tpu.memory_space<semaphore_mem>>
      %dma_start3A_95 = arith.constant 0 : i32
      %dma_start3A_96 = tpu.memref_slice %arg10[%dma_start3A_95] : memref<128xi32, #tpu.memory_space<vmem>> -> memref<80xi32, #tpu.memory_space<vmem>>
      %dma_start3A_97 = tpu.memref_slice %arg3[%add3A_24] : memref<800000xi32, #tpu.memory_space<hbm>> -> memref<80xi32, #tpu.memory_space<hbm>>
      %dma_start3A_98 = arith.constant 0 : i32
      %dma_start3A_99 = tpu.memref_slice %arg10[%dma_start3A_98] : memref<128xi32, #tpu.memory_space<vmem>> -> memref<80xi32, #tpu.memory_space<vmem>>
      %dma_start3A_100 = tpu.memref_slice %arg3[%add3A_24] : memref<800000xi32, #tpu.memory_space<hbm>> -> memref<80xi32, #tpu.memory_space<hbm>>
      tpu.enqueue_dma source(%dma_start3A_100 : memref<80xi32, #tpu.memory_space<hbm>>) target(%dma_start3A_99 : memref<80xi32, #tpu.memory_space<vmem>>) target_semaphore(%run_scoped3A : memref<!tpu.dma_semaphore, #tpu.memory_space<semaphore_mem>>)
      %dma_wait3A_101 = arith.constant 0 : i32
      %dma_wait3A_102 = tpu.memref_slice %arg10[%dma_wait3A_101] : memref<128xi32, #tpu.memory_space<vmem>> -> memref<80xi32, #tpu.memory_space<vmem>>
      %dma_wait3A_103 = tpu.memref_slice %arg3[%add3A_24] : memref<800000xi32, #tpu.memory_space<hbm>> -> memref<80xi32, #tpu.memory_space<hbm>>
      %dma_wait3A_104 = arith.constant 0 : i32
      %dma_wait3A_105 = tpu.memref_slice %arg10[%dma_wait3A_104] : memref<128xi32, #tpu.memory_space<vmem>> -> memref<80xi32, #tpu.memory_space<vmem>>
      %dma_wait3A_106 = tpu.memref_slice %arg3[%add3A_24] : memref<800000xi32, #tpu.memory_space<hbm>> -> memref<80xi32, #tpu.memory_space<hbm>>
      tpu.wait_dma2 semaphore(%run_scoped3A : memref<!tpu.dma_semaphore, #tpu.memory_space<semaphore_mem>>) src(%dma_wait3A_106 : memref<80xi32, #tpu.memory_space<hbm>>) dst(%dma_wait3A_105 : memref<80xi32, #tpu.memory_space<vmem>>)
      tpu.yield
    }) : () -> ()
    "tpu.region"() ({
      %run_scoped3A = tpu.sem_alloc : memref<!tpu.dma_semaphore, #tpu.memory_space<semaphore_mem>>
      %dma_start3A_95 = tpu.memref_slice %arg4[%add3A_24] : memref<800000xi32, #tpu.memory_space<hbm>> -> memref<80xi32, #tpu.memory_space<hbm>>
      %dma_start3A_96 = tpu.memref_slice %arg4[%add3A_24] : memref<800000xi32, #tpu.memory_space<hbm>> -> memref<80xi32, #tpu.memory_space<hbm>>
      tpu.enqueue_dma source(%dma_start3A_96 : memref<80xi32, #tpu.memory_space<hbm>>) target(%arg16 : memref<80xi32, #tpu.memory_space<vmem>>) target_semaphore(%run_scoped3A : memref<!tpu.dma_semaphore, #tpu.memory_space<semaphore_mem>>)
      %dma_wait3A_97 = tpu.memref_slice %arg4[%add3A_24] : memref<800000xi32, #tpu.memory_space<hbm>> -> memref<80xi32, #tpu.memory_space<hbm>>
      %dma_wait3A_98 = tpu.memref_slice %arg4[%add3A_24] : memref<800000xi32, #tpu.memory_space<hbm>> -> memref<80xi32, #tpu.memory_space<hbm>>
      tpu.wait_dma2 semaphore(%run_scoped3A : memref<!tpu.dma_semaphore, #tpu.memory_space<semaphore_mem>>) src(%dma_wait3A_98 : memref<80xi32, #tpu.memory_space<hbm>>) dst(%arg16 : memref<80xi32, #tpu.memory_space<vmem>>)
      tpu.yield
    }) : () -> ()
    %get3A = arith.constant 0 : index
    %get3A_25 = tpu.vector_load %arg10[%get3A] {strides = array<i32>} : memref<128xi32, #tpu.memory_space<vmem>>, vector<16xi32>,
    %get3A_26 = vector.shape_cast %get3A_25 : vector<16xi32> to vector<16xi32>
    %add3A_27 = vector.broadcast %mul3A_0 : i32 to vector<16xi32>
    %add3A_28 = arith.addi %get3A_26, %add3A_27 : vector<16xi32>
    %swap3A = arith.constant 0 : index
    %swap3A_29 = tpu.vector_load %arg12[%swap3A] {strides = array<i32>} : memref<128xi32, #tpu.memory_space<vmem>>, vector<16xi32>,
    %swap3A_30 = vector.shape_cast %swap3A_29 : vector<16xi32> to vector<16xi32>
    %swap3A_31 = vector.shape_cast %add3A_28 : vector<16xi32> to vector<16xi32>
    tpu.vector_store %arg12[%swap3A], %swap3A_31 {strides = array<i32>} : memref<128xi32, #tpu.memory_space<vmem>>, vector<16xi32>,
    %get3A_32 = arith.constant 16 : index
    %get3A_33 = tpu.vector_load %arg10[%get3A_32] {strides = array<i32>} : memref<128xi32, #tpu.memory_space<vmem>>, vector<16xi32>,
    %get3A_34 = vector.shape_cast %get3A_33 : vector<16xi32> to vector<16xi32>
    %add3A_35 = vector.broadcast %mul3A_0 : i32 to vector<16xi32>
    %add3A_36 = arith.addi %get3A_34, %add3A_35 : vector<16xi32>
    %swap3A_37 = arith.constant 16 : index
    %swap3A_38 = tpu.vector_load %arg12[%swap3A_37] {strides = array<i32>} : memref<128xi32, #tpu.memory_space<vmem>>, vector<16xi32>,
    %swap3A_39 = vector.shape_cast %swap3A_38 : vector<16xi32> to vector<16xi32>
    %swap3A_40 = vector.shape_cast %add3A_36 : vector<16xi32> to vector<16xi32>
    tpu.vector_store %arg12[%swap3A_37], %swap3A_40 {strides = array<i32>} : memref<128xi32, #tpu.memory_space<vmem>>, vector<16xi32>,
    %get3A_41 = arith.constant 32 : index
    %get3A_42 = tpu.vector_load %arg10[%get3A_41] {strides = array<i32>} : memref<128xi32, #tpu.memory_space<vmem>>, vector<16xi32>,
    %get3A_43 = vector.shape_cast %get3A_42 : vector<16xi32> to vector<16xi32>
    %add3A_44 = vector.broadcast %mul3A_0 : i32 to vector<16xi32>
    %add3A_45 = arith.addi %get3A_43, %add3A_44 : vector<16xi32>
    %swap3A_46 = arith.constant 32 : index
    %swap3A_47 = tpu.vector_load %arg12[%swap3A_46] {strides = array<i32>} : memref<128xi32, #tpu.memory_space<vmem>>, vector<16xi32>,
    %swap3A_48 = vector.shape_cast %swap3A_47 : vector<16xi32> to vector<16xi32>
    %swap3A_49 = vector.shape_cast %add3A_45 : vector<16xi32> to vector<16xi32>
    tpu.vector_store %arg12[%swap3A_46], %swap3A_49 {strides = array<i32>} : memref<128xi32, #tpu.memory_space<vmem>>, vector<16xi32>,
    %get3A_50 = arith.constant 48 : index
    %get3A_51 = tpu.vector_load %arg10[%get3A_50] {strides = array<i32>} : memref<128xi32, #tpu.memory_space<vmem>>, vector<16xi32>,
    %get3A_52 = vector.shape_cast %get3A_51 : vector<16xi32> to vector<16xi32>
    %add3A_53 = vector.broadcast %mul3A_0 : i32 to vector<16xi32>
    %add3A_54 = arith.addi %get3A_52, %add3A_53 : vector<16xi32>
    %swap3A_55 = arith.constant 48 : index
    %swap3A_56 = tpu.vector_load %arg12[%swap3A_55] {strides = array<i32>} : memref<128xi32, #tpu.memory_space<vmem>>, vector<16xi32>,
    %swap3A_57 = vector.shape_cast %swap3A_56 : vector<16xi32> to vector<16xi32>
    %swap3A_58 = vector.shape_cast %add3A_54 : vector<16xi32> to vector<16xi32>
    tpu.vector_store %arg12[%swap3A_55], %swap3A_58 {strides = array<i32>} : memref<128xi32, #tpu.memory_space<vmem>>, vector<16xi32>,
    %get3A_59 = arith.constant 64 : index
    %get3A_60 = tpu.vector_load %arg10[%get3A_59] {strides = array<i32>} : memref<128xi32, #tpu.memory_space<vmem>>, vector<16xi32>,
    %get3A_61 = vector.shape_cast %get3A_60 : vector<16xi32> to vector<16xi32>
    %add3A_62 = vector.broadcast %mul3A_0 : i32 to vector<16xi32>
    %add3A_63 = arith.addi %get3A_61, %add3A_62 : vector<16xi32>
    %swap3A_64 = arith.constant 64 : index
    %swap3A_65 = tpu.vector_load %arg12[%swap3A_64] {strides = array<i32>} : memref<128xi32, #tpu.memory_space<vmem>>, vector<16xi32>,
    %swap3A_66 = vector.shape_cast %swap3A_65 : vector<16xi32> to vector<16xi32>
    %swap3A_67 = vector.shape_cast %add3A_63 : vector<16xi32> to vector<16xi32>
    tpu.vector_store %arg12[%swap3A_64], %swap3A_67 {strides = array<i32>} : memref<128xi32, #tpu.memory_space<vmem>>, vector<16xi32>,
    %dma_start3A_68 = arith.constant 0 : i32
    %dma_start3A_69 = arith.constant 0 : i32
    %dma_start3A_70 = tpu.memref_slice %arg8[%dma_start3A_68, %dma_start3A_69] : memref<128x32xbf16, #tpu.memory_space<vmem>> -> memref<80x32xbf16, #tpu.memory_space<vmem>>
    %dma_start3A_71 = arith.constant 0 : i32
    %dma_start3A_72 = tpu.memref_slice %arg12[%dma_start3A_71] : memref<128xi32, #tpu.memory_space<vmem>> -> memref<80xi32, #tpu.memory_space<vmem>>
    %dma_start3A_73 = arith.constant 0 : i32
    %dma_start3A_74 = arith.constant 0 : i32
    %dma_start3A_75 = tpu.memref_slice %arg2[%dma_start3A_73, %dma_start3A_74] : memref<100000x32xbf16, #tpu.memory_space<hbm>> -> memref<100000x32xbf16, #tpu.memory_space<hbm>>
    tpu.enqueue_indirect_dma source(%dma_start3A_75 : memref<100000x32xbf16, #tpu.memory_space<hbm>>) target(%dma_start3A_70 : memref<80x32xbf16, #tpu.memory_space<vmem>>) offsets(%dma_start3A_72 : memref<80xi32, #tpu.memory_space<vmem>>) semaphore(%arg17 : memref<!tpu.dma_semaphore, #tpu.memory_space<semaphore_mem>>)
    %dma_wait3A_76 = arith.constant 0 : i32
    %dma_wait3A_77 = arith.constant 0 : i32
    %dma_wait3A_78 = tpu.memref_slice %arg8[%dma_wait3A_76, %dma_wait3A_77] : memref<128x32xbf16, #tpu.memory_space<vmem>> -> memref<80x32xbf16, #tpu.memory_space<vmem>>
    %dma_wait3A_79 = arith.constant 0 : i32
    %dma_wait3A_80 = tpu.memref_slice %arg12[%dma_wait3A_79] : memref<128xi32, #tpu.memory_space<vmem>> -> memref<80xi32, #tpu.memory_space<vmem>>
    %dma_wait3A_81 = arith.constant 0 : i32
    %dma_wait3A_82 = arith.constant 0 : i32
    %dma_wait3A_83 = tpu.memref_slice %arg2[%dma_wait3A_81, %dma_wait3A_82] : memref<100000x32xbf16, #tpu.memory_space<hbm>> -> memref<100000x32xbf16, #tpu.memory_space<hbm>>
    tpu.wait_indirect_dma semaphore(%arg17 : memref<!tpu.dma_semaphore, #tpu.memory_space<semaphore_mem>>) src(%dma_wait3A_83 : memref<100000x32xbf16, #tpu.memory_space<hbm>>) dst(%dma_wait3A_78 : memref<80x32xbf16, #tpu.memory_space<vmem>>)
    "tpu.region"() ({
      %run_scoped3A = tpu.sem_alloc : memref<!tpu.dma_semaphore, #tpu.memory_space<semaphore_mem>>
      %dma_start3A_95 = arith.constant 0 : i32
      %dma_start3A_96 = arith.constant 0 : i32
      %dma_start3A_97 = tpu.memref_slice %arg8[%dma_start3A_95, %dma_start3A_96] : memref<128x32xbf16, #tpu.memory_space<vmem>> -> memref<80x32xbf16, #tpu.memory_space<vmem>>
      %dma_start3A_98 = arith.constant 0 : i32
      %dma_start3A_99 = arith.constant 0 : i32
      %dma_start3A_100 = tpu.memref_slice %arg7[%dma_start3A_98, %dma_start3A_99] : memref<50000x32xbf16, #tpu.memory_space<vmem_shared>> -> memref<50000x32xbf16, #tpu.memory_space<vmem_shared>>
      tpu.enqueue_indirect_dma source(%dma_start3A_97 : memref<80x32xbf16, #tpu.memory_space<vmem>>) target(%dma_start3A_100 : memref<50000x32xbf16, #tpu.memory_space<vmem_shared>>) offsets(%arg16 : memref<80xi32, #tpu.memory_space<vmem>>) semaphore(%run_scoped3A : memref<!tpu.dma_semaphore, #tpu.memory_space<semaphore_mem>>) {add = true}
      %dma_wait3A_101 = arith.constant 0 : i32
      %dma_wait3A_102 = arith.constant 0 : i32
      %dma_wait3A_103 = tpu.memref_slice %arg8[%dma_wait3A_101, %dma_wait3A_102] : memref<128x32xbf16, #tpu.memory_space<vmem>> -> memref<80x32xbf16, #tpu.memory_space<vmem>>
      %dma_wait3A_104 = arith.constant 0 : i32
      %dma_wait3A_105 = arith.constant 0 : i32
      %dma_wait3A_106 = tpu.memref_slice %arg7[%dma_wait3A_104, %dma_wait3A_105] : memref<50000x32xbf16, #tpu.memory_space<vmem_shared>> -> memref<50000x32xbf16, #tpu.memory_space<vmem_shared>>
      tpu.wait_indirect_dma semaphore(%run_scoped3A : memref<!tpu.dma_semaphore, #tpu.memory_space<semaphore_mem>>) src(%dma_wait3A_103 : memref<80x32xbf16, #tpu.memory_space<vmem>>) dst(%dma_wait3A_106 : memref<50000x32xbf16, #tpu.memory_space<vmem_shared>>)
      tpu.yield
    }) : () -> ()
    %barrier3A_84 = arith.constant 0 : index
    tpu.barrier barrier_id(%barrier3A_84)
    %lt3A_85 = arith.constant 15 : i32
    %lt3A_86 = arith.cmpi slt, %arg1, %lt3A_85 : i32
    %convert_element_type3A_87 = arith.extui %lt3A_86 : i1 to i32
    %cond3A_88 = arith.constant 0 : i32
    %cond3A_89 = arith.cmpi ne, %convert_element_type3A_87, %cond3A_88 : i32
    scf.if %cond3A_89 {
      %mul3A_95 = arith.constant 3128 : i32
      %mul3A_96 = arith.muli %arg1, %mul3A_95 : i32
      %mul3A_97 = arith.constant 3128 : i32
      %mul3A_98 = arith.muli %arg1, %mul3A_97 : i32
      "tpu.region"() ({
        %run_scoped3A = tpu.sem_alloc : memref<!tpu.dma_semaphore, #tpu.memory_space<semaphore_mem>>
        %dma_start3A_99 = arith.constant 0 : i32
        %dma_start3A_100 = tpu.memref_slice %arg6[%arg0, %mul3A_98, %dma_start3A_99] : memref<2x50000x32xbf16, #tpu.memory_space<hbm>> -> memref<1x3128x32xbf16, #tpu.memory_space<hbm>>
        %dma_start3A_101 = tpu.memref_squeeze %dma_start3A_100 : memref<1x3128x32xbf16, #tpu.memory_space<hbm>> -> memref<3128x32xbf16, #tpu.memory_space<hbm>>
        %dma_start3A_102 = arith.constant 0 : i32
        %dma_start3A_103 = tpu.memref_slice %arg7[%mul3A_96, %dma_start3A_102] : memref<50000x32xbf16, #tpu.memory_space<vmem_shared>> -> memref<3128x32xbf16, #tpu.memory_space<vmem_shared>>
        tpu.enqueue_dma source(%dma_start3A_103 : memref<3128x32xbf16, #tpu.memory_space<vmem_shared>>) target(%dma_start3A_101 : memref<3128x32xbf16, #tpu.memory_space<hbm>>) target_semaphore(%run_scoped3A : memref<!tpu.dma_semaphore, #tpu.memory_space<semaphore_mem>>)
        %dma_wait3A_104 = arith.constant 0 : i32
        %dma_wait3A_105 = tpu.memref_slice %arg6[%arg0, %mul3A_98, %dma_wait3A_104] : memref<2x50000x32xbf16, #tpu.memory_space<hbm>> -> memref<1x3128x32xbf16, #tpu.memory_space<hbm>>
        %dma_wait3A_106 = tpu.memref_squeeze %dma_wait3A_105 : memref<1x3128x32xbf16, #tpu.memory_space<hbm>> -> memref<3128x32xbf16, #tpu.memory_space<hbm>>
        %dma_wait3A_107 = arith.constant 0 : i32
        %dma_wait3A_108 = tpu.memref_slice %arg7[%mul3A_96, %dma_wait3A_107] : memref<50000x32xbf16, #tpu.memory_space<vmem_shared>> -> memref<3128x32xbf16, #tpu.memory_space<vmem_shared>>
        tpu.wait_dma2 semaphore(%run_scoped3A : memref<!tpu.dma_semaphore, #tpu.memory_space<semaphore_mem>>) src(%dma_wait3A_108 : memref<3128x32xbf16, #tpu.memory_space<vmem_shared>>) dst(%dma_wait3A_106 : memref<3128x32xbf16, #tpu.memory_space<hbm>>)
        tpu.yield
      }) : () -> ()
    } else {
    }
    %eq3A_90 = arith.constant 15 : i32
    %eq3A_91 = arith.cmpi eq, %arg1, %eq3A_90 : i32
    %convert_element_type3A_92 = arith.extui %eq3A_91 : i1 to i32
    %cond3A_93 = arith.constant 0 : i32
    %cond3A_94 = arith.cmpi ne, %convert_element_type3A_92, %cond3A_93 : i32
    scf.if %cond3A_94 {
      "tpu.region"() ({
        %run_scoped3A = tpu.sem_alloc : memref<!tpu.dma_semaphore, #tpu.memory_space<semaphore_mem>>
        %dma_start3A_95 = arith.constant 46920 : i32
        %dma_start3A_96 = arith.constant 0 : i32
        %dma_start3A_97 = tpu.memref_slice %arg6[%arg0, %dma_start3A_95, %dma_start3A_96] : memref<2x50000x32xbf16, #tpu.memory_space<hbm>> -> memref<1x3080x32xbf16, #tpu.memory_space<hbm>>
        %dma_start3A_98 = tpu.memref_squeeze %dma_start3A_97 : memref<1x3080x32xbf16, #tpu.memory_space<hbm>> -> memref<3080x32xbf16, #tpu.memory_space<hbm>>
        %dma_start3A_99 = arith.constant 46920 : i32
        %dma_start3A_100 = arith.constant 0 : i32
        %dma_start3A_101 = tpu.memref_slice %arg7[%dma_start3A_99, %dma_start3A_100] : memref<50000x32xbf16, #tpu.memory_space<vmem_shared>> -> memref<3080x32xbf16, #tpu.memory_space<vmem_shared>>
        tpu.enqueue_dma source(%dma_start3A_101 : memref<3080x32xbf16, #tpu.memory_space<vmem_shared>>) target(%dma_start3A_98 : memref<3080x32xbf16, #tpu.memory_space<hbm>>) target_semaphore(%run_scoped3A : memref<!tpu.dma_semaphore, #tpu.memory_space<semaphore_mem>>)
        %dma_wait3A_102 = arith.constant 46920 : i32
        %dma_wait3A_103 = arith.constant 0 : i32
        %dma_wait3A_104 = tpu.memref_slice %arg6[%arg0, %dma_wait3A_102, %dma_wait3A_103] : memref<2x50000x32xbf16, #tpu.memory_space<hbm>> -> memref<1x3080x32xbf16, #tpu.memory_space<hbm>>
        %dma_wait3A_105 = tpu.memref_squeeze %dma_wait3A_104 : memref<1x3080x32xbf16, #tpu.memory_space<hbm>> -> memref<3080x32xbf16, #tpu.memory_space<hbm>>
        %dma_wait3A_106 = arith.constant 46920 : i32
        %dma_wait3A_107 = arith.constant 0 : i32
        %dma_wait3A_108 = tpu.memref_slice %arg7[%dma_wait3A_106, %dma_wait3A_107] : memref<50000x32xbf16, #tpu.memory_space<vmem_shared>> -> memref<3080x32xbf16, #tpu.memory_space<vmem_shared>>
        tpu.wait_dma2 semaphore(%run_scoped3A : memref<!tpu.dma_semaphore, #tpu.memory_space<semaphore_mem>>) src(%dma_wait3A_108 : memref<3080x32xbf16, #tpu.memory_space<vmem_shared>>) dst(%dma_wait3A_105 : memref<3080x32xbf16, #tpu.memory_space<hbm>>)
        tpu.yield
      }) : () -> ()
    } else {
    }
    return
  }
}

module attributes {stable_mosaic.version = 14 : i64} {
  func.func @body(%arg0: i32, %arg1: memref<2000x128xf32, #tpu.memory_space<vmem>>, %arg2: memref<128x64xf32, #tpu.memory_space<vmem>>, %arg3: memref<1x64xf32, #tpu.memory_space<vmem>>, %arg4: memref<2x2000x32xbf16, #tpu.memory_space<vmem>>) attributes {dimension_semantics = [#tpu.dimension_semantics<arbitrary>], iteration_bounds = array<i64: 25>, scalar_prefetch = 0 : i64, scratch_operands = 0 : i64, tpu.core_type = #tpu.core_type<tc>, window_params = [{transform_indices = @transform_0, window_bounds = array<i64: 2000, 128>}, {pipeline_mode = #tpu.pipeline_mode<synchronous>, transform_indices = @transform_1, window_bounds = array<i64: 128, 64>}, {pipeline_mode = #tpu.pipeline_mode<synchronous>, transform_indices = @transform_2, window_bounds = array<i64: 1, 64>}, {transform_indices = @transform_3, window_bounds = array<i64: 2, 2000, 32>}]} {
    %get3A = arith.constant 0 : index
    %get3A_0 = arith.constant 0 : index
    %get3A_1 = vector.load %arg1[%get3A, %get3A_0] : memref<2000x128xf32, #tpu.memory_space<vmem>>, vector<2000x128xf32>
    %get3A_2 = arith.constant 0 : index
    %get3A_3 = arith.constant 0 : index
    %get3A_4 = vector.load %arg2[%get3A_2, %get3A_3] : memref<128x64xf32, #tpu.memory_space<vmem>>, vector<128x64xf32>
    %dot_general3A = arith.constant dense<0.000000e+00> : vector<2000x64xf32>
    %dot_general3A_5 = tpu.matmul %get3A_1, %get3A_4, %dot_general3A {dimension_numbers = #tpu.dot_dimension_numbers<[1], [0], [0], [1], [0, 0, 1, 1], [], []>, transpose_lhs_hint = false} : vector<2000x128xf32>, vector<128x64xf32>, vector<2000x64xf32> -> vector<2000x64xf32>
    %get3A_6 = arith.constant 0 : index
    %get3A_7 = arith.constant 0 : index
    %get3A_8 = vector.load %arg3[%get3A_6, %get3A_7] : memref<1x64xf32, #tpu.memory_space<vmem>>, vector<1x64xf32>
    %add3A = vector.broadcast %get3A_8 : vector<1x64xf32> to vector<2000x64xf32>
    %add3A_9 = arith.addf %dot_general3A_5, %add3A : vector<2000x64xf32>
    %convert_element_type3A = arith.truncf %add3A_9 : vector<2000x64xf32> to vector<2000x64xbf16>
    %slice3A = vector.extract_strided_slice %convert_element_type3A {offsets = [0, 0], sizes = [2000, 32], strides = [1, 1]} : vector<2000x64xbf16> to vector<2000x32xbf16>
    %swap3A = arith.constant 0 : index
    %swap3A_10 = arith.constant 0 : index
    %swap3A_11 = arith.constant 0 : index
    %swap3A_12 = vector.load %arg4[%swap3A, %swap3A_10, %swap3A_11] : memref<2x2000x32xbf16, #tpu.memory_space<vmem>>, vector<1x2000x32xbf16>
    %swap3A_13 = vector.shape_cast %swap3A_12 : vector<1x2000x32xbf16> to vector<2000x32xbf16>
    %swap3A_14 = vector.shape_cast %slice3A : vector<2000x32xbf16> to vector<1x2000x32xbf16>
    tpu.vector_store %arg4[%swap3A, %swap3A_10, %swap3A_11], %swap3A_14 {strides = array<i32>} : memref<2x2000x32xbf16, #tpu.memory_space<vmem>>, vector<1x2000x32xbf16>,
    %slice3A_15 = vector.extract_strided_slice %convert_element_type3A {offsets = [0, 32], sizes = [2000, 32], strides = [1, 1]} : vector<2000x64xbf16> to vector<2000x32xbf16>
    %swap3A_16 = arith.constant 1 : index
    %swap3A_17 = arith.constant 0 : index
    %swap3A_18 = arith.constant 0 : index
    %swap3A_19 = vector.load %arg4[%swap3A_16, %swap3A_17, %swap3A_18] : memref<2x2000x32xbf16, #tpu.memory_space<vmem>>, vector<1x2000x32xbf16>
    %swap3A_20 = vector.shape_cast %swap3A_19 : vector<1x2000x32xbf16> to vector<2000x32xbf16>
    %swap3A_21 = vector.shape_cast %slice3A_15 : vector<2000x32xbf16> to vector<1x2000x32xbf16>
    tpu.vector_store %arg4[%swap3A_16, %swap3A_17, %swap3A_18], %swap3A_21 {strides = array<i32>} : memref<2x2000x32xbf16, #tpu.memory_space<vmem>>, vector<1x2000x32xbf16>,
    return
  }
  func.func @transform_0(%arg0: i32) -> (i32, i32) {
    %c0_i32 = arith.constant 0 : i32
    %c0_i32_0 = arith.constant 0 : i32
    return %arg0, %c0_i32 : i32, i32
  }
  func.func @transform_1(%arg0: i32) -> (i32, i32) {
    %c0_i32 = arith.constant 0 : i32
    %c0_i32_0 = arith.constant 0 : i32
    %c0_i32_1 = arith.constant 0 : i32
    return %c0_i32, %c0_i32_0 : i32, i32
  }
  func.func @transform_2(%arg0: i32) -> (i32, i32) {
    %c0_i32 = arith.constant 0 : i32
    %c0_i32_0 = arith.constant 0 : i32
    %c0_i32_1 = arith.constant 0 : i32
    return %c0_i32, %c0_i32_0 : i32, i32
  }
  func.func @transform_3(%arg0: i32) -> (i32, i32, i32) {
    %c0_i32 = arith.constant 0 : i32
    %c0_i32_0 = arith.constant 0 : i32
    %c0_i32_1 = arith.constant 0 : i32
    return %c0_i32, %arg0, %c0_i32_0 : i32, i32, i32
  }
}

module attributes {stable_mosaic.version = 14 : i64} {
  func.func @body(%arg0: i32, %arg1: memref<2x2000x32xbf16, #tpu.memory_space<vmem>>, %arg2: memref<2x2000x32xbf16, #tpu.memory_space<vmem>>, %arg3: memref<2x2000x16xf32, #tpu.memory_space<vmem>>, %arg4: memref<64x64xf32, #tpu.memory_space<vmem>>, %arg5: memref<64x64xf32, #tpu.memory_space<vmem>>, %arg6: memref<16x64xf32, #tpu.memory_space<vmem>>, %arg7: memref<64x64xf32, #tpu.memory_space<vmem>>, %arg8: memref<1x64xf32, #tpu.memory_space<vmem>>, %arg9: memref<1x64xf32, #tpu.memory_space<vmem>>, %arg10: memref<64x64xf32, #tpu.memory_space<vmem>>, %arg11: memref<1x64xf32, #tpu.memory_space<vmem>>, %arg12: memref<2x2000x32xbf16, #tpu.memory_space<vmem>>) attributes {dimension_semantics = [#tpu.dimension_semantics<arbitrary>], iteration_bounds = array<i64: 25>, scalar_prefetch = 0 : i64, scratch_operands = 0 : i64, tpu.core_type = #tpu.core_type<tc>, window_params = [{transform_indices = @transform_0, window_bounds = array<i64: 2, 2000, 32>}, {transform_indices = @transform_1, window_bounds = array<i64: 2, 2000, 32>}, {transform_indices = @transform_2, window_bounds = array<i64: 2, 2000, 16>}, {pipeline_mode = #tpu.pipeline_mode<synchronous>, transform_indices = @transform_3, window_bounds = array<i64: 64, 64>}, {pipeline_mode = #tpu.pipeline_mode<synchronous>, transform_indices = @transform_4, window_bounds = array<i64: 64, 64>}, {pipeline_mode = #tpu.pipeline_mode<synchronous>, transform_indices = @transform_5, window_bounds = array<i64: 16, 64>}, {pipeline_mode = #tpu.pipeline_mode<synchronous>, transform_indices = @transform_6, window_bounds = array<i64: 64, 64>}, {pipeline_mode = #tpu.pipeline_mode<synchronous>, transform_indices = @transform_7, window_bounds = array<i64: 1, 64>}, {pipeline_mode = #tpu.pipeline_mode<synchronous>, transform_indices = @transform_8, window_bounds = array<i64: 1, 64>}, {pipeline_mode = #tpu.pipeline_mode<synchronous>, transform_indices = @transform_9, window_bounds = array<i64: 64, 64>}, {pipeline_mode = #tpu.pipeline_mode<synchronous>, transform_indices = @transform_10, window_bounds = array<i64: 1, 64>}, {transform_indices = @transform_11, window_bounds = array<i64: 2, 2000, 32>}]} {
    %get3A = arith.constant 0 : index
    %get3A_0 = arith.constant 0 : index
    %get3A_1 = arith.constant 0 : index
    %get3A_2 = vector.load %arg1[%get3A, %get3A_0, %get3A_1] : memref<2x2000x32xbf16, #tpu.memory_space<vmem>>, vector<1x2000x32xbf16>
    %get3A_3 = vector.shape_cast %get3A_2 : vector<1x2000x32xbf16> to vector<2000x32xbf16>
    %get3A_4 = arith.constant 1 : index
    %get3A_5 = arith.constant 0 : index
    %get3A_6 = arith.constant 0 : index
    %get3A_7 = vector.load %arg1[%get3A_4, %get3A_5, %get3A_6] : memref<2x2000x32xbf16, #tpu.memory_space<vmem>>, vector<1x2000x32xbf16>
    %get3A_8 = vector.shape_cast %get3A_7 : vector<1x2000x32xbf16> to vector<2000x32xbf16>
    %concatenate3A = tpu.concatenate %get3A_3, %get3A_8 in 1 : vector<2000x32xbf16>, vector<2000x32xbf16> -> vector<2000x64xbf16>
    %convert_element_type3A = arith.extf %concatenate3A : vector<2000x64xbf16> to vector<2000x64xf32>
    %get3A_9 = arith.constant 0 : index
    %get3A_10 = arith.constant 0 : index
    %get3A_11 = arith.constant 0 : index
    %get3A_12 = vector.load %arg2[%get3A_9, %get3A_10, %get3A_11] : memref<2x2000x32xbf16, #tpu.memory_space<vmem>>, vector<1x2000x32xbf16>
    %get3A_13 = vector.shape_cast %get3A_12 : vector<1x2000x32xbf16> to vector<2000x32xbf16>
    %get3A_14 = arith.constant 1 : index
    %get3A_15 = arith.constant 0 : index
    %get3A_16 = arith.constant 0 : index
    %get3A_17 = vector.load %arg2[%get3A_14, %get3A_15, %get3A_16] : memref<2x2000x32xbf16, #tpu.memory_space<vmem>>, vector<1x2000x32xbf16>
    %get3A_18 = vector.shape_cast %get3A_17 : vector<1x2000x32xbf16> to vector<2000x32xbf16>
    %concatenate3A_19 = tpu.concatenate %get3A_13, %get3A_18 in 1 : vector<2000x32xbf16>, vector<2000x32xbf16> -> vector<2000x64xbf16>
    %convert_element_type3A_20 = arith.extf %concatenate3A_19 : vector<2000x64xbf16> to vector<2000x64xf32>
    %get3A_21 = arith.constant 0 : index
    %get3A_22 = arith.constant 0 : index
    %get3A_23 = arith.constant 0 : index
    %get3A_24 = vector.load %arg3[%get3A_21, %get3A_22, %get3A_23] : memref<2x2000x16xf32, #tpu.memory_space<vmem>>, vector<1x2000x16xf32>
    %get3A_25 = vector.shape_cast %get3A_24 : vector<1x2000x16xf32> to vector<2000x16xf32>
    %get3A_26 = arith.constant 1 : index
    %get3A_27 = arith.constant 0 : index
    %get3A_28 = arith.constant 0 : index
    %get3A_29 = vector.load %arg3[%get3A_26, %get3A_27, %get3A_28] : memref<2x2000x16xf32, #tpu.memory_space<vmem>>, vector<1x2000x16xf32>
    %get3A_30 = vector.shape_cast %get3A_29 : vector<1x2000x16xf32> to vector<2000x16xf32>
    %slice3A = vector.extract_strided_slice %get3A_30 {offsets = [0, 0], sizes = [2000, 1], strides = [1, 1]} : vector<2000x16xf32> to vector<2000x1xf32>
    %add3A = arith.constant 1.000000e+00 : f32
    %add3A_31 = vector.broadcast %add3A : f32 to vector<2000x1xf32>
    %add3A_32 = arith.addf %slice3A, %add3A_31 : vector<2000x1xf32>
    %get3A_33 = arith.constant 0 : index
    %get3A_34 = arith.constant 0 : index
    %get3A_35 = vector.load %arg4[%get3A_33, %get3A_34] : memref<64x64xf32, #tpu.memory_space<vmem>>, vector<64x64xf32>
    %dot_general3A = arith.constant dense<0.000000e+00> : vector<2000x64xf32>
    %dot_general3A_36 = tpu.matmul %convert_element_type3A, %get3A_35, %dot_general3A {dimension_numbers = #tpu.dot_dimension_numbers<[1], [0], [0], [1], [0, 0, 1, 1], [], []>, transpose_lhs_hint = false} : vector<2000x64xf32>, vector<64x64xf32>, vector<2000x64xf32> -> vector<2000x64xf32>
    %get3A_37 = arith.constant 0 : index
    %get3A_38 = arith.constant 0 : index
    %get3A_39 = vector.load %arg5[%get3A_37, %get3A_38] : memref<64x64xf32, #tpu.memory_space<vmem>>, vector<64x64xf32>
    %dot_general3A_40 = arith.constant dense<0.000000e+00> : vector<2000x64xf32>
    %dot_general3A_41 = tpu.matmul %convert_element_type3A, %get3A_39, %dot_general3A_40 {dimension_numbers = #tpu.dot_dimension_numbers<[1], [0], [0], [1], [0, 0, 1, 1], [], []>, transpose_lhs_hint = false} : vector<2000x64xf32>, vector<64x64xf32>, vector<2000x64xf32> -> vector<2000x64xf32>
    %get3A_42 = arith.constant 0 : index
    %get3A_43 = arith.constant 0 : index
    %get3A_44 = vector.load %arg8[%get3A_42, %get3A_43] : memref<1x64xf32, #tpu.memory_space<vmem>>, vector<1x64xf32>
    %add3A_45 = vector.broadcast %get3A_44 : vector<1x64xf32> to vector<2000x64xf32>
    %add3A_46 = arith.addf %dot_general3A_41, %add3A_45 : vector<2000x64xf32>
    %mul3A = vector.broadcast %add3A_32 : vector<2000x1xf32> to vector<2000x64xf32>
    %mul3A_47 = arith.mulf %add3A_46, %mul3A : vector<2000x64xf32>
    %add3A_48 = arith.addf %dot_general3A_36, %mul3A_47 : vector<2000x64xf32>
    %get3A_49 = arith.constant 0 : index
    %get3A_50 = arith.constant 0 : index
    %get3A_51 = vector.load %arg6[%get3A_49, %get3A_50] : memref<16x64xf32, #tpu.memory_space<vmem>>, vector<16x64xf32>
    %dot_general3A_52 = arith.constant dense<0.000000e+00> : vector<2000x64xf32>
    %dot_general3A_53 = tpu.matmul %get3A_25, %get3A_51, %dot_general3A_52 {dimension_numbers = #tpu.dot_dimension_numbers<[1], [0], [0], [1], [0, 0, 1, 1], [], []>, transpose_lhs_hint = false} : vector<2000x16xf32>, vector<16x64xf32>, vector<2000x64xf32> -> vector<2000x64xf32>
    %add3A_54 = arith.addf %add3A_48, %dot_general3A_53 : vector<2000x64xf32>
    %get3A_55 = arith.constant 0 : index
    %get3A_56 = arith.constant 0 : index
    %get3A_57 = vector.load %arg7[%get3A_55, %get3A_56] : memref<64x64xf32, #tpu.memory_space<vmem>>, vector<64x64xf32>
    %dot_general3A_58 = arith.constant dense<0.000000e+00> : vector<2000x64xf32>
    %dot_general3A_59 = tpu.matmul %convert_element_type3A_20, %get3A_57, %dot_general3A_58 {dimension_numbers = #tpu.dot_dimension_numbers<[1], [0], [0], [1], [0, 0, 1, 1], [], []>, transpose_lhs_hint = false} : vector<2000x64xf32>, vector<64x64xf32>, vector<2000x64xf32> -> vector<2000x64xf32>
    %add3A_60 = arith.addf %add3A_54, %dot_general3A_59 : vector<2000x64xf32>
    %get3A_61 = arith.constant 0 : index
    %get3A_62 = arith.constant 0 : index
    %get3A_63 = vector.load %arg9[%get3A_61, %get3A_62] : memref<1x64xf32, #tpu.memory_space<vmem>>, vector<1x64xf32>
    %add3A_64 = vector.broadcast %get3A_63 : vector<1x64xf32> to vector<2000x64xf32>
    %add3A_65 = arith.addf %add3A_60, %add3A_64 : vector<2000x64xf32>
    %max3A = arith.constant 0.000000e+00 : f32
    %max3A_66 = vector.broadcast %max3A : f32 to vector<2000x64xf32>
    %max3A_67 = arith.maximumf %add3A_65, %max3A_66 : vector<2000x64xf32>
    %get3A_68 = arith.constant 0 : index
    %get3A_69 = arith.constant 0 : index
    %get3A_70 = vector.load %arg10[%get3A_68, %get3A_69] : memref<64x64xf32, #tpu.memory_space<vmem>>, vector<64x64xf32>
    %dot_general3A_71 = arith.constant dense<0.000000e+00> : vector<2000x64xf32>
    %dot_general3A_72 = tpu.matmul %max3A_67, %get3A_70, %dot_general3A_71 {dimension_numbers = #tpu.dot_dimension_numbers<[1], [0], [0], [1], [0, 0, 1, 1], [], []>, transpose_lhs_hint = false} : vector<2000x64xf32>, vector<64x64xf32>, vector<2000x64xf32> -> vector<2000x64xf32>
    %get3A_73 = arith.constant 0 : index
    %get3A_74 = arith.constant 0 : index
    %get3A_75 = vector.load %arg11[%get3A_73, %get3A_74] : memref<1x64xf32, #tpu.memory_space<vmem>>, vector<1x64xf32>
    %add3A_76 = vector.broadcast %get3A_75 : vector<1x64xf32> to vector<2000x64xf32>
    %add3A_77 = arith.addf %dot_general3A_72, %add3A_76 : vector<2000x64xf32>
    %convert_element_type3A_78 = arith.truncf %add3A_77 : vector<2000x64xf32> to vector<2000x64xbf16>
    %slice3A_79 = vector.extract_strided_slice %convert_element_type3A_78 {offsets = [0, 0], sizes = [2000, 32], strides = [1, 1]} : vector<2000x64xbf16> to vector<2000x32xbf16>
    %swap3A = arith.constant 0 : index
    %swap3A_80 = arith.constant 0 : index
    %swap3A_81 = arith.constant 0 : index
    %swap3A_82 = vector.load %arg12[%swap3A, %swap3A_80, %swap3A_81] : memref<2x2000x32xbf16, #tpu.memory_space<vmem>>, vector<1x2000x32xbf16>
    %swap3A_83 = vector.shape_cast %swap3A_82 : vector<1x2000x32xbf16> to vector<2000x32xbf16>
    %swap3A_84 = vector.shape_cast %slice3A_79 : vector<2000x32xbf16> to vector<1x2000x32xbf16>
    tpu.vector_store %arg12[%swap3A, %swap3A_80, %swap3A_81], %swap3A_84 {strides = array<i32>} : memref<2x2000x32xbf16, #tpu.memory_space<vmem>>, vector<1x2000x32xbf16>,
    %slice3A_85 = vector.extract_strided_slice %convert_element_type3A_78 {offsets = [0, 32], sizes = [2000, 32], strides = [1, 1]} : vector<2000x64xbf16> to vector<2000x32xbf16>
    %swap3A_86 = arith.constant 1 : index
    %swap3A_87 = arith.constant 0 : index
    %swap3A_88 = arith.constant 0 : index
    %swap3A_89 = vector.load %arg12[%swap3A_86, %swap3A_87, %swap3A_88] : memref<2x2000x32xbf16, #tpu.memory_space<vmem>>, vector<1x2000x32xbf16>
    %swap3A_90 = vector.shape_cast %swap3A_89 : vector<1x2000x32xbf16> to vector<2000x32xbf16>
    %swap3A_91 = vector.shape_cast %slice3A_85 : vector<2000x32xbf16> to vector<1x2000x32xbf16>
    tpu.vector_store %arg12[%swap3A_86, %swap3A_87, %swap3A_88], %swap3A_91 {strides = array<i32>} : memref<2x2000x32xbf16, #tpu.memory_space<vmem>>, vector<1x2000x32xbf16>,
    return
  }
  func.func @transform_0(%arg0: i32) -> (i32, i32, i32) {
    %c0_i32 = arith.constant 0 : i32
    %c0_i32_0 = arith.constant 0 : i32
    %c0_i32_1 = arith.constant 0 : i32
    return %c0_i32, %arg0, %c0_i32_0 : i32, i32, i32
  }
  func.func @transform_1(%arg0: i32) -> (i32, i32, i32) {
    %c0_i32 = arith.constant 0 : i32
    %c0_i32_0 = arith.constant 0 : i32
    %c0_i32_1 = arith.constant 0 : i32
    return %c0_i32, %arg0, %c0_i32_0 : i32, i32, i32
  }
  func.func @transform_2(%arg0: i32) -> (i32, i32, i32) {
    %c0_i32 = arith.constant 0 : i32
    %c0_i32_0 = arith.constant 0 : i32
    %c0_i32_1 = arith.constant 0 : i32
    return %c0_i32, %arg0, %c0_i32_0 : i32, i32, i32
  }
  func.func @transform_3(%arg0: i32) -> (i32, i32) {
    %c0_i32 = arith.constant 0 : i32
    %c0_i32_0 = arith.constant 0 : i32
    %c0_i32_1 = arith.constant 0 : i32
    return %c0_i32, %c0_i32_0 : i32, i32
  }
  func.func @transform_4(%arg0: i32) -> (i32, i32) {
    %c0_i32 = arith.constant 0 : i32
    %c0_i32_0 = arith.constant 0 : i32
    %c0_i32_1 = arith.constant 0 : i32
    return %c0_i32, %c0_i32_0 : i32, i32
  }
  func.func @transform_5(%arg0: i32) -> (i32, i32) {
    %c0_i32 = arith.constant 0 : i32
    %c0_i32_0 = arith.constant 0 : i32
    %c0_i32_1 = arith.constant 0 : i32
    return %c0_i32, %c0_i32_0 : i32, i32
  }
  func.func @transform_6(%arg0: i32) -> (i32, i32) {
    %c0_i32 = arith.constant 0 : i32
    %c0_i32_0 = arith.constant 0 : i32
    %c0_i32_1 = arith.constant 0 : i32
    return %c0_i32, %c0_i32_0 : i32, i32
  }
  func.func @transform_7(%arg0: i32) -> (i32, i32) {
    %c0_i32 = arith.constant 0 : i32
    %c0_i32_0 = arith.constant 0 : i32
    %c0_i32_1 = arith.constant 0 : i32
    return %c0_i32, %c0_i32_0 : i32, i32
  }
  func.func @transform_8(%arg0: i32) -> (i32, i32) {
    %c0_i32 = arith.constant 0 : i32
    %c0_i32_0 = arith.constant 0 : i32
    %c0_i32_1 = arith.constant 0 : i32
    return %c0_i32, %c0_i32_0 : i32, i32
  }
  func.func @transform_9(%arg0: i32) -> (i32, i32) {
    %c0_i32 = arith.constant 0 : i32
    %c0_i32_0 = arith.constant 0 : i32
    %c0_i32_1 = arith.constant 0 : i32
    return %c0_i32, %c0_i32_0 : i32, i32
  }
  func.func @transform_10(%arg0: i32) -> (i32, i32) {
    %c0_i32 = arith.constant 0 : i32
    %c0_i32_0 = arith.constant 0 : i32
    %c0_i32_1 = arith.constant 0 : i32
    return %c0_i32, %c0_i32_0 : i32, i32
  }
  func.func @transform_11(%arg0: i32) -> (i32, i32, i32) {
    %c0_i32 = arith.constant 0 : i32
    %c0_i32_0 = arith.constant 0 : i32
    %c0_i32_1 = arith.constant 0 : i32
    return %c0_i32, %arg0, %c0_i32_0 : i32, i32, i32
  }
}

module attributes {stable_mosaic.version = 14 : i64} {
  func.func @body(%arg0: i32, %arg1: memref<2x2000x32xbf16, #tpu.memory_space<vmem>>, %arg2: memref<2x2000x32xbf16, #tpu.memory_space<vmem>>, %arg3: memref<2x2000x16xf32, #tpu.memory_space<vmem>>, %arg4: memref<1x1x2000xi32, #tpu.memory_space<vmem>>, %arg5: memref<64x64xf32, #tpu.memory_space<vmem>>, %arg6: memref<64x64xf32, #tpu.memory_space<vmem>>, %arg7: memref<16x64xf32, #tpu.memory_space<vmem>>, %arg8: memref<64x64xf32, #tpu.memory_space<vmem>>, %arg9: memref<1x64xf32, #tpu.memory_space<vmem>>, %arg10: memref<1x64xf32, #tpu.memory_space<vmem>>, %arg11: memref<64x64xf32, #tpu.memory_space<vmem>>, %arg12: memref<8x64xf32, #tpu.memory_space<vmem>>) attributes {dimension_semantics = [#tpu.dimension_semantics<arbitrary>], iteration_bounds = array<i64: 25>, scalar_prefetch = 0 : i64, scratch_operands = 1 : i64, tpu.core_type = #tpu.core_type<tc>, window_params = [{transform_indices = @transform_0, window_bounds = array<i64: 2, 2000, 32>}, {transform_indices = @transform_1, window_bounds = array<i64: 2, 2000, 32>}, {transform_indices = @transform_2, window_bounds = array<i64: 2, 2000, 16>}, {transform_indices = @transform_3, window_bounds = array<i64: 1, 1, 2000>}, {pipeline_mode = #tpu.pipeline_mode<synchronous>, transform_indices = @transform_4, window_bounds = array<i64: 64, 64>}, {pipeline_mode = #tpu.pipeline_mode<synchronous>, transform_indices = @transform_5, window_bounds = array<i64: 64, 64>}, {pipeline_mode = #tpu.pipeline_mode<synchronous>, transform_indices = @transform_6, window_bounds = array<i64: 16, 64>}, {pipeline_mode = #tpu.pipeline_mode<synchronous>, transform_indices = @transform_7, window_bounds = array<i64: 64, 64>}, {pipeline_mode = #tpu.pipeline_mode<synchronous>, transform_indices = @transform_8, window_bounds = array<i64: 1, 64>}, {pipeline_mode = #tpu.pipeline_mode<synchronous>, transform_indices = @transform_9, window_bounds = array<i64: 1, 64>}, {pipeline_mode = #tpu.pipeline_mode<synchronous>, transform_indices = @transform_10, window_bounds = array<i64: 64, 64>}]} {
    %get3A = arith.constant 0 : index
    %get3A_0 = arith.constant 0 : index
    %get3A_1 = arith.constant 0 : index
    %get3A_2 = vector.load %arg1[%get3A, %get3A_0, %get3A_1] : memref<2x2000x32xbf16, #tpu.memory_space<vmem>>, vector<1x2000x32xbf16>
    %get3A_3 = vector.shape_cast %get3A_2 : vector<1x2000x32xbf16> to vector<2000x32xbf16>
    %get3A_4 = arith.constant 1 : index
    %get3A_5 = arith.constant 0 : index
    %get3A_6 = arith.constant 0 : index
    %get3A_7 = vector.load %arg1[%get3A_4, %get3A_5, %get3A_6] : memref<2x2000x32xbf16, #tpu.memory_space<vmem>>, vector<1x2000x32xbf16>
    %get3A_8 = vector.shape_cast %get3A_7 : vector<1x2000x32xbf16> to vector<2000x32xbf16>
    %concatenate3A = tpu.concatenate %get3A_3, %get3A_8 in 1 : vector<2000x32xbf16>, vector<2000x32xbf16> -> vector<2000x64xbf16>
    %convert_element_type3A = arith.extf %concatenate3A : vector<2000x64xbf16> to vector<2000x64xf32>
    %get3A_9 = arith.constant 0 : index
    %get3A_10 = arith.constant 0 : index
    %get3A_11 = arith.constant 0 : index
    %get3A_12 = vector.load %arg2[%get3A_9, %get3A_10, %get3A_11] : memref<2x2000x32xbf16, #tpu.memory_space<vmem>>, vector<1x2000x32xbf16>
    %get3A_13 = vector.shape_cast %get3A_12 : vector<1x2000x32xbf16> to vector<2000x32xbf16>
    %get3A_14 = arith.constant 1 : index
    %get3A_15 = arith.constant 0 : index
    %get3A_16 = arith.constant 0 : index
    %get3A_17 = vector.load %arg2[%get3A_14, %get3A_15, %get3A_16] : memref<2x2000x32xbf16, #tpu.memory_space<vmem>>, vector<1x2000x32xbf16>
    %get3A_18 = vector.shape_cast %get3A_17 : vector<1x2000x32xbf16> to vector<2000x32xbf16>
    %concatenate3A_19 = tpu.concatenate %get3A_13, %get3A_18 in 1 : vector<2000x32xbf16>, vector<2000x32xbf16> -> vector<2000x64xbf16>
    %convert_element_type3A_20 = arith.extf %concatenate3A_19 : vector<2000x64xbf16> to vector<2000x64xf32>
    %get3A_21 = arith.constant 0 : index
    %get3A_22 = arith.constant 0 : index
    %get3A_23 = arith.constant 0 : index
    %get3A_24 = vector.load %arg3[%get3A_21, %get3A_22, %get3A_23] : memref<2x2000x16xf32, #tpu.memory_space<vmem>>, vector<1x2000x16xf32>
    %get3A_25 = vector.shape_cast %get3A_24 : vector<1x2000x16xf32> to vector<2000x16xf32>
    %get3A_26 = arith.constant 1 : index
    %get3A_27 = arith.constant 0 : index
    %get3A_28 = arith.constant 0 : index
    %get3A_29 = vector.load %arg3[%get3A_26, %get3A_27, %get3A_28] : memref<2x2000x16xf32, #tpu.memory_space<vmem>>, vector<1x2000x16xf32>
    %get3A_30 = vector.shape_cast %get3A_29 : vector<1x2000x16xf32> to vector<2000x16xf32>
    %slice3A = vector.extract_strided_slice %get3A_30 {offsets = [0, 0], sizes = [2000, 1], strides = [1, 1]} : vector<2000x16xf32> to vector<2000x1xf32>
    %add3A = arith.constant 1.000000e+00 : f32
    %add3A_31 = vector.broadcast %add3A : f32 to vector<2000x1xf32>
    %add3A_32 = arith.addf %slice3A, %add3A_31 : vector<2000x1xf32>
    %get3A_33 = arith.constant 0 : index
    %get3A_34 = arith.constant 0 : index
    %get3A_35 = vector.load %arg5[%get3A_33, %get3A_34] : memref<64x64xf32, #tpu.memory_space<vmem>>, vector<64x64xf32>
    %dot_general3A = arith.constant dense<0.000000e+00> : vector<2000x64xf32>
    %dot_general3A_36 = tpu.matmul %convert_element_type3A, %get3A_35, %dot_general3A {dimension_numbers = #tpu.dot_dimension_numbers<[1], [0], [0], [1], [0, 0, 1, 1], [], []>, transpose_lhs_hint = false} : vector<2000x64xf32>, vector<64x64xf32>, vector<2000x64xf32> -> vector<2000x64xf32>
    %get3A_37 = arith.constant 0 : index
    %get3A_38 = arith.constant 0 : index
    %get3A_39 = vector.load %arg6[%get3A_37, %get3A_38] : memref<64x64xf32, #tpu.memory_space<vmem>>, vector<64x64xf32>
    %dot_general3A_40 = arith.constant dense<0.000000e+00> : vector<2000x64xf32>
    %dot_general3A_41 = tpu.matmul %convert_element_type3A, %get3A_39, %dot_general3A_40 {dimension_numbers = #tpu.dot_dimension_numbers<[1], [0], [0], [1], [0, 0, 1, 1], [], []>, transpose_lhs_hint = false} : vector<2000x64xf32>, vector<64x64xf32>, vector<2000x64xf32> -> vector<2000x64xf32>
    %get3A_42 = arith.constant 0 : index
    %get3A_43 = arith.constant 0 : index
    %get3A_44 = vector.load %arg9[%get3A_42, %get3A_43] : memref<1x64xf32, #tpu.memory_space<vmem>>, vector<1x64xf32>
    %add3A_45 = vector.broadcast %get3A_44 : vector<1x64xf32> to vector<2000x64xf32>
    %add3A_46 = arith.addf %dot_general3A_41, %add3A_45 : vector<2000x64xf32>
    %mul3A = vector.broadcast %add3A_32 : vector<2000x1xf32> to vector<2000x64xf32>
    %mul3A_47 = arith.mulf %add3A_46, %mul3A : vector<2000x64xf32>
    %add3A_48 = arith.addf %dot_general3A_36, %mul3A_47 : vector<2000x64xf32>
    %get3A_49 = arith.constant 0 : index
    %get3A_50 = arith.constant 0 : index
    %get3A_51 = vector.load %arg7[%get3A_49, %get3A_50] : memref<16x64xf32, #tpu.memory_space<vmem>>, vector<16x64xf32>
    %dot_general3A_52 = arith.constant dense<0.000000e+00> : vector<2000x64xf32>
    %dot_general3A_53 = tpu.matmul %get3A_25, %get3A_51, %dot_general3A_52 {dimension_numbers = #tpu.dot_dimension_numbers<[1], [0], [0], [1], [0, 0, 1, 1], [], []>, transpose_lhs_hint = false} : vector<2000x16xf32>, vector<16x64xf32>, vector<2000x64xf32> -> vector<2000x64xf32>
    %add3A_54 = arith.addf %add3A_48, %dot_general3A_53 : vector<2000x64xf32>
    %get3A_55 = arith.constant 0 : index
    %get3A_56 = arith.constant 0 : index
    %get3A_57 = vector.load %arg8[%get3A_55, %get3A_56] : memref<64x64xf32, #tpu.memory_space<vmem>>, vector<64x64xf32>
    %dot_general3A_58 = arith.constant dense<0.000000e+00> : vector<2000x64xf32>
    %dot_general3A_59 = tpu.matmul %convert_element_type3A_20, %get3A_57, %dot_general3A_58 {dimension_numbers = #tpu.dot_dimension_numbers<[1], [0], [0], [1], [0, 0, 1, 1], [], []>, transpose_lhs_hint = false} : vector<2000x64xf32>, vector<64x64xf32>, vector<2000x64xf32> -> vector<2000x64xf32>
    %add3A_60 = arith.addf %add3A_54, %dot_general3A_59 : vector<2000x64xf32>
    %get3A_61 = arith.constant 0 : index
    %get3A_62 = arith.constant 0 : index
    %get3A_63 = vector.load %arg10[%get3A_61, %get3A_62] : memref<1x64xf32, #tpu.memory_space<vmem>>, vector<1x64xf32>
    %add3A_64 = vector.broadcast %get3A_63 : vector<1x64xf32> to vector<2000x64xf32>
    %add3A_65 = arith.addf %add3A_60, %add3A_64 : vector<2000x64xf32>
    %max3A = arith.constant 0.000000e+00 : f32
    %max3A_66 = vector.broadcast %max3A : f32 to vector<2000x64xf32>
    %max3A_67 = arith.maximumf %add3A_65, %max3A_66 : vector<2000x64xf32>
    %get3A_68 = arith.constant 0 : index
    %get3A_69 = arith.constant 0 : index
    %get3A_70 = arith.constant 0 : index
    %get3A_71 = vector.load %arg4[%get3A_68, %get3A_69, %get3A_70] : memref<1x1x2000xi32, #tpu.memory_space<vmem>>, vector<1x1x2000xi32>
    %get3A_72 = vector.shape_cast %get3A_71 : vector<1x1x2000xi32> to vector<2000xi32>
    %iota3A = tpu.iota {dimensions = array<i32: 1>} : vector<2000x64xi32>
    %broadcast_in_dim3A = vector.shape_cast %get3A_72 : vector<2000xi32> to vector<2000x1xi32>
    %eq3A = vector.broadcast %broadcast_in_dim3A : vector<2000x1xi32> to vector<2000x64xi32>
    %eq3A_73 = arith.cmpi eq, %eq3A, %iota3A : vector<2000x64xi32>
    %convert_element_type3A_74 = arith.extui %eq3A_73 : vector<2000x64xi1> to vector<2000x64xi32>
    %convert_element_type3A_75 = arith.sitofp %convert_element_type3A_74 : vector<2000x64xi32> to vector<2000x64xf32>
    %eq3A_76 = arith.constant 0 : i32
    %eq3A_77 = arith.cmpi eq, %arg0, %eq3A_76 : i32
    %convert_element_type3A_78 = arith.extui %eq3A_77 : i1 to i32
    %cond3A = arith.constant 0 : i32
    %cond3A_79 = arith.cmpi ne, %convert_element_type3A_78, %cond3A : i32
    scf.if %cond3A_79 {
      %broadcast_in_dim3A_104 = arith.constant 0.000000e+00 : f32
      %broadcast_in_dim3A_105 = vector.broadcast %broadcast_in_dim3A_104 : f32 to vector<64x64xf32>
      %swap3A_106 = arith.constant 0 : index
      %swap3A_107 = arith.constant 0 : index
      %swap3A_108 = vector.load %arg11[%swap3A_106, %swap3A_107] : memref<64x64xf32, #tpu.memory_space<vmem>>, vector<64x64xf32>
      tpu.vector_store %arg11[%swap3A_106, %swap3A_107], %broadcast_in_dim3A_105 {strides = array<i32>} : memref<64x64xf32, #tpu.memory_space<vmem>>, vector<64x64xf32>,
      %broadcast_in_dim3A_109 = arith.constant 0.000000e+00 : f32
      %broadcast_in_dim3A_110 = vector.broadcast %broadcast_in_dim3A_109 : f32 to vector<8x64xf32>
      %swap3A_111 = arith.constant 0 : index
      %swap3A_112 = arith.constant 0 : index
      %swap3A_113 = vector.load %arg12[%swap3A_111, %swap3A_112] : memref<8x64xf32, #tpu.memory_space<vmem>>, vector<8x64xf32>
      tpu.vector_store %arg12[%swap3A_111, %swap3A_112], %broadcast_in_dim3A_110 {strides = array<i32>} : memref<8x64xf32, #tpu.memory_space<vmem>>, vector<8x64xf32>,
    } else {
    }
    %get3A_80 = arith.constant 0 : index
    %get3A_81 = arith.constant 0 : index
    %get3A_82 = vector.load %arg11[%get3A_80, %get3A_81] : memref<64x64xf32, #tpu.memory_space<vmem>>, vector<64x64xf32>
    %dot_general3A_83 = arith.constant dense<0.000000e+00> : vector<64x64xf32>
    %dot_general3A_84 = tpu.matmul %convert_element_type3A_75, %max3A_67, %dot_general3A_83 {dimension_numbers = #tpu.dot_dimension_numbers<[0], [0], [1], [1], [0, 1, 1, 1], [], []>, transpose_lhs_hint = false} : vector<2000x64xf32>, vector<2000x64xf32>, vector<64x64xf32> -> vector<64x64xf32>
    %add3A_85 = arith.addf %get3A_82, %dot_general3A_84 : vector<64x64xf32>
    %swap3A = arith.constant 0 : index
    %swap3A_86 = arith.constant 0 : index
    %swap3A_87 = vector.load %arg11[%swap3A, %swap3A_86] : memref<64x64xf32, #tpu.memory_space<vmem>>, vector<64x64xf32>
    tpu.vector_store %arg11[%swap3A, %swap3A_86], %add3A_85 {strides = array<i32>} : memref<64x64xf32, #tpu.memory_space<vmem>>, vector<64x64xf32>,
    %get3A_88 = arith.constant 0 : index
    %get3A_89 = arith.constant 0 : index
    %get3A_90 = vector.load %arg12[%get3A_88, %get3A_89] : memref<8x64xf32, #tpu.memory_space<vmem>>, vector<1x64xf32>
    %get3A_91 = vector.shape_cast %get3A_90 : vector<1x64xf32> to vector<64xf32>
    %reduce_sum3A = arith.constant dense<0.000000e+00> : vector<64xf32>
    %reduce_sum3A_92 = vector.multi_reduction <add>, %convert_element_type3A_75, %reduce_sum3A [0] : vector<2000x64xf32> to vector<64xf32>
    %add3A_93 = arith.addf %get3A_91, %reduce_sum3A_92 : vector<64xf32>
    %swap3A_94 = arith.constant 0 : index
    %swap3A_95 = arith.constant 0 : index
    %swap3A_96 = vector.load %arg12[%swap3A_94, %swap3A_95] : memref<8x64xf32, #tpu.memory_space<vmem>>, vector<1x64xf32>
    %swap3A_97 = vector.shape_cast %swap3A_96 : vector<1x64xf32> to vector<64xf32>
    %swap3A_98 = vector.shape_cast %add3A_93 : vector<64xf32> to vector<1x64xf32>
    tpu.vector_store %arg12[%swap3A_94, %swap3A_95], %swap3A_98 {strides = array<i32>} : memref<8x64xf32, #tpu.memory_space<vmem>>, vector<1x64xf32>,
    %eq3A_99 = arith.constant 24 : i32
    %eq3A_100 = arith.cmpi eq, %arg0, %eq3A_99 : i32
    %convert_element_type3A_101 = arith.extui %eq3A_100 : i1 to i32
    %cond3A_102 = arith.constant 0 : i32
    %cond3A_103 = arith.cmpi ne, %convert_element_type3A_101, %cond3A_102 : i32
    scf.if %cond3A_103 {
      %get3A_104 = arith.constant 0 : index
      %get3A_105 = arith.constant 0 : index
      %get3A_106 = vector.load %arg11[%get3A_104, %get3A_105] : memref<64x64xf32, #tpu.memory_space<vmem>>, vector<64x64xf32>
      %get3A_107 = arith.constant 0 : index
      %get3A_108 = arith.constant 0 : index
      %get3A_109 = vector.load %arg12[%get3A_107, %get3A_108] : memref<8x64xf32, #tpu.memory_space<vmem>>, vector<1x64xf32>
      %get3A_110 = vector.shape_cast %get3A_109 : vector<1x64xf32> to vector<64xf32>
      %max3A_111 = arith.constant 1.000000e+00 : f32
      %max3A_112 = vector.broadcast %max3A_111 : f32 to vector<64xf32>
      %max3A_113 = arith.maximumf %get3A_110, %max3A_112 : vector<64xf32>
      %broadcast_in_dim3A_114 = vector.shape_cast %max3A_113 : vector<64xf32> to vector<64x1xf32>
      %div3A = vector.broadcast %broadcast_in_dim3A_114 : vector<64x1xf32> to vector<64x64xf32>
      %div3A_115 = arith.divf %get3A_106, %div3A : vector<64x64xf32>
      %swap3A_116 = arith.constant 0 : index
      %swap3A_117 = arith.constant 0 : index
      %swap3A_118 = vector.load %arg11[%swap3A_116, %swap3A_117] : memref<64x64xf32, #tpu.memory_space<vmem>>, vector<64x64xf32>
      tpu.vector_store %arg11[%swap3A_116, %swap3A_117], %div3A_115 {strides = array<i32>} : memref<64x64xf32, #tpu.memory_space<vmem>>, vector<64x64xf32>,
    } else {
    }
    return
  }
  func.func @transform_0(%arg0: i32) -> (i32, i32, i32) {
    %c0_i32 = arith.constant 0 : i32
    %c0_i32_0 = arith.constant 0 : i32
    %c0_i32_1 = arith.constant 0 : i32
    return %c0_i32, %arg0, %c0_i32_0 : i32, i32, i32
  }
  func.func @transform_1(%arg0: i32) -> (i32, i32, i32) {
    %c0_i32 = arith.constant 0 : i32
    %c0_i32_0 = arith.constant 0 : i32
    %c0_i32_1 = arith.constant 0 : i32
    return %c0_i32, %arg0, %c0_i32_0 : i32, i32, i32
  }
  func.func @transform_2(%arg0: i32) -> (i32, i32, i32) {
    %c0_i32 = arith.constant 0 : i32
    %c0_i32_0 = arith.constant 0 : i32
    %c0_i32_1 = arith.constant 0 : i32
    return %c0_i32, %arg0, %c0_i32_0 : i32, i32, i32
  }
  func.func @transform_3(%arg0: i32) -> (i32, i32, i32) {
    %c0_i32 = arith.constant 0 : i32
    %c0_i32_0 = arith.constant 0 : i32
    %c0_i32_1 = arith.constant 0 : i32
    return %arg0, %c0_i32, %c0_i32_0 : i32, i32, i32
  }
  func.func @transform_4(%arg0: i32) -> (i32, i32) {
    %c0_i32 = arith.constant 0 : i32
    %c0_i32_0 = arith.constant 0 : i32
    %c0_i32_1 = arith.constant 0 : i32
    return %c0_i32, %c0_i32_0 : i32, i32
  }
  func.func @transform_5(%arg0: i32) -> (i32, i32) {
    %c0_i32 = arith.constant 0 : i32
    %c0_i32_0 = arith.constant 0 : i32
    %c0_i32_1 = arith.constant 0 : i32
    return %c0_i32, %c0_i32_0 : i32, i32
  }
  func.func @transform_6(%arg0: i32) -> (i32, i32) {
    %c0_i32 = arith.constant 0 : i32
    %c0_i32_0 = arith.constant 0 : i32
    %c0_i32_1 = arith.constant 0 : i32
    return %c0_i32, %c0_i32_0 : i32, i32
  }
  func.func @transform_7(%arg0: i32) -> (i32, i32) {
    %c0_i32 = arith.constant 0 : i32
    %c0_i32_0 = arith.constant 0 : i32
    %c0_i32_1 = arith.constant 0 : i32
    return %c0_i32, %c0_i32_0 : i32, i32
  }
  func.func @transform_8(%arg0: i32) -> (i32, i32) {
    %c0_i32 = arith.constant 0 : i32
    %c0_i32_0 = arith.constant 0 : i32
    %c0_i32_1 = arith.constant 0 : i32
    return %c0_i32, %c0_i32_0 : i32, i32
  }
  func.func @transform_9(%arg0: i32) -> (i32, i32) {
    %c0_i32 = arith.constant 0 : i32
    %c0_i32_0 = arith.constant 0 : i32
    %c0_i32_1 = arith.constant 0 : i32
    return %c0_i32, %c0_i32_0 : i32, i32
  }
  func.func @transform_10(%arg0: i32) -> (i32, i32) {
    %c0_i32 = arith.constant 0 : i32
    %c0_i32_0 = arith.constant 0 : i32
    %c0_i32_1 = arith.constant 0 : i32
    return %c0_i32, %c0_i32_0 : i32, i32
  }
}

</mosaic_0001>

<sc_bundles>
// kernel: kernel.10.cloned.1.call-start
scs
__scs_entry_jumppad:
0x0: {  	(pc) =	sbr.rel $0x88, $3  }
0x1: {  	(tag) =	ssettag $0x0;
	lr =	simm.s32 $0x1  }
0x2: {  	[smem:$0x3F85] =	sst lr;
	_ =	strace $0xD0000000  }
0x3: {  	_ = 	snop  }
0x4: {  	_ = 	snop  }
0x5: {  	_ = 	snop  }
0x6: {  	_ = 	snop  }
0x7: {  	_ = 	snop  }
__scs_overlays_trampoline_lowered:
0x8: {  	[smem:$0x3F94] =	sst s0  }
0x9: {  	[smem:$0x3F95] =	sst s1  }
0xa: {  	[smem:$0x3F96] =	sst s2  }
0xb: {  	[smem:$0x3F97] =	sst s3  }
0xc: {  	[smem:$0x3F98] =	sst s4  }
0xd: {  	[smem:$0x3F99] =	sst s5  }
0xe: {  	[smem:$0x3F9A] =	sst s6  }
0xf: {  	[smem:$0x3F9B] =	sst s7  }
0x10: {  	[smem:$0x3F9C] =	sst s8  }
0x11: {  	[smem:$0x3F9D] =	sst s9;
	s0 =	simm.s32 @!p0 $0x0  }
0x12: {  	s1 =	sld [smem:$0x3F83];
	s0 =	simm.s32 @p0 $0x1  }
0x13: {  	[smem:$0x3F9E] =	sst s0;
	s0 =	simm.s32 @!p1 $0x0  }
0x14: {  	s2 =	sld [smem:$0x3F82];
	s0 =	simm.s32 @p1 $0x1  }
0x15: {  	[smem:$0x3F9F] =	sst s0;
	s0 =	simm.s32 @!p2 $0x0  }
0x16: {  	s3 =	sld [smem:$0x3FDB];
	s0 =	simm.s32 @p2 $0x1  }
0x17: {  	s4 =	simm.s32 $0x1BF5;
	[smem:$0x3FA1] =	sst s0  }
0x18: {  	s0 =	sld [smem:$0x3F84];
	_ =	swait.ge [sflag:s4], $0x0  }
0x19: {  	s7 =	sld [smem:$0x3F85]  }
0x1a: {  	s8 =	sadd.s32 $0xFFFFE003, lr  }
0x1b: {  	s9 =	sadd.s32 $0xFFFFFEF7, lr;
	s5 =	simm.s32 $0xFFFFFFFF;
	p2 =	slt.u32 s8, $0xFFFFF086  }
0x1c: {  	p1 =	slt.u32 s9, $0xF7A;
	s5 =	simm.s32 @!p2 $0x0  }
0x1d: {  	s5 =	simm.s32 @p1 $0x1;
	p0 =	seq.s32 s7, s2  }
0x1e: {  	s7 =	smul.u32 @!p0 $0xF7A, s2;
	p2 =	seq.s32 @!p0 s5, $0x0  }
0x1f: {  	s9 =	smul.u32 $0xF7A, s1;
	s8 =	simm.s32 @!p0 $0x1BF5;
	p2 =	por !p2, p0  }
0x20: {  	[sflag:s8] =	ssyncset.s32 @!p0 $0xFFFFF086;
	s6 =	sadd.s32 @!p0 s3, s7;
	s7 =	simm.s32 @!p0 $0x108  }
0x21: {  	s3 =	sadd.s32 s3, s9;
	s6 =	sadd.s32 @!p0 $0x88, s6;
	s7 =	simm.s32 @p2 $0x1082  }
0x22: {  	[simem:s7], [sflag:s8] =	dma.local @!p0 [hbm:s6], $0xF7A  }
0x23: {  	s9 =	sor.u32 $0xD0000000, s2;
	s6 =	simm.s32 $0x108;
	_ =	swait.ge @!p0 [sflag:s8], $0x0  }
0x24: {  	s3 =	sadd.s32 $0x88, s3;
	s6 =	simm.s32 @!p1 $0x1082;
	[sflag:s4] =	ssyncset.s32 $0xFFFFF086  }
0x25: {  	[simem:s6], [sflag:s4] =	dma.local [hbm:s3], $0xF7A  }
0x26: {  	[smem:$0x3F85] =	sst s1;
	(tag) =	ssettag s2;
	_ =	strace s9  }
0x27: {  	s1 =	sld [smem:$0x3F95]  }
0x28: {  	s2 =	sld [smem:$0x3F96]  }
0x29: {  	s4 =	sld [smem:$0x3F98]  }
0x2a: {  	p0 =	seq.s32 s5, $0x0;
	s5 =	sld [smem:$0x3F99]  }
0x2b: {  	s6 =	sld [smem:$0x3F9A]  }
0x2c: {  	s7 =	sld [smem:$0x3F9B]  }
0x2d: {  	s3 =	simm.s32 $0x108;
	s8 =	sld [smem:$0x3F9C]  }
0x2e: {  	s3 =	simm.s32 @!p0 $0x1082;
	s9 =	sld [smem:$0x3F9D]  }
0x2f: {  	lr =	sadd.s32 s0, s3;
	s0 =	sld [smem:$0x3F94]  }
0x30: {  	s3 =	sld [smem:$0x3F97]  }
0x31: {  	[smem:$0x3FA0] =	sst s10  }
0x32: {  	s10 =	sld [smem:$0x3F9E];
	_ =	sdelay $0x3  }
0x33: {  	p0 =	seq.s32 s10, $0x1;
	s10 =	sld [smem:$0x3FA0];
	_ =	sdelay $0x3  }
0x34: {  	[smem:$0x3FA0] =	sst s10  }
0x35: {  	s10 =	sld [smem:$0x3F9F];
	_ =	sdelay $0x3  }
0x36: {  	p1 =	seq.s32 s10, $0x1;
	s10 =	sld [smem:$0x3FA0];
	_ =	sdelay $0x3  }
0x37: {  	[smem:$0x3FA0] =	sst s10  }
0x38: {  	s10 =	sld [smem:$0x3FA1]  }
0x39: {  	_ = 	snop;
	(pc) =	sbr.ind lr, $3  }
0x3a: {  	_ = 	snop  }
0x3b: {  	_ = 	snop  }
0x3c: {  	p2 =	seq.s32 s10, $0x1;
	s10 =	sld [smem:$0x3FA0]  }
0x3d: {  	_ =	shalt  }
0x3e: {  	_ =	shalt  }
0x3f: {  	_ =	shalt  }
0x40: {  	_ =	shalt  }
0x41: {  	_ =	shalt  }
0x42: {  	_ =	shalt  }
0x43: {  	_ =	shalt  }
0x44: {  	_ =	shalt  }
0x45: {  	_ =	shalt  }
0x46: {  	_ =	shalt  }
0x47: {  	_ =	shalt  }
0x48: {  	_ =	shalt  }
0x49: {  	_ =	shalt  }
0x4a: {  	_ =	shalt  }
0x4b: {  	_ =	shalt  }
0x4c: {  	_ =	shalt  }
0x4d: {  	_ =	shalt  }
0x4e: {  	_ =	shalt  }
0x4f: {  	_ =	shalt  }
0x50: {  	_ =	shalt  }
0x51: {  	_ =	shalt  }
0x52: {  	_ =	shalt  }
0x53: {  	_ =	shalt  }
0x54: {  	_ =	shalt  }
0x55: {  	_ =	shalt  }
0x56: {  	_ =	shalt  }
0x57: {  	_ =	shalt  }
0x58: {  	_ =	shalt  }
0x59: {  	_ =	shalt  }
0x5a: {  	_ =	shalt  }
0x5b: {  	_ =	shalt  }
0x5c: {  	_ =	shalt  }
0x5d: {  	_ =	shalt  }
0x5e: {  	_ =	shalt  }
0x5f: {  	_ =	shalt  }
0x60: {  	_ =	shalt  }
0x61: {  	_ =	shalt  }
0x62: {  	_ =	shalt  }
0x63: {  	_ =	shalt  }
0x64: {  	_ =	shalt  }
0x65: {  	_ =	shalt  }
0x66: {  	_ =	shalt  }
0x67: {  	_ =	shalt  }
0x68: {  	_ =	shalt  }
0x69: {  	_ =	shalt  }
0x6a: {  	_ =	shalt  }
0x6b: {  	_ =	shalt  }
0x6c: {  	_ =	shalt  }
0x6d: {  	_ =	shalt  }
0x6e: {  	_ =	shalt  }
0x6f: {  	_ =	shalt  }
0x70: {  	_ =	shalt  }
0x71: {  	_ =	shalt  }
0x72: {  	_ =	shalt  }
0x73: {  	_ =	shalt  }
0x74: {  	_ =	shalt  }
0x75: {  	_ =	shalt  }
0x76: {  	_ =	shalt  }
0x77: {  	_ =	shalt  }
0x78: {  	_ =	shalt  }
0x79: {  	_ =	shalt  }
0x7a: {  	_ =	shalt  }
0x7b: {  	_ =	shalt  }
0x7c: {  	_ =	shalt  }
0x7d: {  	_ =	shalt  }
0x7e: {  	_ =	shalt  }
0x7f: {  	_ =	shalt  }
0x80: {  	_ =	shalt  }
0x81: {  	_ =	shalt  }
0x82: {  	_ =	shalt  }
0x83: {  	_ =	shalt  }
0x84: {  	_ =	shalt  }
0x85: {  	_ =	shalt  }
0x86: {  	_ =	shalt  }
0x87: {  	_ =	shalt  }
.Lfunc_end0:
.L_simem_size_0:
called_computation_lowered:
.L_overlay_start_0:
0x88: {  	s2 =	sld [smem:$0x3FD9]  }
0x89: {  	s3 =	sld [smem:$0x3FFE];
	_ =	sdelay $0x1  }
0x8a: {  	s1 =	srdreg.scid  }
0x8b: {  	s0 =	sand.u32 $0x1, s1  }
0x8c: {  	s17 =	sshll.u32 s0, $0xA;
	s2 =	sadd.s32 s3, s2  }
0x8d: {  	s2 =	sadd.s32 s2, s17  }
0x8e: {  	[smem:$0x3FAC] =	sst s2  }
0x8f: {  	_ = 	snop  }
0x90: {  	s18 =	sld [smem:$0x3FD0];
	(tm) =	ssettm $0x1  }
0x91: {  	s19 =	sld [smem:$0x3FFB];
	_ =	sdelay $0x3  }
0x92: {  	_ =	strace s19  }
0x93: {  	s2 =	sld [smem:$0x3FFC];
	_ =	sdelay $0x3  }
0x94: {  	_ =	strace s2  }
0x95: {  	s2 =	sld [smem:$0x3FFD];
	_ =	sdelay $0x3  }
0x96: {  	_ =	strace s2  }
0x97: {  	_ =	strace $0x8FFFFFFF  }
0x98: {  	s20 =	sld [smem:$0x3FDB];
	_ =	sdelay $0x1  }
0x99: {  	s4 =	simm.s32 $_scs_section_size  }
0x9a: {  	s5 =	simm.s32 $_size__tile_overlayer_lowered;
	s6 =	simm.s32 $_tile_overlayer_lowered  }
0x9b: {  	s7 =	simm.s32 $0x1BFF;
	s21 =	sshll.u32 s6, $0x1;
	s4 =	sadd.s32 s4, s20  }
0x9c: {  	s22 =	simm.s32 $0x0;
	s5 =	sshll.u32 s5, $0x1;
	s6 =	sadd.s32 s21, s4  }
0x9d: {  	[timem:s22], [sflag:s7] =	dma.local [hbm:s6], s5  }
0x9e: {  	_ =	swait.ge [sflag:s7], s5  }
0x9f: {  	s5 =	ssub.s32 $0x0, s5;
	[sflag:s7] =	ssyncset.done $0x0  }
0xa0: {  	[sflag:s7] =	ssyncadd.s32 s5;
	_ =	sdelay $0x1  }
0xa1: {  	s23 =	simm.s32 $0x1B8B  }
0xa2: {  	_ =	swait.ge [sflag:s23], $0x1  }
0xa3: {  	[sflag:s23] =	ssyncset.done $0x0  }
0xa4: {  	[sflag:s23] =	ssyncadd.s32 $0xFFFFFFFF  }
0xa5: {  	s5 =	sld [smem:$0x0]  }
0xa6: {  	s6 =	sand.u32 $0xFFFFFFFE, s1  }
0xa7: {  	p0 =	sne.s32 s1, s6  }
0xa8: {  	s6 =	sshll.u32 @p0 s6, $0xE  }
0xa9: {  	s6 =	sadd.s32 @p0 $0x11B8D, s6;
	s7 =	sshll.u32 @p0 s5, $0x11  }
0xaa: {  	s6 =	sor.u32 @p0 s7, s6  }
0xab: {  	[sflag:s6] =	ssyncadd.remote.s32 @p0 $0x1;
	_ =	sdelay $0x1  }
0xac: {  	s6 =	simm.s32 @p0 $0x1B8D  }
0xad: {  	_ =	swait.eq @p0 [sflag:s6], $0x1  }
0xae: {  	[sflag:s6] =	ssyncadd.s32 @p0 $0xFFFFFFFF  }
0xaf: {  	s7 =	sshll.u32 @!p0 s1, $0xE  }
0xb0: {  	s7 =	sor.u32 @!p0 $0x4000, s7;
	s6 =	simm.s32 @!p0 $0x1B8D  }
0xb1: {  	s5 =	sshll.u32 @!p0 s5, $0x11;
	s7 =	sadd.s32 @!p0 $0x11B8D, s7;
	_ =	swait.eq @!p0 [sflag:s6], $0x1  }
0xb2: {  	s5 =	sor.u32 @!p0 s5, s7;
	[sflag:s6] =	ssyncadd.s32 @!p0 $0xFFFFFFFF  }
0xb3: {  	s25 =	simm.s32 $0x1B8E;
	s24 =	sld [smem:$0x3FFE];
	[sflag:s5] =	ssyncadd.remote.s32 @!p0 $0x1  }
0xb4: {  	s26 =	simm.s32 $execute0_lowered;
	[smem:$0x3FD2] =	sst s25  }
0xb5: {  	s6 =	sshll.u32 s26, $0x1;
	_ =	strace $0x80000049;
	[dreg:$0x1] =	wrdreg $0xFFFFFFFF  }
0xb6: {  	s28 =	simm.s32 $_size_execute0_lowered;
	s4 =	sadd.s32 s4, s6;
	[dreg:$0x0] =	wrdreg $0x0  }
0xb7: {  	s6 =	sshll.u32 s28, $0x1;
	[dreg:$0x2] =	wrdreg s4  }
0xb8: {  	[dreg:$0x3] =	wrdreg s6  }
0xb9: {  	[dreg:$0x4] =	wrdreg $0xC0  }
0xba: {  	_ =	task [dreg:s22], $0x5FFFF  }
0xbb: {  	[dreg:$0x1] =	wrdreg $0xFFFFFFFF  }
0xbc: {  	[dreg:$0x0] =	wrdreg $0x60  }
0xbd: {  	[dreg:$0x2] =	wrdreg s24  }
0xbe: {  	[dreg:$0x3] =	wrdreg s18  }
0xbf: {  	[dreg:$0x4] =	wrdreg $0x0  }
0xc0: {  	[dreg:$0x5] =	wrdreg $0x9  }
0xc1: {  	_ =	task.clear_ibuf [dreg:s22], $0x6FFFF;
	_ =	strace $0x90000049  }
0xc2: {  	s29 =	simm.s32 $0x9;
	_ =	strace $0x8000004B  }
0xc3: {  	_ =	swait.ge [sflag:s29], $0x1  }
0xc4: {  	[sflag:s29] =	ssyncadd.s32 $0xFFFFFFFF  }
0xc5: {  	_ =	strace $0x9000004B  }
0xc6: {  	_ =	sfence  }
0xc7: {  	s30 =	sld [smem:$0x0];
	_ =	sdelay $0x2  }
0xc8: {  	s31 =	sshll.u32 s1, $0xD;
	s1 =	sshrl.u32 s1, $0x2  }
0xc9: {  	s4 =	sand.u32 $0x4000, s31;
	s1 =	sadd.s32 s1, s30  }
0xca: {  	s0 =	sor.u32 s4, s0;
	s1 =	sshll.u32 s1, $0x11  }
0xcb: {  	s0 =	sor.u32 s1, s0  }
0xcc: {  	s0 =	sadd.s32 $0x8F2B, s0  }
0xcd: {  	[sflag:s0] =	ssyncadd.remote.s32 $0x1  }
0xce: {  	_ =	sfence.sel $0xFFFF  }
0xcf: {  	[dreg:$0x0] =	wrdreg $0xFFFFFFFF;
	(pc) =	sbr.abs _section_cstart, $3  }
0xd0: {  	[dreg:$0x1] =	wrdreg $0xFFFFFFFF  }
0xd1: {  	_ =	task.clear_ibuf [dreg:s22], $0x2FFFF;
	_ =	strace $0x9FFFFFFF  }
0xd2: {  	(tm) =	ssettm $0x7FFFFFFF  }
0xd3: {  	_ =	shalt  }
tec
execute0_lowered:
.L_overlay_start_1:
0x0: {  	(tag) =	ssettag $0x1  }
0x1: {  	s6 =	rddreg [dreg:$0x0]  }
0x2: {  	s1 =	rddreg [dreg:$0x1]  }
0x3: {  	s2 =	rddreg [dreg:$0x2]  }
0x4: {  	s0 =	rddreg [dreg:$0x3]  }
0x5: {  	s3 =	simm.s32 $0x0;
	s5 =	srdreg.scid;
	s4 =	stileid.u32  }
0x6: {  	s19 =	simm.s32 $0x80;
	s20 =	simm.s32 $0xCBD0;
	s7 =	smul.u32 $0x30E00, s4  }
0x7: {  	[smem:$0x7FF] =	sst s3;
	s11 =	sadd.s32 $0xD90C00, s6;
	s9 =	smul.u32 $0xC350, s4  }
0x8: {  	s18 =	sand.u32 $0x1, s5;
	s5 =	sadd.s32 $0x15BC00, s6;
	s15 =	smul.u32 $0xC380, s4  }
0x9: {  	s12 =	sadd.s32 $0x4000, s6;
	s10 =	sadd.s32 $0x15D600, s6;
	s30 =	smul.u32 $0x186A0, s4  }
0xa: {  	s17 =	sadd.s32 $0xB7480, s2;
	s31 =	smul.u32 $0x186A, s4;
	p0 =	seq.s32 s4, $0xF  }
0xb: {  	_ =	strace $0x8000004A;
	s8 =	ssub.s32 $0x2, s18;
	s13 =	smul.u32 $0xC3500, s18  }
0xc: {  	p1 =	sne.s32 s18, $0x0;
	s18 =	simm.s32 $0xCB50;
	s21 =	sshrl.u32 s8, $0x1  }
0xd: {  	s22 =	sshrl.u32 s7, $0x2;
	s23 =	sadd.s32 $0xC300, s9;
	s14 =	ssub.s32 s8, s21  }
0xe: {  	s16 =	sadd.s32 s22, s2;
	s24 =	sshrl.u32 s23, $0x3;
	s25 =	sshll.u32 s23, $0x1  }
0xf: {  	s26 =	sadd.s32 s15, s13;
	s29 =	sshrl.u32 s13, $0x3;
	s22 =	sadd.s32 s15, s2  }
0x10: {  	s13 =	sshrl.u32 @p0 s17, $0x3;
	s17 =	simm.s32 $0x1;
	s21 =	simm.s32 $0x50  }
0x11: {  	s23 =	simm.s32 $0x0;
	s6 =	sadd.s32 s12, s24;
	s7 =	sadd.s32 s11, s25  }
0x12: {  	s28 =	sshrl.u32 s26, $0x3;
	s9 =	sadd.s32 s10, s29;
	s11 =	sadd.s32 s30, s11  }
0x13: {  	s12 =	sadd.s32 s31, s12;
	s15 =	sshrl.u32 @!p0 s16, $0x3;
	s16 =	simm.s32 $0xC350  }
0x14: {  	s8 =	sadd.s32 s10, s28;
	s10 =	smax.u32 s14, $0x1;
	s14 =	sshll.u32 @!p0 s4, $0x6  }
0x15: {  	s22 =	sshrl.u32 @!p0 s22, $0x3;
	s9 =	sadd.s32 $0x16E90, s9;
	s14 =	sor.u32 @!p0 $0x1C01, s14  }
.LBB2_1:
0x16: {  	s24 =	simm.s32 @p0 $0x1FC1  }
0x17: {  	[spmem:s13], [sflag:s24] =	dma.local @p0 [hbm:s5], $0x1810  }
0x18: {  	s24 =	simm.s32 @p0 $0x1  }
0x19: {  	_ =	swait.ge @p0 [sflag:s24], $0x1810  }
0x1a: {  	[sflag:s24] =	ssyncset.done @p0 $0x0  }
0x1b: {  	[sflag:s24] =	ssyncadd.s32 @p0 $0xFFFFE7F0;
	s24 =	simm.s32 @!p0 $0x1  }
0x1c: {  	[spmem:s15], [sflag:s14] =	dma.local @!p0 [hbm:s5], $0x1870  }
0x1d: {  	_ =	swait.ge @!p0 [sflag:s24], $0x1870  }
0x1e: {  	[sflag:s24] =	ssyncset.done @!p0 $0x0  }
0x1f: {  	[sflag:s24] =	ssyncadd.s32 @!p0 $0xFFFFE790  }
0x20: {  	[tilespmem:s16], [sflag:$0x1] =	stream.linear.gather [hbm4b:s1+s3], $0x800, $0x38;
	[tilespmem:$0xCC20] =	vst v63  }
0x21: {  	_ =	swait.ge [sflag:s17], $0x800  }
0x22: {  	[sflag:s17] =	ssyncset.done $0x0  }
0x23: {  	[sflag:s17] =	ssyncadd.s32 $0xFFFFF800  }
0x24: {  	s31 =	sadd.s32 $0x0, s12;
	[bflag:$0x0] =	sbarrier.arrive $0xFFFF  }
0x25: {  	[tilespmem:s18], [sflag:$0x1] =	stream.linear.gather [hbm4b:s31+s3], $0x80, $0x38;
	[tilespmem:$0xCC20] =	vst v63  }
0x26: {  	_ =	swait.ge [sflag:s17], $0x80  }
0x27: {  	s25 =	simm.s32 @!p1 $0x0;
	[sflag:s17] =	ssyncset.done $0x0  }
0x28: {  	s28 =	simm.s32 @!p1 $0xC350;
	s24 =	simm.s32 @!p1 $0x1;
	[sflag:s17] =	ssyncadd.s32 $0xFFFFFF80  }
0x29: {  	[tilespmem:s28], [sflag:$0x1] =	stream.linear.gather @!p1 [hbm4b:s11+s25], $0x800, $0x38;
	[tilespmem:$0xCC20] =	vst v63  }
0x2a: {  	_ =	swait.ge @!p1 [sflag:s24], $0x800  }
0x2b: {  	[sflag:s24] =	ssyncset.done @!p1 $0x0  }
0x2c: {  	[sflag:s24] =	ssyncadd.s32 @!p1 $0xFFFFF800  }
0x2d: {  	[spmem:s2] =	stream.indirect.scatter.add.f32 [tilespmem:s16], [sflag:$0x1], $0x10, s18, s19, $0xb8;
	[tilespmem:$0xCC20] =	vst v63  }
0x2e: {  	s29 =	simm.s32 $0x10;
	_ =	swait.ge [sflag:s17], $0x800  }
0x2f: {  	s30 =	simm.s32 $0x20;
	s26 =	sadd.s32 $0x100, s11;
	[sflag:s17] =	ssyncset.done $0x0  }
.LBB2_2:
0x30: {  	s31 =	sadd.s32 s29, s12  }
0x31: {  	[sflag:s17] =	ssyncadd.s32 $0xFFFFF800;
	s29 =	smov.u32 s30;
	s30 =	sadd.s32 $0x10, s30  }
0x32: {  	[tilespmem:s18], [sflag:$0x1] =	stream.linear.gather [hbm4b:s31+s3], $0x80, $0x38;
	[tilespmem:$0xCC20] =	vst v63  }
0x33: {  	p2 =	sne.s32 s30, $0x1860;
	_ =	swait.ge [sflag:s17], $0x80  }
0x34: {  	[sflag:s17] =	ssyncset.done $0x0  }
0x35: {  	[sflag:s17] =	ssyncadd.s32 $0xFFFFFF80  }
0x36: {  	[tilespmem:s28], [sflag:$0x1] =	stream.linear.gather @!p1 [hbm4b:s26+s25], $0x800, $0x38;
	[tilespmem:$0xCC20] =	vst v63  }
0x37: {  	_ =	swait.ge @!p1 [sflag:s24], $0x800  }
.Ltmp0:
0x38: {  	[sflag:s24] =	ssyncset.done @!p1 $0x0;
	(pc) =	sbr.rel @p2 .LBB2_2-.Ltmp0, $4  }
0x39: {  	[sflag:s24] =	ssyncadd.s32 @!p1 $0xFFFFF800  }
0x3a: {  	[spmem:s2] =	stream.indirect.scatter.add.f32 [tilespmem:s16], [sflag:$0x1], $0x10, s18, s19, $0xb8;
	[tilespmem:$0xCC20] =	vst v63  }
0x3b: {  	_ =	swait.ge [sflag:s17], $0x800  }
0x3c: {  	s26 =	sadd.s32 $0x100, s26;
	[sflag:s17] =	ssyncset.done $0x0  }
0x3d: {  	s24 =	sadd.s32 s29, s12;
	[sflag:s17] =	ssyncadd.s32 $0xFFFFF800  }
0x3e: {  	[tilespmem:s18], [sflag:$0x1] =	stream.linear.gather [hbm4b:s24+s3], $0x80, $0x38;
	[tilespmem:$0xCC20] =	vst v63  }
0x3f: {  	_ =	swait.ge [sflag:s17], $0x80  }
0x40: {  	s25 =	simm.s32 @!p1 $0x0;
	[sflag:s17] =	ssyncset.done $0x0  }
0x41: {  	s28 =	simm.s32 @!p1 $0xC350;
	s24 =	simm.s32 @!p1 $0x1;
	[sflag:s17] =	ssyncadd.s32 $0xFFFFFF80  }
0x42: {  	[tilespmem:s28], [sflag:$0x1] =	stream.linear.gather @!p1 [hbm4b:s26+s25], $0x800, $0x38;
	[tilespmem:$0xCC20] =	vst v63  }
0x43: {  	_ =	swait.ge @!p1 [sflag:s24], $0x800  }
0x44: {  	[sflag:s24] =	ssyncset.done @!p1 $0x0  }
0x45: {  	[sflag:s24] =	ssyncadd.s32 @!p1 $0xFFFFF800  }
0x46: {  	[spmem:s2] =	stream.indirect.scatter.add.f32 [tilespmem:s16], [sflag:$0x1], $0x10, s18, s19, $0xb8;
	[tilespmem:$0xCC20] =	vst v63  }
0x47: {  	_ =	swait.ge [sflag:s17], $0x800  }
0x48: {  	[sflag:s17] =	ssyncset.done $0x0  }
0x49: {  	[sflag:s17] =	ssyncadd.s32 $0xFFFFF800  }
0x4a: {  	[tilespmem:s20], [sflag:$0x1] =	stream.linear.gather [hbm4b:s6+s3], $0x50, $0x38;
	[tilespmem:$0xCC20] =	vst v63  }
0x4b: {  	_ =	swait.ge [sflag:s17], $0x50  }
0x4c: {  	[sflag:s17] =	ssyncset.done $0x0  }
0x4d: {  	[sflag:s17] =	ssyncadd.s32 $0xFFFFFFB0  }
0x4e: {  	[tilespmem:s28], [sflag:$0x1] =	stream.linear.gather @!p1 [hbm4b:s7+s25], $0x500, $0x38;
	[tilespmem:$0xCC20] =	vst v63  }
0x4f: {  	_ =	swait.ge @!p1 [sflag:s24], $0x500  }
0x50: {  	[sflag:s24] =	ssyncset.done @!p1 $0x0  }
0x51: {  	[sflag:s24] =	ssyncadd.s32 @!p1 $0xFFFFFB00  }
0x52: {  	[spmem:s2] =	stream.indirect.scatter.add.f32 [tilespmem:s16], [sflag:$0x1], $0x10, s20, s21, $0xb8;
	[tilespmem:$0xCC20] =	vst v63  }
0x53: {  	_ =	swait.ge [sflag:s17], $0x500  }
0x54: {  	[sflag:s17] =	ssyncset.done $0x0  }
0x55: {  	[sflag:s17] =	ssyncadd.s32 $0xFFFFFB00  }
0x56: {  	s24 =	simm.s32 @p0 $0x1FC1;
	[bflag:$0x0] =	sbarrier.arrive $0xFFFF  }
0x57: {  	[hbm:s9], [sflag:s24] =	dma.local @p0 [spmem:s13], $0x1810  }
0x58: {  	s24 =	simm.s32 @p0 $0x1  }
0x59: {  	s23 =	sadd.s32 $0x1, s23;
	_ =	swait.ge @p0 [sflag:s24], $0x1810  }
0x5a: {  	p2 =	sne.s32 s23, s10;
	[sflag:s24] =	ssyncset.done @p0 $0x0  }
.Ltmp1:
0x5b: {  	[sflag:s24] =	ssyncadd.s32 @p0 $0xFFFFE7F0;
	s24 =	simm.s32 @!p0 $0x1;
	(pc) =	sbr.rel @p2 .LBB2_1-.Ltmp1, $4  }
0x5c: {  	[hbm:s8], [sflag:s14] =	dma.local @!p0 [spmem:s22], $0x1870  }
0x5d: {  	_ =	swait.ge @!p0 [sflag:s24], $0x1870  }
0x5e: {  	[sflag:s24] =	ssyncset.done @!p0 $0x0  }
0x5f: {  	[sflag:s24] =	ssyncadd.s32 @!p0 $0xFFFFE790  }
0x60: {  	_ =	sfence.sel $0x180000  }
0x61: {  	[bflag:$0x0] =	sbarrier.arrive $0xFFFF  }
0x62: {  	p0 =	sne.s32 s4, $0x0;
	_ =	strace $0x9000004A  }
0x63: {  	s0 =	sadd.s32 @!p0 $0x100000, s0;
	[bflag:$0x2] =	sbarrier.arrive $0xFFFF  }
0x64: {  	[sflag:s0] =	ssyncadd.tile.s32 @!p0 $0x1;
	_ =	shalt  }
.Lfunc_end2:
_tile_overlayer_lowered:
.L_overlay_start_2:
0x65: {  	(tag) =	ssettag $0x2  }
0x66: {  	s0 =	rddreg [dreg:$0x0];
	s2 =	stileid.u32  }
0x67: {  	s1 =	rddreg [dreg:$0x1];
	p0 =	sne.s32 s2, $0x0  }
0x68: {  	s3 =	rddreg [dreg:$0x2];
	[bflag:$0x3] =	sbarrier.arrive $0xFFFF;
	s2 =	simm.s32 @!p0 $0x1C01  }
0x69: {  	[timem:s3], [sflag:s2] =	dma.local @!p0 [hbm:s0], s1  }
0x6a: {  	s0 =	simm.s32 @!p0 $0x1  }
0x6b: {  	_ =	swait.ge @!p0 [sflag:s0], s1  }
0x6c: {  	s1 =	ssub.s32 @!p0 $0x0, s1;
	[sflag:s0] =	ssyncset.done @!p0 $0x0  }
0x6d: {  	[sflag:s0] =	ssyncadd.s32 @!p0 s1  }
0x6e: {  	[bflag:$0x3] =	sbarrier.arrive $0xFFFF  }
0x6f: {  	_ =	shalt  }

// kernel: kernel.13.cloned.1.call-start
scs
__scs_entry_jumppad:
0x0: {  	(pc) =	sbr.rel $0x88, $3  }
0x1: {  	(tag) =	ssettag $0x0;
	lr =	simm.s32 $0x1  }
0x2: {  	[smem:$0x3F85] =	sst lr;
	_ =	strace $0xD0000000  }
0x3: {  	_ = 	snop  }
0x4: {  	_ = 	snop  }
0x5: {  	_ = 	snop  }
0x6: {  	_ = 	snop  }
0x7: {  	_ = 	snop  }
__scs_overlays_trampoline_lowered:
0x8: {  	[smem:$0x3F94] =	sst s0  }
0x9: {  	[smem:$0x3F95] =	sst s1  }
0xa: {  	[smem:$0x3F96] =	sst s2  }
0xb: {  	[smem:$0x3F97] =	sst s3  }
0xc: {  	[smem:$0x3F98] =	sst s4  }
0xd: {  	[smem:$0x3F99] =	sst s5  }
0xe: {  	[smem:$0x3F9A] =	sst s6  }
0xf: {  	[smem:$0x3F9B] =	sst s7  }
0x10: {  	[smem:$0x3F9C] =	sst s8  }
0x11: {  	[smem:$0x3F9D] =	sst s9;
	s0 =	simm.s32 @!p0 $0x0  }
0x12: {  	s1 =	sld [smem:$0x3F83];
	s0 =	simm.s32 @p0 $0x1  }
0x13: {  	[smem:$0x3F9E] =	sst s0;
	s0 =	simm.s32 @!p1 $0x0  }
0x14: {  	s2 =	sld [smem:$0x3F82];
	s0 =	simm.s32 @p1 $0x1  }
0x15: {  	[smem:$0x3F9F] =	sst s0;
	s0 =	simm.s32 @!p2 $0x0  }
0x16: {  	s3 =	sld [smem:$0x3FDB];
	s0 =	simm.s32 @p2 $0x1  }
0x17: {  	s4 =	simm.s32 $0x1BF5;
	[smem:$0x3FA1] =	sst s0  }
0x18: {  	s0 =	sld [smem:$0x3F84];
	_ =	swait.ge [sflag:s4], $0x0  }
0x19: {  	s7 =	sld [smem:$0x3F85]  }
0x1a: {  	s8 =	sadd.s32 $0xFFFFE003, lr  }
0x1b: {  	s9 =	sadd.s32 $0xFFFFFEF7, lr;
	s5 =	simm.s32 $0xFFFFFFFF;
	p2 =	slt.u32 s8, $0xFFFFF086  }
0x1c: {  	p1 =	slt.u32 s9, $0xF7A;
	s5 =	simm.s32 @!p2 $0x0  }
0x1d: {  	s5 =	simm.s32 @p1 $0x1;
	p0 =	seq.s32 s7, s2  }
0x1e: {  	s7 =	smul.u32 @!p0 $0xF7A, s2;
	p2 =	seq.s32 @!p0 s5, $0x0  }
0x1f: {  	s9 =	smul.u32 $0xF7A, s1;
	s8 =	simm.s32 @!p0 $0x1BF5;
	p2 =	por !p2, p0  }
0x20: {  	[sflag:s8] =	ssyncset.s32 @!p0 $0xFFFFF086;
	s6 =	sadd.s32 @!p0 s3, s7;
	s7 =	simm.s32 @!p0 $0x108  }
0x21: {  	s3 =	sadd.s32 s3, s9;
	s6 =	sadd.s32 @!p0 $0x88, s6;
	s7 =	simm.s32 @p2 $0x1082  }
0x22: {  	[simem:s7], [sflag:s8] =	dma.local @!p0 [hbm:s6], $0xF7A  }
0x23: {  	s9 =	sor.u32 $0xD0000000, s2;
	s6 =	simm.s32 $0x108;
	_ =	swait.ge @!p0 [sflag:s8], $0x0  }
0x24: {  	s3 =	sadd.s32 $0x88, s3;
	s6 =	simm.s32 @!p1 $0x1082;
	[sflag:s4] =	ssyncset.s32 $0xFFFFF086  }
0x25: {  	[simem:s6], [sflag:s4] =	dma.local [hbm:s3], $0xF7A  }
0x26: {  	[smem:$0x3F85] =	sst s1;
	(tag) =	ssettag s2;
	_ =	strace s9  }
0x27: {  	s1 =	sld [smem:$0x3F95]  }
0x28: {  	s2 =	sld [smem:$0x3F96]  }
0x29: {  	s4 =	sld [smem:$0x3F98]  }
0x2a: {  	p0 =	seq.s32 s5, $0x0;
	s5 =	sld [smem:$0x3F99]  }
0x2b: {  	s6 =	sld [smem:$0x3F9A]  }
0x2c: {  	s7 =	sld [smem:$0x3F9B]  }
0x2d: {  	s3 =	simm.s32 $0x108;
	s8 =	sld [smem:$0x3F9C]  }
0x2e: {  	s3 =	simm.s32 @!p0 $0x1082;
	s9 =	sld [smem:$0x3F9D]  }
0x2f: {  	lr =	sadd.s32 s0, s3;
	s0 =	sld [smem:$0x3F94]  }
0x30: {  	s3 =	sld [smem:$0x3F97]  }
0x31: {  	[smem:$0x3FA0] =	sst s10  }
0x32: {  	s10 =	sld [smem:$0x3F9E];
	_ =	sdelay $0x3  }
0x33: {  	p0 =	seq.s32 s10, $0x1;
	s10 =	sld [smem:$0x3FA0];
	_ =	sdelay $0x3  }
0x34: {  	[smem:$0x3FA0] =	sst s10  }
0x35: {  	s10 =	sld [smem:$0x3F9F];
	_ =	sdelay $0x3  }
0x36: {  	p1 =	seq.s32 s10, $0x1;
	s10 =	sld [smem:$0x3FA0];
	_ =	sdelay $0x3  }
0x37: {  	[smem:$0x3FA0] =	sst s10  }
0x38: {  	s10 =	sld [smem:$0x3FA1]  }
0x39: {  	_ = 	snop;
	(pc) =	sbr.ind lr, $3  }
0x3a: {  	_ = 	snop  }
0x3b: {  	_ = 	snop  }
0x3c: {  	p2 =	seq.s32 s10, $0x1;
	s10 =	sld [smem:$0x3FA0]  }
0x3d: {  	_ =	shalt  }
0x3e: {  	_ =	shalt  }
0x3f: {  	_ =	shalt  }
0x40: {  	_ =	shalt  }
0x41: {  	_ =	shalt  }
0x42: {  	_ =	shalt  }
0x43: {  	_ =	shalt  }
0x44: {  	_ =	shalt  }
0x45: {  	_ =	shalt  }
0x46: {  	_ =	shalt  }
0x47: {  	_ =	shalt  }
0x48: {  	_ =	shalt  }
0x49: {  	_ =	shalt  }
0x4a: {  	_ =	shalt  }
0x4b: {  	_ =	shalt  }
0x4c: {  	_ =	shalt  }
0x4d: {  	_ =	shalt  }
0x4e: {  	_ =	shalt  }
0x4f: {  	_ =	shalt  }
0x50: {  	_ =	shalt  }
0x51: {  	_ =	shalt  }
0x52: {  	_ =	shalt  }
0x53: {  	_ =	shalt  }
0x54: {  	_ =	shalt  }
0x55: {  	_ =	shalt  }
0x56: {  	_ =	shalt  }
0x57: {  	_ =	shalt  }
0x58: {  	_ =	shalt  }
0x59: {  	_ =	shalt  }
0x5a: {  	_ =	shalt  }
0x5b: {  	_ =	shalt  }
0x5c: {  	_ =	shalt  }
0x5d: {  	_ =	shalt  }
0x5e: {  	_ =	shalt  }
0x5f: {  	_ =	shalt  }
0x60: {  	_ =	shalt  }
0x61: {  	_ =	shalt  }
0x62: {  	_ =	shalt  }
0x63: {  	_ =	shalt  }
0x64: {  	_ =	shalt  }
0x65: {  	_ =	shalt  }
0x66: {  	_ =	shalt  }
0x67: {  	_ =	shalt  }
0x68: {  	_ =	shalt  }
0x69: {  	_ =	shalt  }
0x6a: {  	_ =	shalt  }
0x6b: {  	_ =	shalt  }
0x6c: {  	_ =	shalt  }
0x6d: {  	_ =	shalt  }
0x6e: {  	_ =	shalt  }
0x6f: {  	_ =	shalt  }
0x70: {  	_ =	shalt  }
0x71: {  	_ =	shalt  }
0x72: {  	_ =	shalt  }
0x73: {  	_ =	shalt  }
0x74: {  	_ =	shalt  }
0x75: {  	_ =	shalt  }
0x76: {  	_ =	shalt  }
0x77: {  	_ =	shalt  }
0x78: {  	_ =	shalt  }
0x79: {  	_ =	shalt  }
0x7a: {  	_ =	shalt  }
0x7b: {  	_ =	shalt  }
0x7c: {  	_ =	shalt  }
0x7d: {  	_ =	shalt  }
0x7e: {  	_ =	shalt  }
0x7f: {  	_ =	shalt  }
0x80: {  	_ =	shalt  }
0x81: {  	_ =	shalt  }
0x82: {  	_ =	shalt  }
0x83: {  	_ =	shalt  }
0x84: {  	_ =	shalt  }
0x85: {  	_ =	shalt  }
0x86: {  	_ =	shalt  }
0x87: {  	_ =	shalt  }
.Lfunc_end0:
.L_simem_size_0:
called_computation.1_lowered:
.L_overlay_start_0:
0x88: {  	s2 =	sld [smem:$0x3FD9]  }
0x89: {  	s3 =	sld [smem:$0x3FFE];
	_ =	sdelay $0x1  }
0x8a: {  	s1 =	srdreg.scid  }
0x8b: {  	s0 =	sand.u32 $0x1, s1  }
0x8c: {  	s16 =	sshll.u32 s0, $0xA;
	s2 =	sadd.s32 s3, s2  }
0x8d: {  	s2 =	sadd.s32 s2, s16  }
0x8e: {  	[smem:$0x3FAC] =	sst s2  }
0x8f: {  	_ = 	snop  }
0x90: {  	(tm) =	ssettm $0x1  }
0x91: {  	s17 =	sld [smem:$0x3FFB];
	_ =	sdelay $0x3  }
0x92: {  	_ =	strace s17  }
0x93: {  	s2 =	sld [smem:$0x3FFC];
	_ =	sdelay $0x3  }
0x94: {  	_ =	strace s2  }
0x95: {  	s2 =	sld [smem:$0x3FFD];
	_ =	sdelay $0x3  }
0x96: {  	_ =	strace s2  }
0x97: {  	_ =	strace $0x8FFFFFFF  }
0x98: {  	s18 =	sld [smem:$0x3FDB];
	_ =	sdelay $0x1  }
0x99: {  	s19 =	simm.s32 $_scs_section_size  }
0x9a: {  	s4 =	simm.s32 $_size__tile_overlayer_lowered;
	s5 =	simm.s32 $_tile_overlayer_lowered  }
0x9b: {  	s22 =	simm.s32 $0x1BFF;
	s21 =	sshll.u32 s5, $0x1;
	s2 =	sadd.s32 s19, s18  }
0x9c: {  	s6 =	simm.s32 $0x0;
	s20 =	sshll.u32 s4, $0x1;
	s4 =	sadd.s32 s21, s2  }
0x9d: {  	[timem:s6], [sflag:s22] =	dma.local [hbm:s4], s20  }
0x9e: {  	_ =	swait.ge [sflag:s22], s20  }
0x9f: {  	s3 =	ssub.s32 $0x0, s20;
	[sflag:s22] =	ssyncset.done $0x0  }
0xa0: {  	[sflag:s22] =	ssyncadd.s32 s3;
	_ =	sdelay $0x1  }
0xa1: {  	s23 =	simm.s32 $0x1B8B  }
0xa2: {  	_ =	swait.ge [sflag:s23], $0x1  }
0xa3: {  	[sflag:s23] =	ssyncset.done $0x0  }
0xa4: {  	s25 =	simm.s32 $0x1B8E;
	s24 =	sld [smem:$0x3FFE];
	[sflag:s23] =	ssyncadd.s32 $0xFFFFFFFF  }
0xa5: {  	s26 =	simm.s32 $execute0_lowered;
	[smem:$0x3FD2] =	sst s25  }
0xa6: {  	s4 =	sshll.u32 s26, $0x1;
	_ =	strace $0x80000046;
	[dreg:$0x1] =	wrdreg $0xFFFFFFFF  }
0xa7: {  	s28 =	simm.s32 $_size_execute0_lowered;
	s2 =	sadd.s32 s2, s4;
	[dreg:$0x0] =	wrdreg $0x0  }
0xa8: {  	s4 =	sshll.u32 s28, $0x1;
	[dreg:$0x2] =	wrdreg s2  }
0xa9: {  	[dreg:$0x3] =	wrdreg s4  }
0xaa: {  	[dreg:$0x4] =	wrdreg $0xC0  }
0xab: {  	_ =	task [dreg:s6], $0x5FFFF  }
0xac: {  	[dreg:$0x1] =	wrdreg $0xFFFFFFFF  }
0xad: {  	[dreg:$0x0] =	wrdreg $0x60  }
0xae: {  	[dreg:$0x2] =	wrdreg s24  }
0xaf: {  	[dreg:$0x3] =	wrdreg $0x0  }
0xb0: {  	[dreg:$0x4] =	wrdreg $0xA  }
0xb1: {  	_ =	task.clear_ibuf [dreg:s6], $0x5FFFF;
	_ =	strace $0x90000046  }
0xb2: {  	s29 =	simm.s32 $0xA;
	_ =	strace $0x80000048  }
0xb3: {  	_ =	swait.ge [sflag:s29], $0x1  }
0xb4: {  	[sflag:s29] =	ssyncadd.s32 $0xFFFFFFFF  }
0xb5: {  	_ =	strace $0x90000048  }
0xb6: {  	_ =	sfence  }
0xb7: {  	s30 =	sld [smem:$0x0];
	_ =	sdelay $0x2  }
0xb8: {  	s31 =	sshll.u32 s1, $0xD;
	s1 =	sshrl.u32 s1, $0x2  }
0xb9: {  	s3 =	sand.u32 $0x4000, s31;
	s1 =	sadd.s32 s1, s30  }
0xba: {  	s0 =	sor.u32 s3, s0;
	s1 =	sshll.u32 s1, $0x11  }
0xbb: {  	s0 =	sor.u32 s1, s0  }
0xbc: {  	s0 =	sadd.s32 $0x8F2B, s0  }
0xbd: {  	[sflag:s0] =	ssyncadd.remote.s32 $0x1  }
0xbe: {  	_ =	sfence.sel $0xFFFF  }
0xbf: {  	[dreg:$0x0] =	wrdreg $0xFFFFFFFF;
	(pc) =	sbr.abs _section_cstart, $3  }
0xc0: {  	[dreg:$0x1] =	wrdreg $0xFFFFFFFF  }
0xc1: {  	_ =	task.clear_ibuf [dreg:s6], $0x2FFFF;
	_ =	strace $0x9FFFFFFF  }
0xc2: {  	(tm) =	ssettm $0x7FFFFFFF  }
0xc3: {  	_ =	shalt  }
tec
execute0_lowered:
.L_overlay_start_1:
0x0: {  	(tag) =	ssettag $0x1  }
0x1: {  	s0 =	rddreg [dreg:$0x0]  }
0x2: {  	s1 =	rddreg [dreg:$0x1];
	s2 =	simm.s32 $0x0  }
0x3: {  	s3 =	srdreg.scid;
	s16 =	stileid.u32;
	s28 =	simm.s32 $0x4  }
0x4: {  	s29 =	simm.s32 $0x1;
	s30 =	simm.s32 $0x5;
	s31 =	simm.s32 $0xD4D0  }
0x5: {  	[smem:$0x7FF] =	sst s2;
	s4 =	sadd.s32 $0xFA000, s0;
	s10 =	smul.u32 $0x30E00, s16  }
0x6: {  	s3 =	sand.u32 $0x1, s3;
	s6 =	sadd.s32 $0x1C800, s0;
	s12 =	smul.u32 $0xC350, s16  }
0x7: {  	s8 =	sadd.s32 $0x4000, s0;
	s5 =	sadd.s32 $0x35000, s0;
	s18 =	smul.u32 $0x18700, s16  }
0x8: {  	s0 =	sadd.s32 $0x12AE00, s0;
	s15 =	sadd.s32 $0xB7480, s1;
	s25 =	smul.u32 $0x186A, s16  }
0x9: {  	p0 =	seq.s32 s16, $0xF;
	_ =	strace $0x80000047;
	s7 =	smul.u32 $0xC350, s3  }
0xa: {  	s9 =	ssub.s32 $0x2, s3;
	s3 =	smul.u32 $0x186A00, s3;
	s15 =	sshrl.u32 @p0 s15, $0x3  }
0xb: {  	s11 =	sshrl.u32 s9, $0x1;
	s10 =	sshrl.u32 s10, $0x2;
	s14 =	sshrl.u32 s12, $0x3  }
0xc: {  	s24 =	sshrl.u32 s18, $0x1;
	s9 =	ssub.s32 s9, s11;
	s17 =	sadd.s32 s10, s1  }
0xd: {  	s19 =	sadd.s32 s6, s14;
	s20 =	sadd.s32 s8, s14;
	s21 =	sadd.s32 $0x1860, s14  }
0xe: {  	s22 =	sadd.s32 s18, s3;
	s3 =	sshrl.u32 s3, $0x4;
	s24 =	sadd.s32 s24, s1  }
0xf: {  	s14 =	sadd.s32 s25, s6;
	s18 =	simm.s32 $0xD350;
	[dreg:$0x3] =	wrdreg s19  }
0x10: {  	v0 =	vmov s7;
	s7 =	simm.s32 $0x50;
	[dreg:$0x4] =	wrdreg s20;
	s13 =	sadd.s32 s6, s21  }
0x11: {  	s10 =	sadd.s32 s8, s21;
	s23 =	sshrl.u32 s22, $0x4;
	s26 =	smax.u32 s9, $0x1  }
0x12: {  	s17 =	sshrl.u32 @!p0 s17, $0x3;
	s19 =	simm.s32 $0xD550;
	s20 =	simm.s32 $0xD3D0  }
0x13: {  	s21 =	simm.s32 $0xD5D0;
	s22 =	simm.s32 $0x3;
	[dreg:$0x5] =	wrdreg s13  }
0x14: {  	s24 =	sshrl.u32 @!p0 s24, $0x3;
	s6 =	simm.s32 $0xD650;
	[dreg:$0x6] =	wrdreg s10  }
0x15: {  	s10 =	sadd.s32 s0, s23;
	s0 =	sadd.s32 s0, s3;
	[dreg:$0x9] =	wrdreg s26  }
0x16: {  	s13 =	sadd.s32 s25, s8;
	s23 =	simm.s32 $0x80;
	s25 =	simm.s32 $0xD450  }
0x17: {  	s26 =	simm.s32 $0xC350;
	s3 =	simm.s32 $0x2;
	s0 =	sadd.s32 $0x16E90, s0  }
0x18: {  	s8 =	simm.s32 $0x0;
	[dreg:$0x8] =	wrdreg s0;
	s0 =	sshll.u32 @!p0 s16, $0x6  }
0x19: {  	[dreg:$0x7] =	wrdreg s10;
	s16 =	sor.u32 @!p0 $0x1C05, s0;
	s0 =	simm.s32 $0xCB50  }
.LBB2_1:
0x1a: {  	s9 =	simm.s32 @p0 $0x1FC5  }
0x1b: {  	[spmem:s15], [sflag:s9] =	dma.local @p0 [hbm:s5], $0x1810  }
0x1c: {  	s9 =	simm.s32 @p0 $0x5  }
0x1d: {  	_ =	swait.ge @p0 [sflag:s9], $0x1810  }
0x1e: {  	[sflag:s9] =	ssyncset.done @p0 $0x0  }
0x1f: {  	[sflag:s9] =	ssyncadd.s32 @p0 $0xFFFFE7F0;
	s9 =	simm.s32 @!p0 $0x5  }
0x20: {  	[spmem:s17], [sflag:s16] =	dma.local @!p0 [hbm:s5], $0x1870  }
0x21: {  	_ =	swait.ge @!p0 [sflag:s9], $0x1870  }
0x22: {  	[sflag:s9] =	ssyncset.done @!p0 $0x0  }
0x23: {  	[sflag:s9] =	ssyncadd.s32 @!p0 $0xFFFFE790  }
0x24: {  	[bflag:$0x0] =	sbarrier.arrive $0xFFFF  }
0x25: {  	s11 =	rddreg [dreg:$0x3]  }
0x26: {  	[tilespmem:s18], [sflag:$0x3] =	stream.linear.gather [hbm4b:s11+s2], $0x80, $0x38;
	[tilespmem:$0xD6A0] =	vst v63  }
0x27: {  	s9 =	simm.s32 $0x0;
	s12 =	rddreg [dreg:$0x4]  }
0x28: {  	[tilespmem:s19], [sflag:$0x3] =	stream.linear.gather [hbm4b:s12+s2], $0x80, $0x38;
	[tilespmem:$0xD6A0] =	vst v63  }
.LBB2_2:
0x29: {  	p1 =	seq.s32 s9, $0x0  }
0x2a: {  	s10 =	simm.s32 @!p1 $0x2  }
0x2b: {  	_ =	swait.ge @!p1 [sflag:s10], $0x800  }
0x2c: {  	s11 =	simm.s32 @!p1 $0xD5D0;
	[sflag:s10] =	ssyncset.done @!p1 $0x0  }
0x2d: {  	s12 =	simm.s32 @!p1 $0xCB50;
	[sflag:s10] =	ssyncadd.s32 @!p1 $0xFFFFF800;
	s10 =	simm.s32 @!p1 $0x80  }
0x2e: {  	[spmem:s1] =	stream.indirect.scatter.add.bf16 @!p1 [tilespmem:s12], [sflag:$0x5], $0x10, s11, s10, $0xb8;
	[tilespmem:$0xD6A0] =	vst v63  }
0x2f: {  	s10 =	simm.s32 @!p1 $0x5  }
0x30: {  	_ =	swait.ge @!p1 [sflag:s10], $0x800  }
0x31: {  	s12 =	sadd.s32 s9, s14;
	[sflag:s10] =	ssyncset.done @!p1 $0x0  }
0x32: {  	s11 =	sadd.s32 $0x10, s12;
	s12 =	sadd.s32 s9, s13;
	[sflag:s10] =	ssyncadd.s32 @!p1 $0xFFFFF800  }
0x33: {  	[tilespmem:s20], [sflag:$0x4] =	stream.linear.gather [hbm4b:s11+s2], $0x80, $0x38;
	[tilespmem:$0xD6A0] =	vst v63  }
0x34: {  	s10 =	sadd.s32 $0x10, s12  }
0x35: {  	[tilespmem:s21], [sflag:$0x4] =	stream.linear.gather [hbm4b:s10+s2], $0x80, $0x38;
	[tilespmem:$0xD6A0] =	vst v63  }
0x36: {  	_ =	swait.ge [sflag:s22], $0x80  }
0x37: {  	[sflag:s22] =	ssyncset.done $0x0  }
0x38: {  	[sflag:s22] =	ssyncadd.s32 $0xFFFFFF80  }
0x39: {  	_ =	swait.ge [sflag:s22], $0x80  }
0x3a: {  	[sflag:s22] =	ssyncset.done $0x0  }
0x3b: {  	[sflag:s22] =	ssyncadd.s32 $0xFFFFFF80  }
0x3c: {  	v1 =	vld [tilespmem:$0xD350]  }
0x3d: {  	v2 =	vld [tilespmem:$0xD360]  }
0x3e: {  	v3 =	vld [tilespmem:$0xD370]  }
0x3f: {  	v4 =	vld [tilespmem:$0xD380]  }
0x40: {  	v5 =	vld [tilespmem:$0xD390]  }
0x41: {  	v6 =	vld [tilespmem:$0xD3A0];
	v1 =	vadd.s32 v0, v1  }
0x42: {  	[tilespmem:$0xD450] =	vst v1;
	v1 =	vadd.s32 v0, v2;
	v2 =	vld [tilespmem:$0xD3B0]  }
0x43: {  	[tilespmem:$0xD460] =	vst v1;
	v1 =	vadd.s32 v0, v3;
	v3 =	vld [tilespmem:$0xD3C0]  }
0x44: {  	[tilespmem:$0xD470] =	vst v1;
	v1 =	vadd.s32 v0, v4  }
0x45: {  	[tilespmem:$0xD480] =	vst v1;
	v1 =	vadd.s32 v0, v5  }
0x46: {  	[tilespmem:$0xD490] =	vst v1;
	v1 =	vadd.s32 v0, v6  }
0x47: {  	[tilespmem:$0xD4A0] =	vst v1;
	v1 =	vadd.s32 v0, v2  }
0x48: {  	[tilespmem:$0xD4B0] =	vst v1;
	v1 =	vadd.s32 v0, v3  }
0x49: {  	[tilespmem:$0xD4C0] =	vst v1  }
0x4a: {  	[tilespmem:s26], [sflag:$0x1] =	stream.indirect.gather [hbm4b:s4+s23], $0x10, s25, s23, $0xb8;
	[tilespmem:$0xD6A0] =	vst v63  }
0x4b: {  	_ =	swait.ge [sflag:s28], $0x80  }
0x4c: {  	[sflag:s28] =	ssyncset.done $0x0  }
0x4d: {  	[sflag:s28] =	ssyncadd.s32 $0xFFFFFF80  }
0x4e: {  	_ =	swait.ge [sflag:s28], $0x80  }
0x4f: {  	[sflag:s28] =	ssyncset.done $0x0  }
0x50: {  	[sflag:s28] =	ssyncadd.s32 $0xFFFFFF80  }
0x51: {  	v1 =	vld [tilespmem:$0xD3D0]  }
0x52: {  	v2 =	vld [tilespmem:$0xD3E0]  }
0x53: {  	v3 =	vld [tilespmem:$0xD3F0]  }
0x54: {  	v61 =	vld [tilespmem:$0xD400]  }
0x55: {  	v62 =	vld [tilespmem:$0xD410]  }
0x56: {  	v63 =	vld [tilespmem:$0xD420];
	v1 =	vadd.s32 v0, v1  }
0x57: {  	[tilespmem:$0xD4D0] =	vst v1;
	v1 =	vadd.s32 v0, v2;
	v2 =	vld [tilespmem:$0xD430]  }
0x58: {  	[tilespmem:$0xD4E0] =	vst v1;
	v1 =	vadd.s32 v0, v3;
	v3 =	vld [tilespmem:$0xD440]  }
0x59: {  	[tilespmem:$0xD4F0] =	vst v1;
	v1 =	vadd.s32 v0, v61  }
0x5a: {  	[tilespmem:$0xD500] =	vst v1;
	v1 =	vadd.s32 v0, v62  }
0x5b: {  	[tilespmem:$0xD510] =	vst v1;
	v1 =	vadd.s32 v0, v63  }
0x5c: {  	[tilespmem:$0xD520] =	vst v1;
	v1 =	vadd.s32 v0, v2  }
0x5d: {  	[tilespmem:$0xD530] =	vst v1;
	v1 =	vadd.s32 v0, v3  }
0x5e: {  	[tilespmem:$0xD540] =	vst v1  }
0x5f: {  	_ =	swait.ge [sflag:s29], $0x800  }
0x60: {  	[sflag:s29] =	ssyncset.done $0x0  }
0x61: {  	[sflag:s29] =	ssyncadd.s32 $0xFFFFF800  }
0x62: {  	[spmem:s1] =	stream.indirect.scatter.add.bf16 [tilespmem:s26], [sflag:$0x5], $0x10, s19, s23, $0xb8;
	[tilespmem:$0xD6A0] =	vst v63  }
0x63: {  	_ =	swait.ge [sflag:s30], $0x800  }
0x64: {  	p1 =	seq.s32 s9, $0x1840;
	[sflag:s30] =	ssyncset.done $0x0  }
0x65: {  	s10 =	sadd.s32 @!p1 s9, s14;
	[sflag:s30] =	ssyncadd.s32 $0xFFFFF800  }
0x66: {  	[tilespmem:s0], [sflag:$0x2] =	stream.indirect.gather [hbm4b:s4+s23], $0x10, s31, s23, $0xb8;
	[tilespmem:$0xD6A0] =	vst v63  }
0x67: {  	s11 =	simm.s32 @!p1 $0x0;
	s12 =	simm.s32 @!p1 $0xD350;
	s10 =	sadd.s32 @!p1 $0x20, s10  }
0x68: {  	[tilespmem:s12], [sflag:$0x3] =	stream.linear.gather @!p1 [hbm4b:s10+s11], $0x80, $0x38;
	[tilespmem:$0xD6A0] =	vst v63  }
0x69: {  	s10 =	sadd.s32 @!p1 s9, s13;
	s9 =	sadd.s32 @!p1 $0x20, s9  }
0x6a: {  	s12 =	simm.s32 @!p1 $0xD550;
	s10 =	sadd.s32 @!p1 $0x20, s10;
	p2 =	sne.s32 @!p1 s9, $0x1860  }
0x6b: {  	[tilespmem:s12], [sflag:$0x3] =	stream.linear.gather @!p1 [hbm4b:s10+s11], $0x80, $0x38;
	[tilespmem:$0xD6A0] =	vst v63  }
0x6c: {  	p1 =	por p1, !p2  }
.Ltmp0:
0x6d: {  	_ = 	snop;
	(pc) =	sbr.rel @!p1 .LBB2_2-.Ltmp0, $1  }
0x6e: {  	_ =	sdelay $0x3  }
0x6f: {  	_ =	swait.ge [sflag:s3], $0x800  }
0x70: {  	[sflag:s3] =	ssyncset.done $0x0  }
0x71: {  	[sflag:s3] =	ssyncadd.s32 $0xFFFFF800  }
0x72: {  	[spmem:s1] =	stream.indirect.scatter.add.bf16 [tilespmem:s0], [sflag:$0x5], $0x10, s21, s23, $0xb8;
	[tilespmem:$0xD6A0] =	vst v63  }
0x73: {  	_ =	swait.ge [sflag:s30], $0x800  }
0x74: {  	[sflag:s30] =	ssyncset.done $0x0  }
0x75: {  	s9 =	rddreg [dreg:$0x5];
	[sflag:s30] =	ssyncadd.s32 $0xFFFFF800  }
0x76: {  	[tilespmem:s18], [sflag:$0x5] =	stream.linear.gather [hbm4b:s9+s2], $0x50, $0x38;
	[tilespmem:$0xD6A0] =	vst v63  }
0x77: {  	_ =	swait.ge [sflag:s30], $0x50  }
0x78: {  	[sflag:s30] =	ssyncset.done $0x0  }
0x79: {  	s11 =	rddreg [dreg:$0x6];
	[sflag:s30] =	ssyncadd.s32 $0xFFFFFFB0  }
0x7a: {  	[tilespmem:s6], [sflag:$0x5] =	stream.linear.gather [hbm4b:s11+s2], $0x50, $0x38;
	[tilespmem:$0xD6A0] =	vst v63  }
0x7b: {  	_ =	swait.ge [sflag:s30], $0x50  }
0x7c: {  	[sflag:s30] =	ssyncset.done $0x0  }
0x7d: {  	[sflag:s30] =	ssyncadd.s32 $0xFFFFFFB0  }
0x7e: {  	v1 =	vld [tilespmem:$0xD350]  }
0x7f: {  	v2 =	vld [tilespmem:$0xD360]  }
0x80: {  	v3 =	vld [tilespmem:$0xD370]  }
0x81: {  	v4 =	vld [tilespmem:$0xD380]  }
0x82: {  	v5 =	vld [tilespmem:$0xD390]  }
0x83: {  	v1 =	vadd.s32 v0, v1  }
0x84: {  	[tilespmem:$0xD450] =	vst v1;
	v1 =	vadd.s32 v0, v2  }
0x85: {  	[tilespmem:$0xD460] =	vst v1;
	v1 =	vadd.s32 v0, v3  }
0x86: {  	[tilespmem:$0xD470] =	vst v1;
	v1 =	vadd.s32 v0, v4  }
0x87: {  	[tilespmem:$0xD480] =	vst v1;
	v1 =	vadd.s32 v0, v5  }
0x88: {  	[tilespmem:$0xD490] =	vst v1  }
0x89: {  	[tilespmem:s26], [sflag:$0x1] =	stream.indirect.gather [hbm4b:s4+s7], $0x10, s25, s7, $0xb8;
	[tilespmem:$0xD6A0] =	vst v63  }
0x8a: {  	_ =	swait.ge [sflag:s29], $0x500  }
0x8b: {  	[sflag:s29] =	ssyncset.done $0x0  }
0x8c: {  	[sflag:s29] =	ssyncadd.s32 $0xFFFFFB00  }
0x8d: {  	[spmem:s1] =	stream.indirect.scatter.add.bf16 [tilespmem:s26], [sflag:$0x5], $0x10, s6, s7, $0xb8;
	[tilespmem:$0xD6A0] =	vst v63  }
0x8e: {  	_ =	swait.ge [sflag:s30], $0x500  }
0x8f: {  	[sflag:s30] =	ssyncset.done $0x0  }
0x90: {  	[sflag:s30] =	ssyncadd.s32 $0xFFFFFB00  }
0x91: {  	[bflag:$0x0] =	sbarrier.arrive $0xFFFF  }
0x92: {  	s9 =	simm.s32 @p0 $0x1FC5;
	s10 =	rddreg [dreg:$0x8]  }
0x93: {  	[hbm:s10], [sflag:s9] =	dma.local @p0 [spmem:s15], $0x1810  }
0x94: {  	s9 =	simm.s32 @p0 $0x5  }
0x95: {  	_ =	swait.ge @p0 [sflag:s9], $0x1810  }
0x96: {  	[sflag:s9] =	ssyncset.done @p0 $0x0  }
0x97: {  	[sflag:s9] =	ssyncadd.s32 @p0 $0xFFFFE7F0;
	s9 =	rddreg [dreg:$0x7]  }
0x98: {  	[hbm:s9], [sflag:s16] =	dma.local @!p0 [spmem:s24], $0x1870  }
0x99: {  	s9 =	simm.s32 @!p0 $0x5  }
0x9a: {  	_ =	swait.ge @!p0 [sflag:s9], $0x1870  }
0x9b: {  	s8 =	sadd.s32 $0x1, s8;
	s12 =	rddreg [dreg:$0x9]  }
0x9c: {  	p1 =	sne.s32 s8, s12  }
.Ltmp1:
0x9d: {  	_ = 	snop;
	(pc) =	sbr.rel @p1 .LBB2_1-.Ltmp1, $3  }
0x9e: {  	_ =	sdelay $0x1  }
0x9f: {  	[sflag:s9] =	ssyncset.done @!p0 $0x0  }
0xa0: {  	[sflag:s9] =	ssyncadd.s32 @!p0 $0xFFFFE790  }
0xa1: {  	_ =	sfence.sel $0x180000  }
0xa2: {  	[bflag:$0x0] =	sbarrier.arrive $0xFFFF  }
0xa3: {  	_ =	strace $0x90000047  }
0xa4: {  	s0 =	stileid.u32;
	[bflag:$0x2] =	sbarrier.arrive $0xFFFF  }
0xa5: {  	p0 =	sne.s32 s0, $0x0;
	s0 =	rddreg [dreg:$0x2]  }
0xa6: {  	s0 =	sadd.s32 @!p0 $0x100000, s0  }
0xa7: {  	[sflag:s0] =	ssyncadd.tile.s32 @!p0 $0x1;
	_ =	shalt  }
.Lfunc_end2:
_tile_overlayer_lowered:
.L_overlay_start_2:
0xa8: {  	(tag) =	ssettag $0x2  }
0xa9: {  	s0 =	rddreg [dreg:$0x0];
	s2 =	stileid.u32  }
0xaa: {  	s1 =	rddreg [dreg:$0x1];
	p0 =	sne.s32 s2, $0x0  }
0xab: {  	s3 =	rddreg [dreg:$0x2];
	[bflag:$0x3] =	sbarrier.arrive $0xFFFF;
	s2 =	simm.s32 @!p0 $0x1C05  }
0xac: {  	[timem:s3], [sflag:s2] =	dma.local @!p0 [hbm:s0], s1  }
0xad: {  	s0 =	simm.s32 @!p0 $0x5  }
0xae: {  	_ =	swait.ge @!p0 [sflag:s0], s1  }
0xaf: {  	s1 =	ssub.s32 @!p0 $0x0, s1;
	[sflag:s0] =	ssyncset.done @!p0 $0x0  }
0xb0: {  	[sflag:s0] =	ssyncadd.s32 @!p0 s1  }
0xb1: {  	[bflag:$0x3] =	sbarrier.arrive $0xFFFF  }
0xb2: {  	_ =	shalt  }

// kernel: kernel.16.cloned.1.call-start
scs
__scs_entry_jumppad:
0x0: {  	(pc) =	sbr.rel $0x88, $3  }
0x1: {  	(tag) =	ssettag $0x0;
	lr =	simm.s32 $0x1  }
0x2: {  	[smem:$0x3F85] =	sst lr;
	_ =	strace $0xD0000000  }
0x3: {  	_ = 	snop  }
0x4: {  	_ = 	snop  }
0x5: {  	_ = 	snop  }
0x6: {  	_ = 	snop  }
0x7: {  	_ = 	snop  }
__scs_overlays_trampoline_lowered:
0x8: {  	[smem:$0x3F94] =	sst s0  }
0x9: {  	[smem:$0x3F95] =	sst s1  }
0xa: {  	[smem:$0x3F96] =	sst s2  }
0xb: {  	[smem:$0x3F97] =	sst s3  }
0xc: {  	[smem:$0x3F98] =	sst s4  }
0xd: {  	[smem:$0x3F99] =	sst s5  }
0xe: {  	[smem:$0x3F9A] =	sst s6  }
0xf: {  	[smem:$0x3F9B] =	sst s7  }
0x10: {  	[smem:$0x3F9C] =	sst s8  }
0x11: {  	[smem:$0x3F9D] =	sst s9;
	s0 =	simm.s32 @!p0 $0x0  }
0x12: {  	s1 =	sld [smem:$0x3F83];
	s0 =	simm.s32 @p0 $0x1  }
0x13: {  	[smem:$0x3F9E] =	sst s0;
	s0 =	simm.s32 @!p1 $0x0  }
0x14: {  	s2 =	sld [smem:$0x3F82];
	s0 =	simm.s32 @p1 $0x1  }
0x15: {  	[smem:$0x3F9F] =	sst s0;
	s0 =	simm.s32 @!p2 $0x0  }
0x16: {  	s3 =	sld [smem:$0x3FDB];
	s0 =	simm.s32 @p2 $0x1  }
0x17: {  	s4 =	simm.s32 $0x1BF5;
	[smem:$0x3FA1] =	sst s0  }
0x18: {  	s0 =	sld [smem:$0x3F84];
	_ =	swait.ge [sflag:s4], $0x0  }
0x19: {  	s7 =	sld [smem:$0x3F85]  }
0x1a: {  	s8 =	sadd.s32 $0xFFFFE003, lr  }
0x1b: {  	s9 =	sadd.s32 $0xFFFFFEF7, lr;
	s5 =	simm.s32 $0xFFFFFFFF;
	p2 =	slt.u32 s8, $0xFFFFF086  }
0x1c: {  	p1 =	slt.u32 s9, $0xF7A;
	s5 =	simm.s32 @!p2 $0x0  }
0x1d: {  	s5 =	simm.s32 @p1 $0x1;
	p0 =	seq.s32 s7, s2  }
0x1e: {  	s7 =	smul.u32 @!p0 $0xF7A, s2;
	p2 =	seq.s32 @!p0 s5, $0x0  }
0x1f: {  	s9 =	smul.u32 $0xF7A, s1;
	s8 =	simm.s32 @!p0 $0x1BF5;
	p2 =	por !p2, p0  }
0x20: {  	[sflag:s8] =	ssyncset.s32 @!p0 $0xFFFFF086;
	s6 =	sadd.s32 @!p0 s3, s7;
	s7 =	simm.s32 @!p0 $0x108  }
0x21: {  	s3 =	sadd.s32 s3, s9;
	s6 =	sadd.s32 @!p0 $0x88, s6;
	s7 =	simm.s32 @p2 $0x1082  }
0x22: {  	[simem:s7], [sflag:s8] =	dma.local @!p0 [hbm:s6], $0xF7A  }
0x23: {  	s9 =	sor.u32 $0xD0000000, s2;
	s6 =	simm.s32 $0x108;
	_ =	swait.ge @!p0 [sflag:s8], $0x0  }
0x24: {  	s3 =	sadd.s32 $0x88, s3;
	s6 =	simm.s32 @!p1 $0x1082;
	[sflag:s4] =	ssyncset.s32 $0xFFFFF086  }
0x25: {  	[simem:s6], [sflag:s4] =	dma.local [hbm:s3], $0xF7A  }
0x26: {  	[smem:$0x3F85] =	sst s1;
	(tag) =	ssettag s2;
	_ =	strace s9  }
0x27: {  	s1 =	sld [smem:$0x3F95]  }
0x28: {  	s2 =	sld [smem:$0x3F96]  }
0x29: {  	s4 =	sld [smem:$0x3F98]  }
0x2a: {  	p0 =	seq.s32 s5, $0x0;
	s5 =	sld [smem:$0x3F99]  }
0x2b: {  	s6 =	sld [smem:$0x3F9A]  }
0x2c: {  	s7 =	sld [smem:$0x3F9B]  }
0x2d: {  	s3 =	simm.s32 $0x108;
	s8 =	sld [smem:$0x3F9C]  }
0x2e: {  	s3 =	simm.s32 @!p0 $0x1082;
	s9 =	sld [smem:$0x3F9D]  }
0x2f: {  	lr =	sadd.s32 s0, s3;
	s0 =	sld [smem:$0x3F94]  }
0x30: {  	s3 =	sld [smem:$0x3F97]  }
0x31: {  	[smem:$0x3FA0] =	sst s10  }
0x32: {  	s10 =	sld [smem:$0x3F9E];
	_ =	sdelay $0x3  }
0x33: {  	p0 =	seq.s32 s10, $0x1;
	s10 =	sld [smem:$0x3FA0];
	_ =	sdelay $0x3  }
0x34: {  	[smem:$0x3FA0] =	sst s10  }
0x35: {  	s10 =	sld [smem:$0x3F9F];
	_ =	sdelay $0x3  }
0x36: {  	p1 =	seq.s32 s10, $0x1;
	s10 =	sld [smem:$0x3FA0];
	_ =	sdelay $0x3  }
0x37: {  	[smem:$0x3FA0] =	sst s10  }
0x38: {  	s10 =	sld [smem:$0x3FA1]  }
0x39: {  	_ = 	snop;
	(pc) =	sbr.ind lr, $3  }
0x3a: {  	_ = 	snop  }
0x3b: {  	_ = 	snop  }
0x3c: {  	p2 =	seq.s32 s10, $0x1;
	s10 =	sld [smem:$0x3FA0]  }
0x3d: {  	_ =	shalt  }
0x3e: {  	_ =	shalt  }
0x3f: {  	_ =	shalt  }
0x40: {  	_ =	shalt  }
0x41: {  	_ =	shalt  }
0x42: {  	_ =	shalt  }
0x43: {  	_ =	shalt  }
0x44: {  	_ =	shalt  }
0x45: {  	_ =	shalt  }
0x46: {  	_ =	shalt  }
0x47: {  	_ =	shalt  }
0x48: {  	_ =	shalt  }
0x49: {  	_ =	shalt  }
0x4a: {  	_ =	shalt  }
0x4b: {  	_ =	shalt  }
0x4c: {  	_ =	shalt  }
0x4d: {  	_ =	shalt  }
0x4e: {  	_ =	shalt  }
0x4f: {  	_ =	shalt  }
0x50: {  	_ =	shalt  }
0x51: {  	_ =	shalt  }
0x52: {  	_ =	shalt  }
0x53: {  	_ =	shalt  }
0x54: {  	_ =	shalt  }
0x55: {  	_ =	shalt  }
0x56: {  	_ =	shalt  }
0x57: {  	_ =	shalt  }
0x58: {  	_ =	shalt  }
0x59: {  	_ =	shalt  }
0x5a: {  	_ =	shalt  }
0x5b: {  	_ =	shalt  }
0x5c: {  	_ =	shalt  }
0x5d: {  	_ =	shalt  }
0x5e: {  	_ =	shalt  }
0x5f: {  	_ =	shalt  }
0x60: {  	_ =	shalt  }
0x61: {  	_ =	shalt  }
0x62: {  	_ =	shalt  }
0x63: {  	_ =	shalt  }
0x64: {  	_ =	shalt  }
0x65: {  	_ =	shalt  }
0x66: {  	_ =	shalt  }
0x67: {  	_ =	shalt  }
0x68: {  	_ =	shalt  }
0x69: {  	_ =	shalt  }
0x6a: {  	_ =	shalt  }
0x6b: {  	_ =	shalt  }
0x6c: {  	_ =	shalt  }
0x6d: {  	_ =	shalt  }
0x6e: {  	_ =	shalt  }
0x6f: {  	_ =	shalt  }
0x70: {  	_ =	shalt  }
0x71: {  	_ =	shalt  }
0x72: {  	_ =	shalt  }
0x73: {  	_ =	shalt  }
0x74: {  	_ =	shalt  }
0x75: {  	_ =	shalt  }
0x76: {  	_ =	shalt  }
0x77: {  	_ =	shalt  }
0x78: {  	_ =	shalt  }
0x79: {  	_ =	shalt  }
0x7a: {  	_ =	shalt  }
0x7b: {  	_ =	shalt  }
0x7c: {  	_ =	shalt  }
0x7d: {  	_ =	shalt  }
0x7e: {  	_ =	shalt  }
0x7f: {  	_ =	shalt  }
0x80: {  	_ =	shalt  }
0x81: {  	_ =	shalt  }
0x82: {  	_ =	shalt  }
0x83: {  	_ =	shalt  }
0x84: {  	_ =	shalt  }
0x85: {  	_ =	shalt  }
0x86: {  	_ =	shalt  }
0x87: {  	_ =	shalt  }
.Lfunc_end0:
.L_simem_size_0:
called_computation.2_lowered:
.L_overlay_start_0:
0x88: {  	s2 =	sld [smem:$0x3FD9]  }
0x89: {  	s3 =	sld [smem:$0x3FFE];
	_ =	sdelay $0x1  }
0x8a: {  	s1 =	srdreg.scid  }
0x8b: {  	s0 =	sand.u32 $0x1, s1  }
0x8c: {  	s16 =	sshll.u32 s0, $0xA;
	s2 =	sadd.s32 s3, s2  }
0x8d: {  	s2 =	sadd.s32 s2, s16  }
0x8e: {  	[smem:$0x3FAC] =	sst s2  }
0x8f: {  	_ = 	snop  }
0x90: {  	(tm) =	ssettm $0x1  }
0x91: {  	s17 =	sld [smem:$0x3FFB];
	_ =	sdelay $0x3  }
0x92: {  	_ =	strace s17  }
0x93: {  	s2 =	sld [smem:$0x3FFC];
	_ =	sdelay $0x3  }
0x94: {  	_ =	strace s2  }
0x95: {  	s2 =	sld [smem:$0x3FFD];
	_ =	sdelay $0x3  }
0x96: {  	_ =	strace s2  }
0x97: {  	_ =	strace $0x8FFFFFFF  }
0x98: {  	s18 =	sld [smem:$0x3FDB];
	_ =	sdelay $0x1  }
0x99: {  	s19 =	simm.s32 $_scs_section_size  }
0x9a: {  	s4 =	simm.s32 $_size__tile_overlayer_lowered;
	s5 =	simm.s32 $_tile_overlayer_lowered  }
0x9b: {  	s22 =	simm.s32 $0x1BFF;
	s21 =	sshll.u32 s5, $0x1;
	s2 =	sadd.s32 s19, s18  }
0x9c: {  	s6 =	simm.s32 $0x0;
	s20 =	sshll.u32 s4, $0x1;
	s4 =	sadd.s32 s21, s2  }
0x9d: {  	[timem:s6], [sflag:s22] =	dma.local [hbm:s4], s20  }
0x9e: {  	_ =	swait.ge [sflag:s22], s20  }
0x9f: {  	s3 =	ssub.s32 $0x0, s20;
	[sflag:s22] =	ssyncset.done $0x0  }
0xa0: {  	[sflag:s22] =	ssyncadd.s32 s3;
	_ =	sdelay $0x1  }
0xa1: {  	s23 =	simm.s32 $0x1B8B  }
0xa2: {  	_ =	swait.ge [sflag:s23], $0x1  }
0xa3: {  	[sflag:s23] =	ssyncset.done $0x0  }
0xa4: {  	s25 =	simm.s32 $0x1B8E;
	s24 =	sld [smem:$0x3FFE];
	[sflag:s23] =	ssyncadd.s32 $0xFFFFFFFF  }
0xa5: {  	s26 =	simm.s32 $execute0_lowered;
	[smem:$0x3FD2] =	sst s25  }
0xa6: {  	s4 =	sshll.u32 s26, $0x1;
	_ =	strace $0x8000004C;
	[dreg:$0x1] =	wrdreg $0xFFFFFFFF  }
0xa7: {  	s28 =	simm.s32 $_size_execute0_lowered;
	s2 =	sadd.s32 s2, s4;
	[dreg:$0x0] =	wrdreg $0x0  }
0xa8: {  	s4 =	sshll.u32 s28, $0x1;
	[dreg:$0x2] =	wrdreg s2  }
0xa9: {  	[dreg:$0x3] =	wrdreg s4  }
0xaa: {  	[dreg:$0x4] =	wrdreg $0xC0  }
0xab: {  	_ =	task [dreg:s6], $0x5FFFF  }
0xac: {  	[dreg:$0x1] =	wrdreg $0xFFFFFFFF  }
0xad: {  	[dreg:$0x0] =	wrdreg $0x60  }
0xae: {  	[dreg:$0x2] =	wrdreg s24  }
0xaf: {  	[dreg:$0x3] =	wrdreg $0x0  }
0xb0: {  	[dreg:$0x4] =	wrdreg $0x9  }
0xb1: {  	_ =	task.clear_ibuf [dreg:s6], $0x5FFFF;
	_ =	strace $0x9000004C  }
0xb2: {  	s29 =	simm.s32 $0x9;
	_ =	strace $0x8000004E  }
0xb3: {  	_ =	swait.ge [sflag:s29], $0x1  }
0xb4: {  	[sflag:s29] =	ssyncadd.s32 $0xFFFFFFFF  }
0xb5: {  	_ =	strace $0x9000004E  }
0xb6: {  	_ =	sfence  }
0xb7: {  	s30 =	sld [smem:$0x0];
	_ =	sdelay $0x2  }
0xb8: {  	s31 =	sshll.u32 s1, $0xD;
	s1 =	sshrl.u32 s1, $0x2  }
0xb9: {  	s3 =	sand.u32 $0x4000, s31;
	s1 =	sadd.s32 s1, s30  }
0xba: {  	s0 =	sor.u32 s3, s0;
	s1 =	sshll.u32 s1, $0x11  }
0xbb: {  	s0 =	sor.u32 s1, s0  }
0xbc: {  	s0 =	sadd.s32 $0x8F2B, s0  }
0xbd: {  	[sflag:s0] =	ssyncadd.remote.s32 $0x1  }
0xbe: {  	_ =	sfence.sel $0xFFFF  }
0xbf: {  	[dreg:$0x0] =	wrdreg $0xFFFFFFFF;
	(pc) =	sbr.abs _section_cstart, $3  }
0xc0: {  	[dreg:$0x1] =	wrdreg $0xFFFFFFFF  }
0xc1: {  	_ =	task.clear_ibuf [dreg:s6], $0x2FFFF;
	_ =	strace $0x9FFFFFFF  }
0xc2: {  	(tm) =	ssettm $0x7FFFFFFF  }
0xc3: {  	_ =	shalt  }
tec
execute0_lowered:
.L_overlay_start_1:
0x0: {  	(tag) =	ssettag $0x1  }
0x1: {  	s0 =	rddreg [dreg:$0x0]  }
0x2: {  	s1 =	rddreg [dreg:$0x1];
	s2 =	simm.s32 $0x0  }
0x3: {  	s3 =	srdreg.scid;
	s16 =	stileid.u32;
	s28 =	simm.s32 $0x4  }
0x4: {  	s29 =	simm.s32 $0x1;
	s30 =	simm.s32 $0x5;
	s31 =	simm.s32 $0xD4D0  }
0x5: {  	[smem:$0x7FF] =	sst s2;
	s4 =	sadd.s32 $0x36A00, s0;
	s10 =	smul.u32 $0x30E00, s16  }
0x6: {  	s3 =	sand.u32 $0x1, s3;
	s6 =	sadd.s32 $0x1C800, s0;
	s12 =	smul.u32 $0xC350, s16  }
0x7: {  	s8 =	sadd.s32 $0x4000, s0;
	s5 =	sadd.s32 $0x35000, s0;
	s18 =	smul.u32 $0x18700, s16  }
0x8: {  	s0 =	sadd.s32 $0x67800, s0;
	s15 =	sadd.s32 $0xB7480, s1;
	s25 =	smul.u32 $0x186A, s16  }
0x9: {  	p0 =	seq.s32 s16, $0xF;
	_ =	strace $0x8000004D;
	s7 =	smul.u32 $0xC350, s3  }
0xa: {  	s9 =	ssub.s32 $0x2, s3;
	s3 =	smul.u32 $0x186A00, s3;
	s15 =	sshrl.u32 @p0 s15, $0x3  }
0xb: {  	s11 =	sshrl.u32 s9, $0x1;
	s10 =	sshrl.u32 s10, $0x2;
	s14 =	sshrl.u32 s12, $0x3  }
0xc: {  	s24 =	sshrl.u32 s18, $0x1;
	s9 =	ssub.s32 s9, s11;
	s17 =	sadd.s32 s10, s1  }
0xd: {  	s19 =	sadd.s32 s6, s14;
	s20 =	sadd.s32 s8, s14;
	s21 =	sadd.s32 $0x1860, s14  }
0xe: {  	s22 =	sadd.s32 s18, s3;
	s3 =	sshrl.u32 s3, $0x4;
	s24 =	sadd.s32 s24, s1  }
0xf: {  	s14 =	sadd.s32 s25, s6;
	s18 =	simm.s32 $0xD350;
	[dreg:$0x3] =	wrdreg s19  }
0x10: {  	v0 =	vmov s7;
	s7 =	simm.s32 $0x50;
	[dreg:$0x4] =	wrdreg s20;
	s13 =	sadd.s32 s6, s21  }
0x11: {  	s10 =	sadd.s32 s8, s21;
	s23 =	sshrl.u32 s22, $0x4;
	s26 =	smax.u32 s9, $0x1  }
0x12: {  	s17 =	sshrl.u32 @!p0 s17, $0x3;
	s19 =	simm.s32 $0xD550;
	s20 =	simm.s32 $0xD3D0  }
0x13: {  	s21 =	simm.s32 $0xD5D0;
	s22 =	simm.s32 $0x3;
	[dreg:$0x5] =	wrdreg s13  }
0x14: {  	s24 =	sshrl.u32 @!p0 s24, $0x3;
	s6 =	simm.s32 $0xD650;
	[dreg:$0x6] =	wrdreg s10  }
0x15: {  	s10 =	sadd.s32 s0, s23;
	s0 =	sadd.s32 s0, s3;
	[dreg:$0x9] =	wrdreg s26  }
0x16: {  	s13 =	sadd.s32 s25, s8;
	s23 =	simm.s32 $0x80;
	s25 =	simm.s32 $0xD450  }
0x17: {  	s26 =	simm.s32 $0xC350;
	s3 =	simm.s32 $0x2;
	s0 =	sadd.s32 $0x16E90, s0  }
0x18: {  	s8 =	simm.s32 $0x0;
	[dreg:$0x8] =	wrdreg s0;
	s0 =	sshll.u32 @!p0 s16, $0x6  }
0x19: {  	[dreg:$0x7] =	wrdreg s10;
	s16 =	sor.u32 @!p0 $0x1C05, s0;
	s0 =	simm.s32 $0xCB50  }
.LBB2_1:
0x1a: {  	s9 =	simm.s32 @p0 $0x1FC5  }
0x1b: {  	[spmem:s15], [sflag:s9] =	dma.local @p0 [hbm:s5], $0x1810  }
0x1c: {  	s9 =	simm.s32 @p0 $0x5  }
0x1d: {  	_ =	swait.ge @p0 [sflag:s9], $0x1810  }
0x1e: {  	[sflag:s9] =	ssyncset.done @p0 $0x0  }
0x1f: {  	[sflag:s9] =	ssyncadd.s32 @p0 $0xFFFFE7F0;
	s9 =	simm.s32 @!p0 $0x5  }
0x20: {  	[spmem:s17], [sflag:s16] =	dma.local @!p0 [hbm:s5], $0x1870  }
0x21: {  	_ =	swait.ge @!p0 [sflag:s9], $0x1870  }
0x22: {  	[sflag:s9] =	ssyncset.done @!p0 $0x0  }
0x23: {  	[sflag:s9] =	ssyncadd.s32 @!p0 $0xFFFFE790  }
0x24: {  	[bflag:$0x0] =	sbarrier.arrive $0xFFFF  }
0x25: {  	s11 =	rddreg [dreg:$0x3]  }
0x26: {  	[tilespmem:s18], [sflag:$0x3] =	stream.linear.gather [hbm4b:s11+s2], $0x80, $0x38;
	[tilespmem:$0xD6A0] =	vst v63  }
0x27: {  	s9 =	simm.s32 $0x0;
	s12 =	rddreg [dreg:$0x4]  }
0x28: {  	[tilespmem:s19], [sflag:$0x3] =	stream.linear.gather [hbm4b:s12+s2], $0x80, $0x38;
	[tilespmem:$0xD6A0] =	vst v63  }
.LBB2_2:
0x29: {  	p1 =	seq.s32 s9, $0x0  }
0x2a: {  	s10 =	simm.s32 @!p1 $0x2  }
0x2b: {  	_ =	swait.ge @!p1 [sflag:s10], $0x800  }
0x2c: {  	s11 =	simm.s32 @!p1 $0xD5D0;
	[sflag:s10] =	ssyncset.done @!p1 $0x0  }
0x2d: {  	s12 =	simm.s32 @!p1 $0xCB50;
	[sflag:s10] =	ssyncadd.s32 @!p1 $0xFFFFF800;
	s10 =	simm.s32 @!p1 $0x80  }
0x2e: {  	[spmem:s1] =	stream.indirect.scatter.add.bf16 @!p1 [tilespmem:s12], [sflag:$0x5], $0x10, s11, s10, $0xb8;
	[tilespmem:$0xD6A0] =	vst v63  }
0x2f: {  	s10 =	simm.s32 @!p1 $0x5  }
0x30: {  	_ =	swait.ge @!p1 [sflag:s10], $0x800  }
0x31: {  	s12 =	sadd.s32 s9, s14;
	[sflag:s10] =	ssyncset.done @!p1 $0x0  }
0x32: {  	s11 =	sadd.s32 $0x10, s12;
	s12 =	sadd.s32 s9, s13;
	[sflag:s10] =	ssyncadd.s32 @!p1 $0xFFFFF800  }
0x33: {  	[tilespmem:s20], [sflag:$0x4] =	stream.linear.gather [hbm4b:s11+s2], $0x80, $0x38;
	[tilespmem:$0xD6A0] =	vst v63  }
0x34: {  	s10 =	sadd.s32 $0x10, s12  }
0x35: {  	[tilespmem:s21], [sflag:$0x4] =	stream.linear.gather [hbm4b:s10+s2], $0x80, $0x38;
	[tilespmem:$0xD6A0] =	vst v63  }
0x36: {  	_ =	swait.ge [sflag:s22], $0x80  }
0x37: {  	[sflag:s22] =	ssyncset.done $0x0  }
0x38: {  	[sflag:s22] =	ssyncadd.s32 $0xFFFFFF80  }
0x39: {  	_ =	swait.ge [sflag:s22], $0x80  }
0x3a: {  	[sflag:s22] =	ssyncset.done $0x0  }
0x3b: {  	[sflag:s22] =	ssyncadd.s32 $0xFFFFFF80  }
0x3c: {  	v1 =	vld [tilespmem:$0xD350]  }
0x3d: {  	v2 =	vld [tilespmem:$0xD360]  }
0x3e: {  	v3 =	vld [tilespmem:$0xD370]  }
0x3f: {  	v4 =	vld [tilespmem:$0xD380]  }
0x40: {  	v5 =	vld [tilespmem:$0xD390]  }
0x41: {  	v6 =	vld [tilespmem:$0xD3A0];
	v1 =	vadd.s32 v0, v1  }
0x42: {  	[tilespmem:$0xD450] =	vst v1;
	v1 =	vadd.s32 v0, v2;
	v2 =	vld [tilespmem:$0xD3B0]  }
0x43: {  	[tilespmem:$0xD460] =	vst v1;
	v1 =	vadd.s32 v0, v3;
	v3 =	vld [tilespmem:$0xD3C0]  }
0x44: {  	[tilespmem:$0xD470] =	vst v1;
	v1 =	vadd.s32 v0, v4  }
0x45: {  	[tilespmem:$0xD480] =	vst v1;
	v1 =	vadd.s32 v0, v5  }
0x46: {  	[tilespmem:$0xD490] =	vst v1;
	v1 =	vadd.s32 v0, v6  }
0x47: {  	[tilespmem:$0xD4A0] =	vst v1;
	v1 =	vadd.s32 v0, v2  }
0x48: {  	[tilespmem:$0xD4B0] =	vst v1;
	v1 =	vadd.s32 v0, v3  }
0x49: {  	[tilespmem:$0xD4C0] =	vst v1  }
0x4a: {  	[tilespmem:s26], [sflag:$0x1] =	stream.indirect.gather [hbm4b:s4+s23], $0x10, s25, s23, $0xb8;
	[tilespmem:$0xD6A0] =	vst v63  }
0x4b: {  	_ =	swait.ge [sflag:s28], $0x80  }
0x4c: {  	[sflag:s28] =	ssyncset.done $0x0  }
0x4d: {  	[sflag:s28] =	ssyncadd.s32 $0xFFFFFF80  }
0x4e: {  	_ =	swait.ge [sflag:s28], $0x80  }
0x4f: {  	[sflag:s28] =	ssyncset.done $0x0  }
0x50: {  	[sflag:s28] =	ssyncadd.s32 $0xFFFFFF80  }
0x51: {  	v1 =	vld [tilespmem:$0xD3D0]  }
0x52: {  	v2 =	vld [tilespmem:$0xD3E0]  }
0x53: {  	v3 =	vld [tilespmem:$0xD3F0]  }
0x54: {  	v61 =	vld [tilespmem:$0xD400]  }
0x55: {  	v62 =	vld [tilespmem:$0xD410]  }
0x56: {  	v63 =	vld [tilespmem:$0xD420];
	v1 =	vadd.s32 v0, v1  }
0x57: {  	[tilespmem:$0xD4D0] =	vst v1;
	v1 =	vadd.s32 v0, v2;
	v2 =	vld [tilespmem:$0xD430]  }
0x58: {  	[tilespmem:$0xD4E0] =	vst v1;
	v1 =	vadd.s32 v0, v3;
	v3 =	vld [tilespmem:$0xD440]  }
0x59: {  	[tilespmem:$0xD4F0] =	vst v1;
	v1 =	vadd.s32 v0, v61  }
0x5a: {  	[tilespmem:$0xD500] =	vst v1;
	v1 =	vadd.s32 v0, v62  }
0x5b: {  	[tilespmem:$0xD510] =	vst v1;
	v1 =	vadd.s32 v0, v63  }
0x5c: {  	[tilespmem:$0xD520] =	vst v1;
	v1 =	vadd.s32 v0, v2  }
0x5d: {  	[tilespmem:$0xD530] =	vst v1;
	v1 =	vadd.s32 v0, v3  }
0x5e: {  	[tilespmem:$0xD540] =	vst v1  }
0x5f: {  	_ =	swait.ge [sflag:s29], $0x800  }
0x60: {  	[sflag:s29] =	ssyncset.done $0x0  }
0x61: {  	[sflag:s29] =	ssyncadd.s32 $0xFFFFF800  }
0x62: {  	[spmem:s1] =	stream.indirect.scatter.add.bf16 [tilespmem:s26], [sflag:$0x5], $0x10, s19, s23, $0xb8;
	[tilespmem:$0xD6A0] =	vst v63  }
0x63: {  	_ =	swait.ge [sflag:s30], $0x800  }
0x64: {  	p1 =	seq.s32 s9, $0x1840;
	[sflag:s30] =	ssyncset.done $0x0  }
0x65: {  	s10 =	sadd.s32 @!p1 s9, s14;
	[sflag:s30] =	ssyncadd.s32 $0xFFFFF800  }
0x66: {  	[tilespmem:s0], [sflag:$0x2] =	stream.indirect.gather [hbm4b:s4+s23], $0x10, s31, s23, $0xb8;
	[tilespmem:$0xD6A0] =	vst v63  }
0x67: {  	s11 =	simm.s32 @!p1 $0x0;
	s12 =	simm.s32 @!p1 $0xD350;
	s10 =	sadd.s32 @!p1 $0x20, s10  }
0x68: {  	[tilespmem:s12], [sflag:$0x3] =	stream.linear.gather @!p1 [hbm4b:s10+s11], $0x80, $0x38;
	[tilespmem:$0xD6A0] =	vst v63  }
0x69: {  	s10 =	sadd.s32 @!p1 s9, s13;
	s9 =	sadd.s32 @!p1 $0x20, s9  }
0x6a: {  	s12 =	simm.s32 @!p1 $0xD550;
	s10 =	sadd.s32 @!p1 $0x20, s10;
	p2 =	sne.s32 @!p1 s9, $0x1860  }
0x6b: {  	[tilespmem:s12], [sflag:$0x3] =	stream.linear.gather @!p1 [hbm4b:s10+s11], $0x80, $0x38;
	[tilespmem:$0xD6A0] =	vst v63  }
0x6c: {  	p1 =	por p1, !p2  }
.Ltmp0:
0x6d: {  	_ = 	snop;
	(pc) =	sbr.rel @!p1 .LBB2_2-.Ltmp0, $1  }
0x6e: {  	_ =	sdelay $0x3  }
0x6f: {  	_ =	swait.ge [sflag:s3], $0x800  }
0x70: {  	[sflag:s3] =	ssyncset.done $0x0  }
0x71: {  	[sflag:s3] =	ssyncadd.s32 $0xFFFFF800  }
0x72: {  	[spmem:s1] =	stream.indirect.scatter.add.bf16 [tilespmem:s0], [sflag:$0x5], $0x10, s21, s23, $0xb8;
	[tilespmem:$0xD6A0] =	vst v63  }
0x73: {  	_ =	swait.ge [sflag:s30], $0x800  }
0x74: {  	[sflag:s30] =	ssyncset.done $0x0  }
0x75: {  	s9 =	rddreg [dreg:$0x5];
	[sflag:s30] =	ssyncadd.s32 $0xFFFFF800  }
0x76: {  	[tilespmem:s18], [sflag:$0x5] =	stream.linear.gather [hbm4b:s9+s2], $0x50, $0x38;
	[tilespmem:$0xD6A0] =	vst v63  }
0x77: {  	_ =	swait.ge [sflag:s30], $0x50  }
0x78: {  	[sflag:s30] =	ssyncset.done $0x0  }
0x79: {  	s11 =	rddreg [dreg:$0x6];
	[sflag:s30] =	ssyncadd.s32 $0xFFFFFFB0  }
0x7a: {  	[tilespmem:s6], [sflag:$0x5] =	stream.linear.gather [hbm4b:s11+s2], $0x50, $0x38;
	[tilespmem:$0xD6A0] =	vst v63  }
0x7b: {  	_ =	swait.ge [sflag:s30], $0x50  }
0x7c: {  	[sflag:s30] =	ssyncset.done $0x0  }
0x7d: {  	[sflag:s30] =	ssyncadd.s32 $0xFFFFFFB0  }
0x7e: {  	v1 =	vld [tilespmem:$0xD350]  }
0x7f: {  	v2 =	vld [tilespmem:$0xD360]  }
0x80: {  	v3 =	vld [tilespmem:$0xD370]  }
0x81: {  	v4 =	vld [tilespmem:$0xD380]  }
0x82: {  	v5 =	vld [tilespmem:$0xD390]  }
0x83: {  	v1 =	vadd.s32 v0, v1  }
0x84: {  	[tilespmem:$0xD450] =	vst v1;
	v1 =	vadd.s32 v0, v2  }
0x85: {  	[tilespmem:$0xD460] =	vst v1;
	v1 =	vadd.s32 v0, v3  }
0x86: {  	[tilespmem:$0xD470] =	vst v1;
	v1 =	vadd.s32 v0, v4  }
0x87: {  	[tilespmem:$0xD480] =	vst v1;
	v1 =	vadd.s32 v0, v5  }
0x88: {  	[tilespmem:$0xD490] =	vst v1  }
0x89: {  	[tilespmem:s26], [sflag:$0x1] =	stream.indirect.gather [hbm4b:s4+s7], $0x10, s25, s7, $0xb8;
	[tilespmem:$0xD6A0] =	vst v63  }
0x8a: {  	_ =	swait.ge [sflag:s29], $0x500  }
0x8b: {  	[sflag:s29] =	ssyncset.done $0x0  }
0x8c: {  	[sflag:s29] =	ssyncadd.s32 $0xFFFFFB00  }
0x8d: {  	[spmem:s1] =	stream.indirect.scatter.add.bf16 [tilespmem:s26], [sflag:$0x5], $0x10, s6, s7, $0xb8;
	[tilespmem:$0xD6A0] =	vst v63  }
0x8e: {  	_ =	swait.ge [sflag:s30], $0x500  }
0x8f: {  	[sflag:s30] =	ssyncset.done $0x0  }
0x90: {  	[sflag:s30] =	ssyncadd.s32 $0xFFFFFB00  }
0x91: {  	[bflag:$0x0] =	sbarrier.arrive $0xFFFF  }
0x92: {  	s9 =	simm.s32 @p0 $0x1FC5;
	s10 =	rddreg [dreg:$0x8]  }
0x93: {  	[hbm:s10], [sflag:s9] =	dma.local @p0 [spmem:s15], $0x1810  }
0x94: {  	s9 =	simm.s32 @p0 $0x5  }
0x95: {  	_ =	swait.ge @p0 [sflag:s9], $0x1810  }
0x96: {  	[sflag:s9] =	ssyncset.done @p0 $0x0  }
0x97: {  	[sflag:s9] =	ssyncadd.s32 @p0 $0xFFFFE7F0;
	s9 =	rddreg [dreg:$0x7]  }
0x98: {  	[hbm:s9], [sflag:s16] =	dma.local @!p0 [spmem:s24], $0x1870  }
0x99: {  	s9 =	simm.s32 @!p0 $0x5  }
0x9a: {  	_ =	swait.ge @!p0 [sflag:s9], $0x1870  }
0x9b: {  	s8 =	sadd.s32 $0x1, s8;
	s12 =	rddreg [dreg:$0x9]  }
0x9c: {  	p1 =	sne.s32 s8, s12  }
.Ltmp1:
0x9d: {  	_ = 	snop;
	(pc) =	sbr.rel @p1 .LBB2_1-.Ltmp1, $3  }
0x9e: {  	_ =	sdelay $0x1  }
0x9f: {  	[sflag:s9] =	ssyncset.done @!p0 $0x0  }
0xa0: {  	[sflag:s9] =	ssyncadd.s32 @!p0 $0xFFFFE790  }
0xa1: {  	_ =	sfence.sel $0x180000  }
0xa2: {  	[bflag:$0x0] =	sbarrier.arrive $0xFFFF  }
0xa3: {  	_ =	strace $0x9000004D  }
0xa4: {  	s0 =	stileid.u32;
	[bflag:$0x2] =	sbarrier.arrive $0xFFFF  }
0xa5: {  	p0 =	sne.s32 s0, $0x0;
	s0 =	rddreg [dreg:$0x2]  }
0xa6: {  	s0 =	sadd.s32 @!p0 $0x100000, s0  }
0xa7: {  	[sflag:s0] =	ssyncadd.tile.s32 @!p0 $0x1;
	_ =	shalt  }
.Lfunc_end2:
_tile_overlayer_lowered:
.L_overlay_start_2:
0xa8: {  	(tag) =	ssettag $0x2  }
0xa9: {  	s0 =	rddreg [dreg:$0x0];
	s2 =	stileid.u32  }
0xaa: {  	s1 =	rddreg [dreg:$0x1];
	p0 =	sne.s32 s2, $0x0  }
0xab: {  	s3 =	rddreg [dreg:$0x2];
	[bflag:$0x3] =	sbarrier.arrive $0xFFFF;
	s2 =	simm.s32 @!p0 $0x1C05  }
0xac: {  	[timem:s3], [sflag:s2] =	dma.local @!p0 [hbm:s0], s1  }
0xad: {  	s0 =	simm.s32 @!p0 $0x5  }
0xae: {  	_ =	swait.ge @!p0 [sflag:s0], s1  }
0xaf: {  	s1 =	ssub.s32 @!p0 $0x0, s1;
	[sflag:s0] =	ssyncset.done @!p0 $0x0  }
0xb0: {  	[sflag:s0] =	ssyncadd.s32 @!p0 s1  }
0xb1: {  	[bflag:$0x3] =	sbarrier.arrive $0xFFFF  }
0xb2: {  	_ =	shalt  }

// kernel: kernel.19.cloned.1.call-start
scs
__scs_entry_jumppad:
0x0: {  	(pc) =	sbr.rel $0x88, $3  }
0x1: {  	(tag) =	ssettag $0x0;
	lr =	simm.s32 $0x1  }
0x2: {  	[smem:$0x3F85] =	sst lr;
	_ =	strace $0xD0000000  }
0x3: {  	_ = 	snop  }
0x4: {  	_ = 	snop  }
0x5: {  	_ = 	snop  }
0x6: {  	_ = 	snop  }
0x7: {  	_ = 	snop  }
__scs_overlays_trampoline_lowered:
0x8: {  	[smem:$0x3F94] =	sst s0  }
0x9: {  	[smem:$0x3F95] =	sst s1  }
0xa: {  	[smem:$0x3F96] =	sst s2  }
0xb: {  	[smem:$0x3F97] =	sst s3  }
0xc: {  	[smem:$0x3F98] =	sst s4  }
0xd: {  	[smem:$0x3F99] =	sst s5  }
0xe: {  	[smem:$0x3F9A] =	sst s6  }
0xf: {  	[smem:$0x3F9B] =	sst s7  }
0x10: {  	[smem:$0x3F9C] =	sst s8  }
0x11: {  	[smem:$0x3F9D] =	sst s9;
	s0 =	simm.s32 @!p0 $0x0  }
0x12: {  	s1 =	sld [smem:$0x3F83];
	s0 =	simm.s32 @p0 $0x1  }
0x13: {  	[smem:$0x3F9E] =	sst s0;
	s0 =	simm.s32 @!p1 $0x0  }
0x14: {  	s2 =	sld [smem:$0x3F82];
	s0 =	simm.s32 @p1 $0x1  }
0x15: {  	[smem:$0x3F9F] =	sst s0;
	s0 =	simm.s32 @!p2 $0x0  }
0x16: {  	s3 =	sld [smem:$0x3FDB];
	s0 =	simm.s32 @p2 $0x1  }
0x17: {  	s4 =	simm.s32 $0x1BF5;
	[smem:$0x3FA1] =	sst s0  }
0x18: {  	s0 =	sld [smem:$0x3F84];
	_ =	swait.ge [sflag:s4], $0x0  }
0x19: {  	s7 =	sld [smem:$0x3F85]  }
0x1a: {  	s8 =	sadd.s32 $0xFFFFE003, lr  }
0x1b: {  	s9 =	sadd.s32 $0xFFFFFEF7, lr;
	s5 =	simm.s32 $0xFFFFFFFF;
	p2 =	slt.u32 s8, $0xFFFFF086  }
0x1c: {  	p1 =	slt.u32 s9, $0xF7A;
	s5 =	simm.s32 @!p2 $0x0  }
0x1d: {  	s5 =	simm.s32 @p1 $0x1;
	p0 =	seq.s32 s7, s2  }
0x1e: {  	s7 =	smul.u32 @!p0 $0xF7A, s2;
	p2 =	seq.s32 @!p0 s5, $0x0  }
0x1f: {  	s9 =	smul.u32 $0xF7A, s1;
	s8 =	simm.s32 @!p0 $0x1BF5;
	p2 =	por !p2, p0  }
0x20: {  	[sflag:s8] =	ssyncset.s32 @!p0 $0xFFFFF086;
	s6 =	sadd.s32 @!p0 s3, s7;
	s7 =	simm.s32 @!p0 $0x108  }
0x21: {  	s3 =	sadd.s32 s3, s9;
	s6 =	sadd.s32 @!p0 $0x88, s6;
	s7 =	simm.s32 @p2 $0x1082  }
0x22: {  	[simem:s7], [sflag:s8] =	dma.local @!p0 [hbm:s6], $0xF7A  }
0x23: {  	s9 =	sor.u32 $0xD0000000, s2;
	s6 =	simm.s32 $0x108;
	_ =	swait.ge @!p0 [sflag:s8], $0x0  }
0x24: {  	s3 =	sadd.s32 $0x88, s3;
	s6 =	simm.s32 @!p1 $0x1082;
	[sflag:s4] =	ssyncset.s32 $0xFFFFF086  }
0x25: {  	[simem:s6], [sflag:s4] =	dma.local [hbm:s3], $0xF7A  }
0x26: {  	[smem:$0x3F85] =	sst s1;
	(tag) =	ssettag s2;
	_ =	strace s9  }
0x27: {  	s1 =	sld [smem:$0x3F95]  }
0x28: {  	s2 =	sld [smem:$0x3F96]  }
0x29: {  	s4 =	sld [smem:$0x3F98]  }
0x2a: {  	p0 =	seq.s32 s5, $0x0;
	s5 =	sld [smem:$0x3F99]  }
0x2b: {  	s6 =	sld [smem:$0x3F9A]  }
0x2c: {  	s7 =	sld [smem:$0x3F9B]  }
0x2d: {  	s3 =	simm.s32 $0x108;
	s8 =	sld [smem:$0x3F9C]  }
0x2e: {  	s3 =	simm.s32 @!p0 $0x1082;
	s9 =	sld [smem:$0x3F9D]  }
0x2f: {  	lr =	sadd.s32 s0, s3;
	s0 =	sld [smem:$0x3F94]  }
0x30: {  	s3 =	sld [smem:$0x3F97]  }
0x31: {  	[smem:$0x3FA0] =	sst s10  }
0x32: {  	s10 =	sld [smem:$0x3F9E];
	_ =	sdelay $0x3  }
0x33: {  	p0 =	seq.s32 s10, $0x1;
	s10 =	sld [smem:$0x3FA0];
	_ =	sdelay $0x3  }
0x34: {  	[smem:$0x3FA0] =	sst s10  }
0x35: {  	s10 =	sld [smem:$0x3F9F];
	_ =	sdelay $0x3  }
0x36: {  	p1 =	seq.s32 s10, $0x1;
	s10 =	sld [smem:$0x3FA0];
	_ =	sdelay $0x3  }
0x37: {  	[smem:$0x3FA0] =	sst s10  }
0x38: {  	s10 =	sld [smem:$0x3FA1]  }
0x39: {  	_ = 	snop;
	(pc) =	sbr.ind lr, $3  }
0x3a: {  	_ = 	snop  }
0x3b: {  	_ = 	snop  }
0x3c: {  	p2 =	seq.s32 s10, $0x1;
	s10 =	sld [smem:$0x3FA0]  }
0x3d: {  	_ =	shalt  }
0x3e: {  	_ =	shalt  }
0x3f: {  	_ =	shalt  }
0x40: {  	_ =	shalt  }
0x41: {  	_ =	shalt  }
0x42: {  	_ =	shalt  }
0x43: {  	_ =	shalt  }
0x44: {  	_ =	shalt  }
0x45: {  	_ =	shalt  }
0x46: {  	_ =	shalt  }
0x47: {  	_ =	shalt  }
0x48: {  	_ =	shalt  }
0x49: {  	_ =	shalt  }
0x4a: {  	_ =	shalt  }
0x4b: {  	_ =	shalt  }
0x4c: {  	_ =	shalt  }
0x4d: {  	_ =	shalt  }
0x4e: {  	_ =	shalt  }
0x4f: {  	_ =	shalt  }
0x50: {  	_ =	shalt  }
0x51: {  	_ =	shalt  }
0x52: {  	_ =	shalt  }
0x53: {  	_ =	shalt  }
0x54: {  	_ =	shalt  }
0x55: {  	_ =	shalt  }
0x56: {  	_ =	shalt  }
0x57: {  	_ =	shalt  }
0x58: {  	_ =	shalt  }
0x59: {  	_ =	shalt  }
0x5a: {  	_ =	shalt  }
0x5b: {  	_ =	shalt  }
0x5c: {  	_ =	shalt  }
0x5d: {  	_ =	shalt  }
0x5e: {  	_ =	shalt  }
0x5f: {  	_ =	shalt  }
0x60: {  	_ =	shalt  }
0x61: {  	_ =	shalt  }
0x62: {  	_ =	shalt  }
0x63: {  	_ =	shalt  }
0x64: {  	_ =	shalt  }
0x65: {  	_ =	shalt  }
0x66: {  	_ =	shalt  }
0x67: {  	_ =	shalt  }
0x68: {  	_ =	shalt  }
0x69: {  	_ =	shalt  }
0x6a: {  	_ =	shalt  }
0x6b: {  	_ =	shalt  }
0x6c: {  	_ =	shalt  }
0x6d: {  	_ =	shalt  }
0x6e: {  	_ =	shalt  }
0x6f: {  	_ =	shalt  }
0x70: {  	_ =	shalt  }
0x71: {  	_ =	shalt  }
0x72: {  	_ =	shalt  }
0x73: {  	_ =	shalt  }
0x74: {  	_ =	shalt  }
0x75: {  	_ =	shalt  }
0x76: {  	_ =	shalt  }
0x77: {  	_ =	shalt  }
0x78: {  	_ =	shalt  }
0x79: {  	_ =	shalt  }
0x7a: {  	_ =	shalt  }
0x7b: {  	_ =	shalt  }
0x7c: {  	_ =	shalt  }
0x7d: {  	_ =	shalt  }
0x7e: {  	_ =	shalt  }
0x7f: {  	_ =	shalt  }
0x80: {  	_ =	shalt  }
0x81: {  	_ =	shalt  }
0x82: {  	_ =	shalt  }
0x83: {  	_ =	shalt  }
0x84: {  	_ =	shalt  }
0x85: {  	_ =	shalt  }
0x86: {  	_ =	shalt  }
0x87: {  	_ =	shalt  }
.Lfunc_end0:
.L_simem_size_0:
called_computation.3_lowered:
.L_overlay_start_0:
0x88: {  	s2 =	sld [smem:$0x3FD9]  }
0x89: {  	s3 =	sld [smem:$0x3FFE];
	_ =	sdelay $0x1  }
0x8a: {  	s1 =	srdreg.scid  }
0x8b: {  	s0 =	sand.u32 $0x1, s1  }
0x8c: {  	s16 =	sshll.u32 s0, $0xA;
	s2 =	sadd.s32 s3, s2  }
0x8d: {  	s2 =	sadd.s32 s2, s16  }
0x8e: {  	[smem:$0x3FAC] =	sst s2  }
0x8f: {  	_ = 	snop  }
0x90: {  	(tm) =	ssettm $0x1  }
0x91: {  	s17 =	sld [smem:$0x3FFB];
	_ =	sdelay $0x3  }
0x92: {  	_ =	strace s17  }
0x93: {  	s2 =	sld [smem:$0x3FFC];
	_ =	sdelay $0x3  }
0x94: {  	_ =	strace s2  }
0x95: {  	s2 =	sld [smem:$0x3FFD];
	_ =	sdelay $0x3  }
0x96: {  	_ =	strace s2  }
0x97: {  	_ =	strace $0x8FFFFFFF  }
0x98: {  	s18 =	sld [smem:$0x3FDB];
	_ =	sdelay $0x1  }
0x99: {  	s19 =	simm.s32 $_scs_section_size  }
0x9a: {  	s4 =	simm.s32 $_size__tile_overlayer_lowered;
	s5 =	simm.s32 $_tile_overlayer_lowered  }
0x9b: {  	s22 =	simm.s32 $0x1BFF;
	s21 =	sshll.u32 s5, $0x1;
	s2 =	sadd.s32 s19, s18  }
0x9c: {  	s6 =	simm.s32 $0x0;
	s20 =	sshll.u32 s4, $0x1;
	s4 =	sadd.s32 s21, s2  }
0x9d: {  	[timem:s6], [sflag:s22] =	dma.local [hbm:s4], s20  }
0x9e: {  	_ =	swait.ge [sflag:s22], s20  }
0x9f: {  	s3 =	ssub.s32 $0x0, s20;
	[sflag:s22] =	ssyncset.done $0x0  }
0xa0: {  	[sflag:s22] =	ssyncadd.s32 s3;
	_ =	sdelay $0x1  }
0xa1: {  	s23 =	simm.s32 $0x1B8B  }
0xa2: {  	_ =	swait.ge [sflag:s23], $0x1  }
0xa3: {  	[sflag:s23] =	ssyncset.done $0x0  }
0xa4: {  	s25 =	simm.s32 $0x1B8E;
	s24 =	sld [smem:$0x3FFE];
	[sflag:s23] =	ssyncadd.s32 $0xFFFFFFFF  }
0xa5: {  	s26 =	simm.s32 $execute0_lowered;
	[smem:$0x3FD2] =	sst s25  }
0xa6: {  	s4 =	sshll.u32 s26, $0x1;
	_ =	strace $0x8000004F;
	[dreg:$0x1] =	wrdreg $0xFFFFFFFF  }
0xa7: {  	s28 =	simm.s32 $_size_execute0_lowered;
	s2 =	sadd.s32 s2, s4;
	[dreg:$0x0] =	wrdreg $0x0  }
0xa8: {  	s4 =	sshll.u32 s28, $0x1;
	[dreg:$0x2] =	wrdreg s2  }
0xa9: {  	[dreg:$0x3] =	wrdreg s4  }
0xaa: {  	[dreg:$0x4] =	wrdreg $0xC0  }
0xab: {  	_ =	task [dreg:s6], $0x5FFFF  }
0xac: {  	[dreg:$0x1] =	wrdreg $0xFFFFFFFF  }
0xad: {  	[dreg:$0x0] =	wrdreg $0x60  }
0xae: {  	[dreg:$0x2] =	wrdreg s24  }
0xaf: {  	[dreg:$0x3] =	wrdreg $0x0  }
0xb0: {  	[dreg:$0x4] =	wrdreg $0x9  }
0xb1: {  	_ =	task.clear_ibuf [dreg:s6], $0x5FFFF;
	_ =	strace $0x9000004F  }
0xb2: {  	s29 =	simm.s32 $0x9;
	_ =	strace $0x80000051  }
0xb3: {  	_ =	swait.ge [sflag:s29], $0x1  }
0xb4: {  	[sflag:s29] =	ssyncadd.s32 $0xFFFFFFFF  }
0xb5: {  	_ =	strace $0x90000051  }
0xb6: {  	_ =	sfence  }
0xb7: {  	s30 =	sld [smem:$0x0];
	_ =	sdelay $0x2  }
0xb8: {  	s31 =	sshll.u32 s1, $0xD;
	s1 =	sshrl.u32 s1, $0x2  }
0xb9: {  	s3 =	sand.u32 $0x4000, s31;
	s1 =	sadd.s32 s1, s30  }
0xba: {  	s0 =	sor.u32 s3, s0;
	s1 =	sshll.u32 s1, $0x11  }
0xbb: {  	s0 =	sor.u32 s1, s0  }
0xbc: {  	s0 =	sadd.s32 $0x8F2B, s0  }
0xbd: {  	[sflag:s0] =	ssyncadd.remote.s32 $0x1  }
0xbe: {  	_ =	sfence.sel $0xFFFF  }
0xbf: {  	[dreg:$0x0] =	wrdreg $0xFFFFFFFF;
	(pc) =	sbr.abs _section_cstart, $3  }
0xc0: {  	[dreg:$0x1] =	wrdreg $0xFFFFFFFF  }
0xc1: {  	_ =	task.clear_ibuf [dreg:s6], $0x2FFFF;
	_ =	strace $0x9FFFFFFF  }
0xc2: {  	(tm) =	ssettm $0x7FFFFFFF  }
0xc3: {  	_ =	shalt  }
tec
execute0_lowered:
.L_overlay_start_1:
0x0: {  	(tag) =	ssettag $0x1  }
0x1: {  	s0 =	rddreg [dreg:$0x0]  }
0x2: {  	s1 =	rddreg [dreg:$0x1];
	s2 =	simm.s32 $0x0  }
0x3: {  	s3 =	srdreg.scid;
	s16 =	stileid.u32;
	s28 =	simm.s32 $0x4  }
0x4: {  	s29 =	simm.s32 $0x1;
	s30 =	simm.s32 $0x5;
	s31 =	simm.s32 $0xD4D0  }
0x5: {  	[smem:$0x7FF] =	sst s2;
	s4 =	sadd.s32 $0x1BD600, s0;
	s10 =	smul.u32 $0x30E00, s16  }
0x6: {  	s3 =	sand.u32 $0x1, s3;
	s6 =	sadd.s32 $0x1C800, s0;
	s12 =	smul.u32 $0xC350, s16  }
0x7: {  	s8 =	sadd.s32 $0x4000, s0;
	s5 =	sadd.s32 $0x35000, s0;
	s18 =	smul.u32 $0x18700, s16  }
0x8: {  	s0 =	sadd.s32 $0x1EE400, s0;
	s15 =	sadd.s32 $0xB7480, s1;
	s25 =	smul.u32 $0x186A, s16  }
0x9: {  	p0 =	seq.s32 s16, $0xF;
	_ =	strace $0x80000050;
	s7 =	smul.u32 $0xC350, s3  }
0xa: {  	s9 =	ssub.s32 $0x2, s3;
	s3 =	smul.u32 $0x186A00, s3;
	s15 =	sshrl.u32 @p0 s15, $0x3  }
0xb: {  	s11 =	sshrl.u32 s9, $0x1;
	s10 =	sshrl.u32 s10, $0x2;
	s14 =	sshrl.u32 s12, $0x3  }
0xc: {  	s24 =	sshrl.u32 s18, $0x1;
	s9 =	ssub.s32 s9, s11;
	s17 =	sadd.s32 s10, s1  }
0xd: {  	s19 =	sadd.s32 s6, s14;
	s20 =	sadd.s32 s8, s14;
	s21 =	sadd.s32 $0x1860, s14  }
0xe: {  	s22 =	sadd.s32 s18, s3;
	s3 =	sshrl.u32 s3, $0x4;
	s24 =	sadd.s32 s24, s1  }
0xf: {  	s14 =	sadd.s32 s25, s6;
	s18 =	simm.s32 $0xD350;
	[dreg:$0x3] =	wrdreg s19  }
0x10: {  	v0 =	vmov s7;
	s7 =	simm.s32 $0x50;
	[dreg:$0x4] =	wrdreg s20;
	s13 =	sadd.s32 s6, s21  }
0x11: {  	s10 =	sadd.s32 s8, s21;
	s23 =	sshrl.u32 s22, $0x4;
	s26 =	smax.u32 s9, $0x1  }
0x12: {  	s17 =	sshrl.u32 @!p0 s17, $0x3;
	s19 =	simm.s32 $0xD550;
	s20 =	simm.s32 $0xD3D0  }
0x13: {  	s21 =	simm.s32 $0xD5D0;
	s22 =	simm.s32 $0x3;
	[dreg:$0x5] =	wrdreg s13  }
0x14: {  	s24 =	sshrl.u32 @!p0 s24, $0x3;
	s6 =	simm.s32 $0xD650;
	[dreg:$0x6] =	wrdreg s10  }
0x15: {  	s10 =	sadd.s32 s0, s23;
	s0 =	sadd.s32 s0, s3;
	[dreg:$0x9] =	wrdreg s26  }
0x16: {  	s13 =	sadd.s32 s25, s8;
	s23 =	simm.s32 $0x80;
	s25 =	simm.s32 $0xD450  }
0x17: {  	s26 =	simm.s32 $0xC350;
	s3 =	simm.s32 $0x2;
	s0 =	sadd.s32 $0x16E90, s0  }
0x18: {  	s8 =	simm.s32 $0x0;
	[dreg:$0x8] =	wrdreg s0;
	s0 =	sshll.u32 @!p0 s16, $0x6  }
0x19: {  	[dreg:$0x7] =	wrdreg s10;
	s16 =	sor.u32 @!p0 $0x1C05, s0;
	s0 =	simm.s32 $0xCB50  }
.LBB2_1:
0x1a: {  	s9 =	simm.s32 @p0 $0x1FC5  }
0x1b: {  	[spmem:s15], [sflag:s9] =	dma.local @p0 [hbm:s5], $0x1810  }
0x1c: {  	s9 =	simm.s32 @p0 $0x5  }
0x1d: {  	_ =	swait.ge @p0 [sflag:s9], $0x1810  }
0x1e: {  	[sflag:s9] =	ssyncset.done @p0 $0x0  }
0x1f: {  	[sflag:s9] =	ssyncadd.s32 @p0 $0xFFFFE7F0;
	s9 =	simm.s32 @!p0 $0x5  }
0x20: {  	[spmem:s17], [sflag:s16] =	dma.local @!p0 [hbm:s5], $0x1870  }
0x21: {  	_ =	swait.ge @!p0 [sflag:s9], $0x1870  }
0x22: {  	[sflag:s9] =	ssyncset.done @!p0 $0x0  }
0x23: {  	[sflag:s9] =	ssyncadd.s32 @!p0 $0xFFFFE790  }
0x24: {  	[bflag:$0x0] =	sbarrier.arrive $0xFFFF  }
0x25: {  	s11 =	rddreg [dreg:$0x3]  }
0x26: {  	[tilespmem:s18], [sflag:$0x3] =	stream.linear.gather [hbm4b:s11+s2], $0x80, $0x38;
	[tilespmem:$0xD6A0] =	vst v63  }
0x27: {  	s9 =	simm.s32 $0x0;
	s12 =	rddreg [dreg:$0x4]  }
0x28: {  	[tilespmem:s19], [sflag:$0x3] =	stream.linear.gather [hbm4b:s12+s2], $0x80, $0x38;
	[tilespmem:$0xD6A0] =	vst v63  }
.LBB2_2:
0x29: {  	p1 =	seq.s32 s9, $0x0  }
0x2a: {  	s10 =	simm.s32 @!p1 $0x2  }
0x2b: {  	_ =	swait.ge @!p1 [sflag:s10], $0x800  }
0x2c: {  	s11 =	simm.s32 @!p1 $0xD5D0;
	[sflag:s10] =	ssyncset.done @!p1 $0x0  }
0x2d: {  	s12 =	simm.s32 @!p1 $0xCB50;
	[sflag:s10] =	ssyncadd.s32 @!p1 $0xFFFFF800;
	s10 =	simm.s32 @!p1 $0x80  }
0x2e: {  	[spmem:s1] =	stream.indirect.scatter.add.bf16 @!p1 [tilespmem:s12], [sflag:$0x5], $0x10, s11, s10, $0xb8;
	[tilespmem:$0xD6A0] =	vst v63  }
0x2f: {  	s10 =	simm.s32 @!p1 $0x5  }
0x30: {  	_ =	swait.ge @!p1 [sflag:s10], $0x800  }
0x31: {  	s12 =	sadd.s32 s9, s14;
	[sflag:s10] =	ssyncset.done @!p1 $0x0  }
0x32: {  	s11 =	sadd.s32 $0x10, s12;
	s12 =	sadd.s32 s9, s13;
	[sflag:s10] =	ssyncadd.s32 @!p1 $0xFFFFF800  }
0x33: {  	[tilespmem:s20], [sflag:$0x4] =	stream.linear.gather [hbm4b:s11+s2], $0x80, $0x38;
	[tilespmem:$0xD6A0] =	vst v63  }
0x34: {  	s10 =	sadd.s32 $0x10, s12  }
0x35: {  	[tilespmem:s21], [sflag:$0x4] =	stream.linear.gather [hbm4b:s10+s2], $0x80, $0x38;
	[tilespmem:$0xD6A0] =	vst v63  }
0x36: {  	_ =	swait.ge [sflag:s22], $0x80  }
0x37: {  	[sflag:s22] =	ssyncset.done $0x0  }
0x38: {  	[sflag:s22] =	ssyncadd.s32 $0xFFFFFF80  }
0x39: {  	_ =	swait.ge [sflag:s22], $0x80  }
0x3a: {  	[sflag:s22] =	ssyncset.done $0x0  }
0x3b: {  	[sflag:s22] =	ssyncadd.s32 $0xFFFFFF80  }
0x3c: {  	v1 =	vld [tilespmem:$0xD350]  }
0x3d: {  	v2 =	vld [tilespmem:$0xD360]  }
0x3e: {  	v3 =	vld [tilespmem:$0xD370]  }
0x3f: {  	v4 =	vld [tilespmem:$0xD380]  }
0x40: {  	v5 =	vld [tilespmem:$0xD390]  }
0x41: {  	v6 =	vld [tilespmem:$0xD3A0];
	v1 =	vadd.s32 v0, v1  }
0x42: {  	[tilespmem:$0xD450] =	vst v1;
	v1 =	vadd.s32 v0, v2;
	v2 =	vld [tilespmem:$0xD3B0]  }
0x43: {  	[tilespmem:$0xD460] =	vst v1;
	v1 =	vadd.s32 v0, v3;
	v3 =	vld [tilespmem:$0xD3C0]  }
0x44: {  	[tilespmem:$0xD470] =	vst v1;
	v1 =	vadd.s32 v0, v4  }
0x45: {  	[tilespmem:$0xD480] =	vst v1;
	v1 =	vadd.s32 v0, v5  }
0x46: {  	[tilespmem:$0xD490] =	vst v1;
	v1 =	vadd.s32 v0, v6  }
0x47: {  	[tilespmem:$0xD4A0] =	vst v1;
	v1 =	vadd.s32 v0, v2  }
0x48: {  	[tilespmem:$0xD4B0] =	vst v1;
	v1 =	vadd.s32 v0, v3  }
0x49: {  	[tilespmem:$0xD4C0] =	vst v1  }
0x4a: {  	[tilespmem:s26], [sflag:$0x1] =	stream.indirect.gather [hbm4b:s4+s23], $0x10, s25, s23, $0xb8;
	[tilespmem:$0xD6A0] =	vst v63  }
0x4b: {  	_ =	swait.ge [sflag:s28], $0x80  }
0x4c: {  	[sflag:s28] =	ssyncset.done $0x0  }
0x4d: {  	[sflag:s28] =	ssyncadd.s32 $0xFFFFFF80  }
0x4e: {  	_ =	swait.ge [sflag:s28], $0x80  }
0x4f: {  	[sflag:s28] =	ssyncset.done $0x0  }
0x50: {  	[sflag:s28] =	ssyncadd.s32 $0xFFFFFF80  }
0x51: {  	v1 =	vld [tilespmem:$0xD3D0]  }
0x52: {  	v2 =	vld [tilespmem:$0xD3E0]  }
0x53: {  	v3 =	vld [tilespmem:$0xD3F0]  }
0x54: {  	v61 =	vld [tilespmem:$0xD400]  }
0x55: {  	v62 =	vld [tilespmem:$0xD410]  }
0x56: {  	v63 =	vld [tilespmem:$0xD420];
	v1 =	vadd.s32 v0, v1  }
0x57: {  	[tilespmem:$0xD4D0] =	vst v1;
	v1 =	vadd.s32 v0, v2;
	v2 =	vld [tilespmem:$0xD430]  }
0x58: {  	[tilespmem:$0xD4E0] =	vst v1;
	v1 =	vadd.s32 v0, v3;
	v3 =	vld [tilespmem:$0xD440]  }
0x59: {  	[tilespmem:$0xD4F0] =	vst v1;
	v1 =	vadd.s32 v0, v61  }
0x5a: {  	[tilespmem:$0xD500] =	vst v1;
	v1 =	vadd.s32 v0, v62  }
0x5b: {  	[tilespmem:$0xD510] =	vst v1;
	v1 =	vadd.s32 v0, v63  }
0x5c: {  	[tilespmem:$0xD520] =	vst v1;
	v1 =	vadd.s32 v0, v2  }
0x5d: {  	[tilespmem:$0xD530] =	vst v1;
	v1 =	vadd.s32 v0, v3  }
0x5e: {  	[tilespmem:$0xD540] =	vst v1  }
0x5f: {  	_ =	swait.ge [sflag:s29], $0x800  }
0x60: {  	[sflag:s29] =	ssyncset.done $0x0  }
0x61: {  	[sflag:s29] =	ssyncadd.s32 $0xFFFFF800  }
0x62: {  	[spmem:s1] =	stream.indirect.scatter.add.bf16 [tilespmem:s26], [sflag:$0x5], $0x10, s19, s23, $0xb8;
	[tilespmem:$0xD6A0] =	vst v63  }
0x63: {  	_ =	swait.ge [sflag:s30], $0x800  }
0x64: {  	p1 =	seq.s32 s9, $0x1840;
	[sflag:s30] =	ssyncset.done $0x0  }
0x65: {  	s10 =	sadd.s32 @!p1 s9, s14;
	[sflag:s30] =	ssyncadd.s32 $0xFFFFF800  }
0x66: {  	[tilespmem:s0], [sflag:$0x2] =	stream.indirect.gather [hbm4b:s4+s23], $0x10, s31, s23, $0xb8;
	[tilespmem:$0xD6A0] =	vst v63  }
0x67: {  	s11 =	simm.s32 @!p1 $0x0;
	s12 =	simm.s32 @!p1 $0xD350;
	s10 =	sadd.s32 @!p1 $0x20, s10  }
0x68: {  	[tilespmem:s12], [sflag:$0x3] =	stream.linear.gather @!p1 [hbm4b:s10+s11], $0x80, $0x38;
	[tilespmem:$0xD6A0] =	vst v63  }
0x69: {  	s10 =	sadd.s32 @!p1 s9, s13;
	s9 =	sadd.s32 @!p1 $0x20, s9  }
0x6a: {  	s12 =	simm.s32 @!p1 $0xD550;
	s10 =	sadd.s32 @!p1 $0x20, s10;
	p2 =	sne.s32 @!p1 s9, $0x1860  }
0x6b: {  	[tilespmem:s12], [sflag:$0x3] =	stream.linear.gather @!p1 [hbm4b:s10+s11], $0x80, $0x38;
	[tilespmem:$0xD6A0] =	vst v63  }
0x6c: {  	p1 =	por p1, !p2  }
.Ltmp0:
0x6d: {  	_ = 	snop;
	(pc) =	sbr.rel @!p1 .LBB2_2-.Ltmp0, $1  }
0x6e: {  	_ =	sdelay $0x3  }
0x6f: {  	_ =	swait.ge [sflag:s3], $0x800  }
0x70: {  	[sflag:s3] =	ssyncset.done $0x0  }
0x71: {  	[sflag:s3] =	ssyncadd.s32 $0xFFFFF800  }
0x72: {  	[spmem:s1] =	stream.indirect.scatter.add.bf16 [tilespmem:s0], [sflag:$0x5], $0x10, s21, s23, $0xb8;
	[tilespmem:$0xD6A0] =	vst v63  }
0x73: {  	_ =	swait.ge [sflag:s30], $0x800  }
0x74: {  	[sflag:s30] =	ssyncset.done $0x0  }
0x75: {  	s9 =	rddreg [dreg:$0x5];
	[sflag:s30] =	ssyncadd.s32 $0xFFFFF800  }
0x76: {  	[tilespmem:s18], [sflag:$0x5] =	stream.linear.gather [hbm4b:s9+s2], $0x50, $0x38;
	[tilespmem:$0xD6A0] =	vst v63  }
0x77: {  	_ =	swait.ge [sflag:s30], $0x50  }
0x78: {  	[sflag:s30] =	ssyncset.done $0x0  }
0x79: {  	s11 =	rddreg [dreg:$0x6];
	[sflag:s30] =	ssyncadd.s32 $0xFFFFFFB0  }
0x7a: {  	[tilespmem:s6], [sflag:$0x5] =	stream.linear.gather [hbm4b:s11+s2], $0x50, $0x38;
	[tilespmem:$0xD6A0] =	vst v63  }
0x7b: {  	_ =	swait.ge [sflag:s30], $0x50  }
0x7c: {  	[sflag:s30] =	ssyncset.done $0x0  }
0x7d: {  	[sflag:s30] =	ssyncadd.s32 $0xFFFFFFB0  }
0x7e: {  	v1 =	vld [tilespmem:$0xD350]  }
0x7f: {  	v2 =	vld [tilespmem:$0xD360]  }
0x80: {  	v3 =	vld [tilespmem:$0xD370]  }
0x81: {  	v4 =	vld [tilespmem:$0xD380]  }
0x82: {  	v5 =	vld [tilespmem:$0xD390]  }
0x83: {  	v1 =	vadd.s32 v0, v1  }
0x84: {  	[tilespmem:$0xD450] =	vst v1;
	v1 =	vadd.s32 v0, v2  }
0x85: {  	[tilespmem:$0xD460] =	vst v1;
	v1 =	vadd.s32 v0, v3  }
0x86: {  	[tilespmem:$0xD470] =	vst v1;
	v1 =	vadd.s32 v0, v4  }
0x87: {  	[tilespmem:$0xD480] =	vst v1;
	v1 =	vadd.s32 v0, v5  }
0x88: {  	[tilespmem:$0xD490] =	vst v1  }
0x89: {  	[tilespmem:s26], [sflag:$0x1] =	stream.indirect.gather [hbm4b:s4+s7], $0x10, s25, s7, $0xb8;
	[tilespmem:$0xD6A0] =	vst v63  }
0x8a: {  	_ =	swait.ge [sflag:s29], $0x500  }
0x8b: {  	[sflag:s29] =	ssyncset.done $0x0  }
0x8c: {  	[sflag:s29] =	ssyncadd.s32 $0xFFFFFB00  }
0x8d: {  	[spmem:s1] =	stream.indirect.scatter.add.bf16 [tilespmem:s26], [sflag:$0x5], $0x10, s6, s7, $0xb8;
	[tilespmem:$0xD6A0] =	vst v63  }
0x8e: {  	_ =	swait.ge [sflag:s30], $0x500  }
0x8f: {  	[sflag:s30] =	ssyncset.done $0x0  }
0x90: {  	[sflag:s30] =	ssyncadd.s32 $0xFFFFFB00  }
0x91: {  	[bflag:$0x0] =	sbarrier.arrive $0xFFFF  }
0x92: {  	s9 =	simm.s32 @p0 $0x1FC5;
	s10 =	rddreg [dreg:$0x8]  }
0x93: {  	[hbm:s10], [sflag:s9] =	dma.local @p0 [spmem:s15], $0x1810  }
0x94: {  	s9 =	simm.s32 @p0 $0x5  }
0x95: {  	_ =	swait.ge @p0 [sflag:s9], $0x1810  }
0x96: {  	[sflag:s9] =	ssyncset.done @p0 $0x0  }
0x97: {  	[sflag:s9] =	ssyncadd.s32 @p0 $0xFFFFE7F0;
	s9 =	rddreg [dreg:$0x7]  }
0x98: {  	[hbm:s9], [sflag:s16] =	dma.local @!p0 [spmem:s24], $0x1870  }
0x99: {  	s9 =	simm.s32 @!p0 $0x5  }
0x9a: {  	_ =	swait.ge @!p0 [sflag:s9], $0x1870  }
0x9b: {  	s8 =	sadd.s32 $0x1, s8;
	s12 =	rddreg [dreg:$0x9]  }
0x9c: {  	p1 =	sne.s32 s8, s12  }
.Ltmp1:
0x9d: {  	_ = 	snop;
	(pc) =	sbr.rel @p1 .LBB2_1-.Ltmp1, $3  }
0x9e: {  	_ =	sdelay $0x1  }
0x9f: {  	[sflag:s9] =	ssyncset.done @!p0 $0x0  }
0xa0: {  	[sflag:s9] =	ssyncadd.s32 @!p0 $0xFFFFE790  }
0xa1: {  	_ =	sfence.sel $0x180000  }
0xa2: {  	[bflag:$0x0] =	sbarrier.arrive $0xFFFF  }
0xa3: {  	_ =	strace $0x90000050  }
0xa4: {  	s0 =	stileid.u32;
	[bflag:$0x2] =	sbarrier.arrive $0xFFFF  }
0xa5: {  	p0 =	sne.s32 s0, $0x0;
	s0 =	rddreg [dreg:$0x2]  }
0xa6: {  	s0 =	sadd.s32 @!p0 $0x100000, s0  }
0xa7: {  	[sflag:s0] =	ssyncadd.tile.s32 @!p0 $0x1;
	_ =	shalt  }
.Lfunc_end2:
_tile_overlayer_lowered:
.L_overlay_start_2:
0xa8: {  	(tag) =	ssettag $0x2  }
0xa9: {  	s0 =	rddreg [dreg:$0x0];
	s2 =	stileid.u32  }
0xaa: {  	s1 =	rddreg [dreg:$0x1];
	p0 =	sne.s32 s2, $0x0  }
0xab: {  	s3 =	rddreg [dreg:$0x2];
	[bflag:$0x3] =	sbarrier.arrive $0xFFFF;
	s2 =	simm.s32 @!p0 $0x1C05  }
0xac: {  	[timem:s3], [sflag:s2] =	dma.local @!p0 [hbm:s0], s1  }
0xad: {  	s0 =	simm.s32 @!p0 $0x5  }
0xae: {  	_ =	swait.ge @!p0 [sflag:s0], s1  }
0xaf: {  	s1 =	ssub.s32 @!p0 $0x0, s1;
	[sflag:s0] =	ssyncset.done @!p0 $0x0  }
0xb0: {  	[sflag:s0] =	ssyncadd.s32 @!p0 s1  }
0xb1: {  	[bflag:$0x3] =	sbarrier.arrive $0xFFFF  }
0xb2: {  	_ =	shalt  }

</sc_bundles>
